<compile_context>
chip_gen: v7x
topology: tpu7x:2x2x1
jax: 0.10.2.dev20260603
libtpu: 0.0.44.dev20260713+nightly
codegen_flags: <defaults>
</compile_context>

<pallas_src>
import functools

import jax
import jax.numpy as jnp
from jax import lax
from jax.experimental import pallas as pl
from jax.experimental.pallas import tpu as pltpu
from jax.experimental.pallas import tpu_sc as plsc

N = 10000
D = 256
HALF = 128
E = 160000
NC = 2
NS = 16
CH = 128
ROWS = 80
EPAD = NS * ROWS * CH
AG_CH = 64
AG_HR = 80
TRASH = N
NA = 10240
RPS = NA // NS
BM = 400

_mesh = plsc.VectorSubcoreMesh(
    core_axis_name="c", subcore_axis_name="s", num_cores=NC, num_subcores=NS)


def _zero_rows(ref, nrows, ncols):
    z = jnp.zeros((16,), jnp.float32)

    def body(r, _):
        for col in range(ncols // 16):
            ref[r, pl.ds(col * 16, 16)] = z
        return 0

    lax.fori_loop(0, nrows, body, 0)


@functools.partial(
    pl.kernel,
    out_type=jax.ShapeDtypeStruct((N,), jnp.float32),
    mesh=_mesh,
    scratch_types=[
        pltpu.VMEM((ROWS, CH), jnp.int32),
        pltpu.VMEM((CH,), jnp.float32),
        pltpu.VMEM((NA,), jnp.float32),
        pltpu.VMEM_SHARED((NA,), jnp.float32),
    ],
)
def _sc_deg(dst_hbm, out_hbm, idx_v, ones_v, stage_v, acc_sh):
    c = lax.axis_index("c")
    s = lax.axis_index("s")

    @pl.when(c == 0)
    def _core0():
        one = jnp.ones((16,), jnp.float32)
        for i in range(CH // 16):
            ones_v[pl.ds(i * 16, 16)] = one

        @pl.when(s == 0)
        def _zero():
            z = jnp.zeros((16,), jnp.float32)

            def zb(i, _):
                stage_v[pl.ds(i * 16, 16)] = z
                return 0

            lax.fori_loop(0, NA // 16, zb, 0)
            pltpu.sync_copy(stage_v, acc_sh)

        plsc.subcore_barrier()
        pltpu.sync_copy(dst_hbm.at[pl.ds(s * ROWS, ROWS)], idx_v)

        def body(j, _):
            pltpu.sync_copy(ones_v, acc_sh.at[idx_v.at[j]], add=True)
            return 0

        lax.fori_loop(0, ROWS, body, 0)
        plsc.subcore_barrier()

        @pl.when(s == 0)
        def _drain():
            pltpu.sync_copy(acc_sh.at[pl.ds(0, N)], stage_v.at[pl.ds(0, N)])
            pltpu.sync_copy(stage_v.at[pl.ds(0, N)], out_hbm)


@functools.partial(
    pl.kernel,
    out_type=jax.ShapeDtypeStruct((NC * NA, HALF), jnp.float32),
    mesh=_mesh,
    scratch_types=[
        pltpu.VMEM((AG_HR, CH), jnp.int32),
        pltpu.VMEM((AG_CH, HALF), jnp.float32),
        pltpu.VMEM((AG_CH, HALF), jnp.float32),
        pltpu.VMEM((AG_CH, HALF), jnp.float32),
        pltpu.VMEM((AG_CH, HALF), jnp.float32),
        pltpu.VMEM_SHARED((NA, HALF), jnp.float32),
        pltpu.SemaphoreType.DMA,
        pltpu.SemaphoreType.DMA,
        pltpu.SemaphoreType.DMA,
        pltpu.SemaphoreType.DMA,
        pltpu.SemaphoreType.DMA,
        pltpu.SemaphoreType.DMA,
        pltpu.SemaphoreType.DMA,
        pltpu.SemaphoreType.DMA,
    ],
)
def _sc_agg(y_hbm, srcr_hbm, dstr_hbm, out_hbm, idx, st0, st1, st2,
            st3, acc, gs0, gs1, gs2, gs3, ss0, ss1, ss2, ss3):
    c = lax.axis_index("c")
    s = lax.axis_index("s")
    sts = (st0, st1, st2, st3)
    gss = (gs0, gs1, gs2, gs3)
    sss = (ss0, ss1, ss2, ss3)

    _zero_rows(st0, AG_CH, HALF)

    def zcopy(t, _):
        pltpu.sync_copy(st0, acc.at[pl.ds(s * RPS + t * AG_CH, AG_CH)])
        return 0

    lax.fori_loop(0, RPS // AG_CH, zcopy, 0)
    plsc.subcore_barrier()

    hrw = AG_HR // 2
    for p in range(2):
        pltpu.sync_copy(
            srcr_hbm.at[pl.ds(((c * NS + s) * 2 + p) * hrw, hrw)],
            idx.at[pl.ds(0, hrw)])
        pltpu.sync_copy(
            dstr_hbm.at[pl.ds((s * 2 + p) * hrw, hrw)],
            idx.at[pl.ds(hrw, hrw)])
        for k in range(4):
            pltpu.async_copy(
                y_hbm.at[idx.at[k // 2, pl.ds((k % 2) * AG_CH, AG_CH)]],
                sts[k], gss[k])

        def body(i, _):
            for k in range(4):
                r = i * 2 + k // 2
                col = (k % 2) * AG_CH
                src_ix = idx.at[r, pl.ds(col, AG_CH)]
                dst_ix = idx.at[hrw + r, pl.ds(col, AG_CH)]
                pltpu.make_async_copy(y_hbm.at[src_ix], sts[k],
                                      gss[k]).wait()
                pltpu.async_copy(sts[k], acc.at[dst_ix], sss[k],
                                 add=True).wait()

                @pl.when(r + 2 < hrw)
                def _():
                    pltpu.async_copy(
                        y_hbm.at[idx.at[r + 2, pl.ds(col, AG_CH)]],
                        sts[k], gss[k])

            return 0

        lax.fori_loop(0, AG_HR // 4, body, 0)
    plsc.subcore_barrier()

    def drain(t, _):
        r0 = s * RPS + t * AG_CH
        pltpu.sync_copy(acc.at[pl.ds(r0, AG_CH)], st0)
        pltpu.sync_copy(st0, out_hbm.at[pl.ds(c * NA + r0, AG_CH)])
        return 0

    lax.fori_loop(0, RPS // AG_CH, drain, 0)


def _tc_first(emb, W1, deg):

    def body(emb_ref, w_ref, deg_ref, y_ref, dis_ref):
        dis = lax.rsqrt(deg_ref[...] + 1.0)
        xw = jnp.dot(emb_ref[...], w_ref[...],
                     preferred_element_type=jnp.float32)
        y = xw * dis
        y_ref[0] = y[:, :HALF]
        y_ref[1] = y[:, HALF:]
        dis_ref[...] = dis

    return pl.pallas_call(
        body,
        grid=(N // BM,),
        in_specs=[
            pl.BlockSpec((BM, D), lambda i: (i, 0)),
            pl.BlockSpec((D, D), lambda i: (0, 0)),
            pl.BlockSpec((BM, 1), lambda i: (i, 0)),
        ],
        out_specs=[
            pl.BlockSpec((2, BM, HALF), lambda i: (0, i, 0)),
            pl.BlockSpec((BM, 1), lambda i: (i, 0)),
        ],
        out_shape=[
            jax.ShapeDtypeStruct((2, N, HALF), jnp.float32),
            jax.ShapeDtypeStruct((N, 1), jnp.float32),
        ],
    )(emb, W1, deg)


def _tc_mid(agg, y, dis, b, W):

    def body(agg_ref, y_ref, dis_ref, b_ref, w_ref, o_ref):
        a = jnp.concatenate([agg_ref[0] + y_ref[0], agg_ref[1] + y_ref[1]],
                            axis=1)
        dis = dis_ref[...]
        h = jnp.maximum(dis * a + b_ref[...], 0.0)
        t = jnp.dot(h, w_ref[...], preferred_element_type=jnp.float32) * dis
        o_ref[0] = t[:, :HALF]
        o_ref[1] = t[:, HALF:]

    return pl.pallas_call(
        body,
        grid=(N // BM,),
        in_specs=[
            pl.BlockSpec((2, BM, HALF), lambda i: (0, i, 0)),
            pl.BlockSpec((2, BM, HALF), lambda i: (0, i, 0)),
            pl.BlockSpec((BM, 1), lambda i: (i, 0)),
            pl.BlockSpec((1, D), lambda i: (0, 0)),
            pl.BlockSpec((D, D), lambda i: (0, 0)),
        ],
        out_specs=pl.BlockSpec((2, BM, HALF), lambda i: (0, i, 0)),
        out_shape=jax.ShapeDtypeStruct((2, N, HALF), jnp.float32),
    )(agg, y, dis, b, W)


def _tc_last(agg, y, dis, b):

    def body(agg_ref, y_ref, dis_ref, b_ref, o_ref):
        a = jnp.concatenate([agg_ref[0] + y_ref[0], agg_ref[1] + y_ref[1]],
                            axis=1)
        o_ref[...] = jnp.maximum(dis_ref[...] * a + b_ref[...], 0.0)

    return pl.pallas_call(
        body,
        grid=(N // BM,),
        in_specs=[
            pl.BlockSpec((2, BM, HALF), lambda i: (0, i, 0)),
            pl.BlockSpec((2, BM, HALF), lambda i: (0, i, 0)),
            pl.BlockSpec((BM, 1), lambda i: (i, 0)),
            pl.BlockSpec((1, D), lambda i: (0, 0)),
        ],
        out_specs=pl.BlockSpec((BM, D), lambda i: (i, 0)),
        out_shape=jax.ShapeDtypeStruct((N, D), jnp.float32),
    )(agg, y, dis, b)


def kernel(edge_index, emb, W1, b1, W2, b2):
    src = edge_index[0].astype(jnp.int32)
    dst = edge_index[1].astype(jnp.int32)
    pad = EPAD - E
    src_p = jnp.concatenate([src, jnp.zeros((pad,), jnp.int32)])
    dst_p = jnp.concatenate([dst, jnp.full((pad,), TRASH, jnp.int32)])
    src_rows = jnp.stack([src_p, src_p + N]).reshape(NC * NS * ROWS, CH)
    dst_rows = dst_p.reshape(NS * ROWS, CH)
    dst_rows_agg = dst_rows

    deg = _sc_deg(dst_rows).reshape(N, 1)
    y1, dis = _tc_first(emb, W1, deg)
    agg1 = _sc_agg(y1.reshape(NC * N, HALF), src_rows, dst_rows_agg)
    y2 = _tc_mid(agg1.reshape(NC, NA, HALF), y1, dis,
                 b1.reshape(1, D), W2)
    agg2 = _sc_agg(y2.reshape(NC * N, HALF), src_rows, dst_rows_agg)
    return _tc_last(agg2.reshape(NC, NA, HALF), y2, dis, b2.reshape(1, D))

# --- scband reference (transcript-rebuilt; emitter-appended) ---
"""Pipeline reference for scband-gcn-38903813767793 (READ-ONLY COPY).

The authoritative reference and input builder live on the scoring server;
editing this copy changes nothing except your own understanding.
"""

import jax, jax.numpy as jnp
import numpy as np

NUM_NODES = 10000
EMBED_DIM = 256
HIDDEN = 256
NUM_EDGES = 160000


def setup_inputs(seed: int = 0) -> dict:
    key = jax.random.key(seed)
    k1, k2, k3, k4, k5, k6 = jax.random.split(key, 6)
    edge_index = jax.random.randint(k1, (2, NUM_EDGES), 0, NUM_NODES, dtype=jnp.int64 if jax.config.jax_enable_x64 else jnp.int32)
    emb = jax.random.normal(k2, (NUM_NODES, EMBED_DIM), dtype=jnp.float32)
    W1 = jax.random.normal(k3, (EMBED_DIM, HIDDEN), dtype=jnp.float32) * (1.0 / np.sqrt(EMBED_DIM))
    b1 = jnp.zeros((HIDDEN,), dtype=jnp.float32)
    W2 = jax.random.normal(k4, (HIDDEN, HIDDEN), dtype=jnp.float32) * (1.0 / np.sqrt(HIDDEN))
    b2 = jnp.zeros((HIDDEN,), dtype=jnp.float32)
    return {"edge_index": edge_index, "emb": emb, "W1": W1, "b1": b1, "W2": W2, "b2": b2}


def _gcn_conv(x, edge_index, W, b, num_nodes):
    # PyG GCNConv: add self-loops, symmetric normalization D^-1/2 (A+I) D^-1/2, then x@W, scatter-add, +bias
    src = edge_index[0]
    dst = edge_index[1]
    loop = jnp.arange(num_nodes, dtype=src.dtype)
    src = jnp.concatenate([src, loop])
    dst = jnp.concatenate([dst, loop])
    deg = jnp.zeros((num_nodes,), dtype=x.dtype).at[dst].add(1.0)
    deg_inv_sqrt = jnp.where(deg > 0, 1.0 / jnp.sqrt(deg), 0.0)
    norm = deg_inv_sqrt[src] * deg_inv_sqrt[dst]
    xw = x @ W
    msg = xw[src] * norm[:, None]
    out = jnp.zeros((num_nodes, W.shape[1]), dtype=x.dtype).at[dst].add(msg)
    return out + b


def reference(edge_index, emb, W1, b1, W2, b2):
    x = emb
    x = jax.nn.relu(_gcn_conv(x, edge_index, W1, b1, NUM_NODES))
    x = jax.nn.relu(_gcn_conv(x, edge_index, W2, b2, NUM_NODES))
    return x

if __name__ == "__main__":
    import jax
    _d = setup_inputs()
    print(jax.jit(kernel)(*tuple(_d.values())))

</pallas_src>

<mosaic_0001>
#map = affine_map<(d0, d1) -> (0, 0)>
#map1 = affine_map<(d0, d1) -> (0)>
module attributes {stable_mosaic.version = 14 : i64} {
  func.func @_sc_deg(%arg0: i32, %arg1: i32, %arg2: memref<1280x128xi32, #tpu.memory_space<hbm>>, %arg3: memref<10000xf32, #tpu.memory_space<hbm>>, %arg4: memref<80x128xi32, #tpu.memory_space<vmem>>, %arg5: memref<128xf32, #tpu.memory_space<vmem>>, %arg6: memref<10240xf32, #tpu.memory_space<vmem>>, %arg7: memref<10240xf32, #tpu.memory_space<vmem_shared>>) attributes {dimension_semantics = [#tpu.dimension_semantics<core_parallel>, #tpu.dimension_semantics<subcore_parallel>], iteration_bounds = array<i64: 2, 16>, scalar_prefetch = 0 : i64, scratch_operands = 4 : i64, tpu.core_type = #tpu.core_type<sc_vector_subcore>, window_params = [{transform_indices = #map}, {transform_indices = #map1}]} {
    %eq3A = arith.constant 0 : i32
    %eq3A_0 = arith.cmpi eq, %arg0, %eq3A : i32
    %convert_element_type3A = arith.extui %eq3A_0 : i1 to i32
    %cond3A = arith.constant 0 : i32
    %cond3A_1 = arith.cmpi ne, %convert_element_type3A, %cond3A : i32
    scf.if %cond3A_1 {
      %broadcast_in_dim3A = arith.constant 1.000000e+00 : f32
      %broadcast_in_dim3A_2 = vector.broadcast %broadcast_in_dim3A : f32 to vector<16xf32>
      %swap3A = arith.constant 0 : index
      %swap3A_3 = tpu.vector_load %arg5[%swap3A] {strides = array<i32>} : memref<128xf32, #tpu.memory_space<vmem>>, vector<16xf32>,
      %swap3A_4 = vector.shape_cast %swap3A_3 : vector<16xf32> to vector<16xf32>
      %swap3A_5 = vector.shape_cast %broadcast_in_dim3A_2 : vector<16xf32> to vector<16xf32>
      tpu.vector_store %arg5[%swap3A], %swap3A_5 {strides = array<i32>} : memref<128xf32, #tpu.memory_space<vmem>>, vector<16xf32>,
      %swap3A_6 = arith.constant 16 : index
      %swap3A_7 = tpu.vector_load %arg5[%swap3A_6] {strides = array<i32>} : memref<128xf32, #tpu.memory_space<vmem>>, vector<16xf32>,
      %swap3A_8 = vector.shape_cast %swap3A_7 : vector<16xf32> to vector<16xf32>
      %swap3A_9 = vector.shape_cast %broadcast_in_dim3A_2 : vector<16xf32> to vector<16xf32>
      tpu.vector_store %arg5[%swap3A_6], %swap3A_9 {strides = array<i32>} : memref<128xf32, #tpu.memory_space<vmem>>, vector<16xf32>,
      %swap3A_10 = arith.constant 32 : index
      %swap3A_11 = tpu.vector_load %arg5[%swap3A_10] {strides = array<i32>} : memref<128xf32, #tpu.memory_space<vmem>>, vector<16xf32>,
      %swap3A_12 = vector.shape_cast %swap3A_11 : vector<16xf32> to vector<16xf32>
      %swap3A_13 = vector.shape_cast %broadcast_in_dim3A_2 : vector<16xf32> to vector<16xf32>
      tpu.vector_store %arg5[%swap3A_10], %swap3A_13 {strides = array<i32>} : memref<128xf32, #tpu.memory_space<vmem>>, vector<16xf32>,
      %swap3A_14 = arith.constant 48 : index
      %swap3A_15 = tpu.vector_load %arg5[%swap3A_14] {strides = array<i32>} : memref<128xf32, #tpu.memory_space<vmem>>, vector<16xf32>,
      %swap3A_16 = vector.shape_cast %swap3A_15 : vector<16xf32> to vector<16xf32>
      %swap3A_17 = vector.shape_cast %broadcast_in_dim3A_2 : vector<16xf32> to vector<16xf32>
      tpu.vector_store %arg5[%swap3A_14], %swap3A_17 {strides = array<i32>} : memref<128xf32, #tpu.memory_space<vmem>>, vector<16xf32>,
      %swap3A_18 = arith.constant 64 : index
      %swap3A_19 = tpu.vector_load %arg5[%swap3A_18] {strides = array<i32>} : memref<128xf32, #tpu.memory_space<vmem>>, vector<16xf32>,
      %swap3A_20 = vector.shape_cast %swap3A_19 : vector<16xf32> to vector<16xf32>
      %swap3A_21 = vector.shape_cast %broadcast_in_dim3A_2 : vector<16xf32> to vector<16xf32>
      tpu.vector_store %arg5[%swap3A_18], %swap3A_21 {strides = array<i32>} : memref<128xf32, #tpu.memory_space<vmem>>, vector<16xf32>,
      %swap3A_22 = arith.constant 80 : index
      %swap3A_23 = tpu.vector_load %arg5[%swap3A_22] {strides = array<i32>} : memref<128xf32, #tpu.memory_space<vmem>>, vector<16xf32>,
      %swap3A_24 = vector.shape_cast %swap3A_23 : vector<16xf32> to vector<16xf32>
      %swap3A_25 = vector.shape_cast %broadcast_in_dim3A_2 : vector<16xf32> to vector<16xf32>
      tpu.vector_store %arg5[%swap3A_22], %swap3A_25 {strides = array<i32>} : memref<128xf32, #tpu.memory_space<vmem>>, vector<16xf32>,
      %swap3A_26 = arith.constant 96 : index
      %swap3A_27 = tpu.vector_load %arg5[%swap3A_26] {strides = array<i32>} : memref<128xf32, #tpu.memory_space<vmem>>, vector<16xf32>,
      %swap3A_28 = vector.shape_cast %swap3A_27 : vector<16xf32> to vector<16xf32>
      %swap3A_29 = vector.shape_cast %broadcast_in_dim3A_2 : vector<16xf32> to vector<16xf32>
      tpu.vector_store %arg5[%swap3A_26], %swap3A_29 {strides = array<i32>} : memref<128xf32, #tpu.memory_space<vmem>>, vector<16xf32>,
      %swap3A_30 = arith.constant 112 : index
      %swap3A_31 = tpu.vector_load %arg5[%swap3A_30] {strides = array<i32>} : memref<128xf32, #tpu.memory_space<vmem>>, vector<16xf32>,
      %swap3A_32 = vector.shape_cast %swap3A_31 : vector<16xf32> to vector<16xf32>
      %swap3A_33 = vector.shape_cast %broadcast_in_dim3A_2 : vector<16xf32> to vector<16xf32>
      tpu.vector_store %arg5[%swap3A_30], %swap3A_33 {strides = array<i32>} : memref<128xf32, #tpu.memory_space<vmem>>, vector<16xf32>,
      %eq3A_34 = arith.constant 0 : i32
      %eq3A_35 = arith.cmpi eq, %arg1, %eq3A_34 : i32
      %convert_element_type3A_36 = arith.extui %eq3A_35 : i1 to i32
      %cond3A_37 = arith.constant 0 : i32
      %cond3A_38 = arith.cmpi ne, %convert_element_type3A_36, %cond3A_37 : i32
      scf.if %cond3A_38 {
        %broadcast_in_dim3A_52 = arith.constant 0.000000e+00 : f32
        %broadcast_in_dim3A_53 = vector.broadcast %broadcast_in_dim3A_52 : f32 to vector<16xf32>
        %scan3A_54 = arith.constant 0 : i32
        %scan3A_55 = arith.constant 0 : i32
        %scan3A_56 = arith.constant 640 : i32
        %scan3A_57 = arith.addi %scan3A_55, %scan3A_56 : i32
        %scan3A_58 = arith.constant 1 : i32
        %scan3A_59 = scf.for %scan3A_61 = %scan3A_55 to %scan3A_57 step %scan3A_58 iter_args(%scan3A_62 = %scan3A_54) -> (i32)  : i32 {
          %mul3A_63 = arith.constant 16 : i32
          %mul3A_64 = arith.muli %scan3A_61, %mul3A_63 : i32
          %swap3A_65 = arith.index_cast %mul3A_64 : i32 to index
          %swap3A_66 = tpu.vector_load %arg6[%swap3A_65] {strides = array<i32>} : memref<10240xf32, #tpu.memory_space<vmem>>, vector<16xf32>,
          %swap3A_67 = vector.shape_cast %swap3A_66 : vector<16xf32> to vector<16xf32>
          %swap3A_68 = vector.shape_cast %broadcast_in_dim3A_53 : vector<16xf32> to vector<16xf32>
          tpu.vector_store %arg6[%swap3A_65], %swap3A_68 {strides = array<i32>} : memref<10240xf32, #tpu.memory_space<vmem>>, vector<16xf32>,
          %scan3A_69 = arith.constant 0 : i32
          scf.yield %scan3A_69 : i32
        }
        %scan3A_60 = arith.constant 640 : i32
        "tpu.region"() ({
          %run_scoped3A = tpu.sem_alloc : memref<!tpu.dma_semaphore, #tpu.memory_space<semaphore_mem>>
          tpu.enqueue_dma source(%arg6 : memref<10240xf32, #tpu.memory_space<vmem>>) target(%arg7 : memref<10240xf32, #tpu.memory_space<vmem_shared>>) target_semaphore(%run_scoped3A : memref<!tpu.dma_semaphore, #tpu.memory_space<semaphore_mem>>)
          tpu.wait_dma2 semaphore(%run_scoped3A : memref<!tpu.dma_semaphore, #tpu.memory_space<semaphore_mem>>) src(%arg6 : memref<10240xf32, #tpu.memory_space<vmem>>) dst(%arg7 : memref<10240xf32, #tpu.memory_space<vmem_shared>>)
          tpu.yield
        }) : () -> ()
      } else {
      }
      %barrier3A = arith.constant 0 : index
      tpu.barrier barrier_id(%barrier3A)
      %mul3A = arith.constant 80 : i32
      %mul3A_39 = arith.muli %arg1, %mul3A : i32
      "tpu.region"() ({
        %run_scoped3A = tpu.sem_alloc : memref<!tpu.dma_semaphore, #tpu.memory_space<semaphore_mem>>
        %dma_start3A = arith.constant 0 : i32
        %dma_start3A_52 = tpu.memref_slice %arg2[%mul3A_39, %dma_start3A] : memref<1280x128xi32, #tpu.memory_space<hbm>> -> memref<80x128xi32, #tpu.memory_space<hbm>>
        %dma_start3A_53 = arith.constant 0 : i32
        %dma_start3A_54 = tpu.memref_slice %arg2[%mul3A_39, %dma_start3A_53] : memref<1280x128xi32, #tpu.memory_space<hbm>> -> memref<80x128xi32, #tpu.memory_space<hbm>>
        tpu.enqueue_dma source(%dma_start3A_54 : memref<80x128xi32, #tpu.memory_space<hbm>>) target(%arg4 : memref<80x128xi32, #tpu.memory_space<vmem>>) target_semaphore(%run_scoped3A : memref<!tpu.dma_semaphore, #tpu.memory_space<semaphore_mem>>)
        %dma_wait3A = arith.constant 0 : i32
        %dma_wait3A_55 = tpu.memref_slice %arg2[%mul3A_39, %dma_wait3A] : memref<1280x128xi32, #tpu.memory_space<hbm>> -> memref<80x128xi32, #tpu.memory_space<hbm>>
        %dma_wait3A_56 = arith.constant 0 : i32
        %dma_wait3A_57 = tpu.memref_slice %arg2[%mul3A_39, %dma_wait3A_56] : memref<1280x128xi32, #tpu.memory_space<hbm>> -> memref<80x128xi32, #tpu.memory_space<hbm>>
        tpu.wait_dma2 semaphore(%run_scoped3A : memref<!tpu.dma_semaphore, #tpu.memory_space<semaphore_mem>>) src(%dma_wait3A_57 : memref<80x128xi32, #tpu.memory_space<hbm>>) dst(%arg4 : memref<80x128xi32, #tpu.memory_space<vmem>>)
        tpu.yield
      }) : () -> ()
      %scan3A = arith.constant 0 : i32
      %scan3A_40 = arith.constant 0 : i32
      %scan3A_41 = arith.constant 80 : i32
      %scan3A_42 = arith.addi %scan3A_40, %scan3A_41 : i32
      %scan3A_43 = arith.constant 1 : i32
      %scan3A_44 = scf.for %scan3A_52 = %scan3A_40 to %scan3A_42 step %scan3A_43 iter_args(%scan3A_53 = %scan3A) -> (i32)  : i32 {
        "tpu.region"() ({
          %run_scoped3A = tpu.sem_alloc : memref<!tpu.dma_semaphore, #tpu.memory_space<semaphore_mem>>
          %dma_start3A = arith.constant 0 : i32
          %dma_start3A_55 = tpu.memref_slice %arg4[%scan3A_52, %dma_start3A] : memref<80x128xi32, #tpu.memory_space<vmem>> -> memref<1x128xi32, #tpu.memory_space<vmem>>
          %dma_start3A_56 = tpu.memref_squeeze %dma_start3A_55 : memref<1x128xi32, #tpu.memory_space<vmem>> -> memref<128xi32, #tpu.memory_space<vmem>>
          %dma_start3A_57 = arith.constant 0 : i32
          %dma_start3A_58 = tpu.memref_slice %arg7[%dma_start3A_57] : memref<10240xf32, #tpu.memory_space<vmem_shared>> -> memref<10240xf32, #tpu.memory_space<vmem_shared>>
          tpu.enqueue_indirect_dma source(%arg5 : memref<128xf32, #tpu.memory_space<vmem>>) target(%dma_start3A_58 : memref<10240xf32, #tpu.memory_space<vmem_shared>>) offsets(%dma_start3A_56 : memref<128xi32, #tpu.memory_space<vmem>>) semaphore(%run_scoped3A : memref<!tpu.dma_semaphore, #tpu.memory_space<semaphore_mem>>) {add = true}
          %dma_wait3A = arith.constant 0 : i32
          %dma_wait3A_59 = tpu.memref_slice %arg4[%scan3A_52, %dma_wait3A] : memref<80x128xi32, #tpu.memory_space<vmem>> -> memref<1x128xi32, #tpu.memory_space<vmem>>
          %dma_wait3A_60 = tpu.memref_squeeze %dma_wait3A_59 : memref<1x128xi32, #tpu.memory_space<vmem>> -> memref<128xi32, #tpu.memory_space<vmem>>
          %dma_wait3A_61 = arith.constant 0 : i32
          %dma_wait3A_62 = tpu.memref_slice %arg7[%dma_wait3A_61] : memref<10240xf32, #tpu.memory_space<vmem_shared>> -> memref<10240xf32, #tpu.memory_space<vmem_shared>>
          tpu.wait_indirect_dma semaphore(%run_scoped3A : memref<!tpu.dma_semaphore, #tpu.memory_space<semaphore_mem>>) src(%arg5 : memref<128xf32, #tpu.memory_space<vmem>>) dst(%dma_wait3A_62 : memref<10240xf32, #tpu.memory_space<vmem_shared>>)
          tpu.yield
        }) : () -> ()
        %scan3A_54 = arith.constant 0 : i32
        scf.yield %scan3A_54 : i32
      }
      %scan3A_45 = arith.constant 80 : i32
      %barrier3A_46 = arith.constant 0 : index
      tpu.barrier barrier_id(%barrier3A_46)
      %eq3A_47 = arith.constant 0 : i32
      %eq3A_48 = arith.cmpi eq, %arg1, %eq3A_47 : i32
      %convert_element_type3A_49 = arith.extui %eq3A_48 : i1 to i32
      %cond3A_50 = arith.constant 0 : i32
      %cond3A_51 = arith.cmpi ne, %convert_element_type3A_49, %cond3A_50 : i32
      scf.if %cond3A_51 {
        "tpu.region"() ({
          %run_scoped3A = tpu.sem_alloc : memref<!tpu.dma_semaphore, #tpu.memory_space<semaphore_mem>>
          %dma_start3A = arith.constant 0 : i32
          %dma_start3A_52 = tpu.memref_slice %arg6[%dma_start3A] : memref<10240xf32, #tpu.memory_space<vmem>> -> memref<10000xf32, #tpu.memory_space<vmem>>
          %dma_start3A_53 = arith.constant 0 : i32
          %dma_start3A_54 = tpu.memref_slice %arg7[%dma_start3A_53] : memref<10240xf32, #tpu.memory_space<vmem_shared>> -> memref<10000xf32, #tpu.memory_space<vmem_shared>>
          %dma_start3A_55 = arith.constant 0 : i32
          %dma_start3A_56 = tpu.memref_slice %arg6[%dma_start3A_55] : memref<10240xf32, #tpu.memory_space<vmem>> -> memref<10000xf32, #tpu.memory_space<vmem>>
          %dma_start3A_57 = arith.constant 0 : i32
          %dma_start3A_58 = tpu.memref_slice %arg7[%dma_start3A_57] : memref<10240xf32, #tpu.memory_space<vmem_shared>> -> memref<10000xf32, #tpu.memory_space<vmem_shared>>
          tpu.enqueue_dma source(%dma_start3A_58 : memref<10000xf32, #tpu.memory_space<vmem_shared>>) target(%dma_start3A_56 : memref<10000xf32, #tpu.memory_space<vmem>>) target_semaphore(%run_scoped3A : memref<!tpu.dma_semaphore, #tpu.memory_space<semaphore_mem>>)
          %dma_wait3A = arith.constant 0 : i32
          %dma_wait3A_59 = tpu.memref_slice %arg6[%dma_wait3A] : memref<10240xf32, #tpu.memory_space<vmem>> -> memref<10000xf32, #tpu.memory_space<vmem>>
          %dma_wait3A_60 = arith.constant 0 : i32
          %dma_wait3A_61 = tpu.memref_slice %arg7[%dma_wait3A_60] : memref<10240xf32, #tpu.memory_space<vmem_shared>> -> memref<10000xf32, #tpu.memory_space<vmem_shared>>
          %dma_wait3A_62 = arith.constant 0 : i32
          %dma_wait3A_63 = tpu.memref_slice %arg6[%dma_wait3A_62] : memref<10240xf32, #tpu.memory_space<vmem>> -> memref<10000xf32, #tpu.memory_space<vmem>>
          %dma_wait3A_64 = arith.constant 0 : i32
          %dma_wait3A_65 = tpu.memref_slice %arg7[%dma_wait3A_64] : memref<10240xf32, #tpu.memory_space<vmem_shared>> -> memref<10000xf32, #tpu.memory_space<vmem_shared>>
          tpu.wait_dma2 semaphore(%run_scoped3A : memref<!tpu.dma_semaphore, #tpu.memory_space<semaphore_mem>>) src(%dma_wait3A_65 : memref<10000xf32, #tpu.memory_space<vmem_shared>>) dst(%dma_wait3A_63 : memref<10000xf32, #tpu.memory_space<vmem>>)
          tpu.yield
        }) : () -> ()
        "tpu.region"() ({
          %run_scoped3A = tpu.sem_alloc : memref<!tpu.dma_semaphore, #tpu.memory_space<semaphore_mem>>
          %dma_start3A = arith.constant 0 : i32
          %dma_start3A_52 = tpu.memref_slice %arg6[%dma_start3A] : memref<10240xf32, #tpu.memory_space<vmem>> -> memref<10000xf32, #tpu.memory_space<vmem>>
          %dma_start3A_53 = arith.constant 0 : i32
          %dma_start3A_54 = tpu.memref_slice %arg6[%dma_start3A_53] : memref<10240xf32, #tpu.memory_space<vmem>> -> memref<10000xf32, #tpu.memory_space<vmem>>
          tpu.enqueue_dma source(%dma_start3A_54 : memref<10000xf32, #tpu.memory_space<vmem>>) target(%arg3 : memref<10000xf32, #tpu.memory_space<hbm>>) target_semaphore(%run_scoped3A : memref<!tpu.dma_semaphore, #tpu.memory_space<semaphore_mem>>)
          %dma_wait3A = arith.constant 0 : i32
          %dma_wait3A_55 = tpu.memref_slice %arg6[%dma_wait3A] : memref<10240xf32, #tpu.memory_space<vmem>> -> memref<10000xf32, #tpu.memory_space<vmem>>
          %dma_wait3A_56 = arith.constant 0 : i32
          %dma_wait3A_57 = tpu.memref_slice %arg6[%dma_wait3A_56] : memref<10240xf32, #tpu.memory_space<vmem>> -> memref<10000xf32, #tpu.memory_space<vmem>>
          tpu.wait_dma2 semaphore(%run_scoped3A : memref<!tpu.dma_semaphore, #tpu.memory_space<semaphore_mem>>) src(%dma_wait3A_57 : memref<10000xf32, #tpu.memory_space<vmem>>) dst(%arg3 : memref<10000xf32, #tpu.memory_space<hbm>>)
          tpu.yield
        }) : () -> ()
      } else {
      }
    } else {
    }
    return
  }
}

#map = affine_map<(d0, d1) -> (0, 0)>
module attributes {stable_mosaic.version = 14 : i64} {
  func.func @_sc_agg(%arg0: i32, %arg1: i32, %arg2: memref<20000x128xf32, #tpu.memory_space<hbm>>, %arg3: memref<2560x128xi32, #tpu.memory_space<hbm>>, %arg4: memref<1280x128xi32, #tpu.memory_space<hbm>>, %arg5: memref<20480x128xf32, #tpu.memory_space<hbm>>, %arg6: memref<80x128xi32, #tpu.memory_space<vmem>>, %arg7: memref<64x128xf32, #tpu.memory_space<vmem>>, %arg8: memref<64x128xf32, #tpu.memory_space<vmem>>, %arg9: memref<64x128xf32, #tpu.memory_space<vmem>>, %arg10: memref<64x128xf32, #tpu.memory_space<vmem>>, %arg11: memref<10240x128xf32, #tpu.memory_space<vmem_shared>>, %arg12: memref<!tpu.dma_semaphore, #tpu.memory_space<semaphore_mem>>, %arg13: memref<!tpu.dma_semaphore, #tpu.memory_space<semaphore_mem>>, %arg14: memref<!tpu.dma_semaphore, #tpu.memory_space<semaphore_mem>>, %arg15: memref<!tpu.dma_semaphore, #tpu.memory_space<semaphore_mem>>, %arg16: memref<!tpu.dma_semaphore, #tpu.memory_space<semaphore_mem>>, %arg17: memref<!tpu.dma_semaphore, #tpu.memory_space<semaphore_mem>>, %arg18: memref<!tpu.dma_semaphore, #tpu.memory_space<semaphore_mem>>, %arg19: memref<!tpu.dma_semaphore, #tpu.memory_space<semaphore_mem>>) attributes {dimension_semantics = [#tpu.dimension_semantics<core_parallel>, #tpu.dimension_semantics<subcore_parallel>], iteration_bounds = array<i64: 2, 16>, scalar_prefetch = 0 : i64, scratch_operands = 14 : i64, tpu.core_type = #tpu.core_type<sc_vector_subcore>, window_params = [{transform_indices = #map}, {transform_indices = #map}, {transform_indices = #map}, {transform_indices = #map}]} {
    %broadcast_in_dim3A = arith.constant 0.000000e+00 : f32
    %broadcast_in_dim3A_0 = vector.broadcast %broadcast_in_dim3A : f32 to vector<16xf32>
    %scan3A = arith.constant 0 : i32
    %scan3A_1 = arith.constant 0 : i32
    %scan3A_2 = arith.constant 64 : i32
    %scan3A_3 = arith.addi %scan3A_1, %scan3A_2 : i32
    %scan3A_4 = arith.constant 1 : i32
    %scan3A_5 = scf.for %scan3A_119 = %scan3A_1 to %scan3A_3 step %scan3A_4 iter_args(%scan3A_120 = %scan3A) -> (i32)  : i32 {
      %swap3A = arith.index_cast %scan3A_119 : i32 to index
      %swap3A_121 = arith.constant 0 : index
      %swap3A_122 = tpu.vector_load %arg7[%swap3A, %swap3A_121] {strides = array<i32>} : memref<64x128xf32, #tpu.memory_space<vmem>>, vector<1x16xf32>,
      %swap3A_123 = vector.shape_cast %swap3A_122 : vector<1x16xf32> to vector<16xf32>
      %swap3A_124 = vector.shape_cast %broadcast_in_dim3A_0 : vector<16xf32> to vector<1x16xf32>
      tpu.vector_store %arg7[%swap3A, %swap3A_121], %swap3A_124 {strides = array<i32>} : memref<64x128xf32, #tpu.memory_space<vmem>>, vector<1x16xf32>,
      %swap3A_125 = arith.index_cast %scan3A_119 : i32 to index
      %swap3A_126 = arith.constant 16 : index
      %swap3A_127 = tpu.vector_load %arg7[%swap3A_125, %swap3A_126] {strides = array<i32>} : memref<64x128xf32, #tpu.memory_space<vmem>>, vector<1x16xf32>,
      %swap3A_128 = vector.shape_cast %swap3A_127 : vector<1x16xf32> to vector<16xf32>
      %swap3A_129 = vector.shape_cast %broadcast_in_dim3A_0 : vector<16xf32> to vector<1x16xf32>
      tpu.vector_store %arg7[%swap3A_125, %swap3A_126], %swap3A_129 {strides = array<i32>} : memref<64x128xf32, #tpu.memory_space<vmem>>, vector<1x16xf32>,
      %swap3A_130 = arith.index_cast %scan3A_119 : i32 to index
      %swap3A_131 = arith.constant 32 : index
      %swap3A_132 = tpu.vector_load %arg7[%swap3A_130, %swap3A_131] {strides = array<i32>} : memref<64x128xf32, #tpu.memory_space<vmem>>, vector<1x16xf32>,
      %swap3A_133 = vector.shape_cast %swap3A_132 : vector<1x16xf32> to vector<16xf32>
      %swap3A_134 = vector.shape_cast %broadcast_in_dim3A_0 : vector<16xf32> to vector<1x16xf32>
      tpu.vector_store %arg7[%swap3A_130, %swap3A_131], %swap3A_134 {strides = array<i32>} : memref<64x128xf32, #tpu.memory_space<vmem>>, vector<1x16xf32>,
      %swap3A_135 = arith.index_cast %scan3A_119 : i32 to index
      %swap3A_136 = arith.constant 48 : index
      %swap3A_137 = tpu.vector_load %arg7[%swap3A_135, %swap3A_136] {strides = array<i32>} : memref<64x128xf32, #tpu.memory_space<vmem>>, vector<1x16xf32>,
      %swap3A_138 = vector.shape_cast %swap3A_137 : vector<1x16xf32> to vector<16xf32>
      %swap3A_139 = vector.shape_cast %broadcast_in_dim3A_0 : vector<16xf32> to vector<1x16xf32>
      tpu.vector_store %arg7[%swap3A_135, %swap3A_136], %swap3A_139 {strides = array<i32>} : memref<64x128xf32, #tpu.memory_space<vmem>>, vector<1x16xf32>,
      %swap3A_140 = arith.index_cast %scan3A_119 : i32 to index
      %swap3A_141 = arith.constant 64 : index
      %swap3A_142 = tpu.vector_load %arg7[%swap3A_140, %swap3A_141] {strides = array<i32>} : memref<64x128xf32, #tpu.memory_space<vmem>>, vector<1x16xf32>,
      %swap3A_143 = vector.shape_cast %swap3A_142 : vector<1x16xf32> to vector<16xf32>
      %swap3A_144 = vector.shape_cast %broadcast_in_dim3A_0 : vector<16xf32> to vector<1x16xf32>
      tpu.vector_store %arg7[%swap3A_140, %swap3A_141], %swap3A_144 {strides = array<i32>} : memref<64x128xf32, #tpu.memory_space<vmem>>, vector<1x16xf32>,
      %swap3A_145 = arith.index_cast %scan3A_119 : i32 to index
      %swap3A_146 = arith.constant 80 : index
      %swap3A_147 = tpu.vector_load %arg7[%swap3A_145, %swap3A_146] {strides = array<i32>} : memref<64x128xf32, #tpu.memory_space<vmem>>, vector<1x16xf32>,
      %swap3A_148 = vector.shape_cast %swap3A_147 : vector<1x16xf32> to vector<16xf32>
      %swap3A_149 = vector.shape_cast %broadcast_in_dim3A_0 : vector<16xf32> to vector<1x16xf32>
      tpu.vector_store %arg7[%swap3A_145, %swap3A_146], %swap3A_149 {strides = array<i32>} : memref<64x128xf32, #tpu.memory_space<vmem>>, vector<1x16xf32>,
      %swap3A_150 = arith.index_cast %scan3A_119 : i32 to index
      %swap3A_151 = arith.constant 96 : index
      %swap3A_152 = tpu.vector_load %arg7[%swap3A_150, %swap3A_151] {strides = array<i32>} : memref<64x128xf32, #tpu.memory_space<vmem>>, vector<1x16xf32>,
      %swap3A_153 = vector.shape_cast %swap3A_152 : vector<1x16xf32> to vector<16xf32>
      %swap3A_154 = vector.shape_cast %broadcast_in_dim3A_0 : vector<16xf32> to vector<1x16xf32>
      tpu.vector_store %arg7[%swap3A_150, %swap3A_151], %swap3A_154 {strides = array<i32>} : memref<64x128xf32, #tpu.memory_space<vmem>>, vector<1x16xf32>,
      %swap3A_155 = arith.index_cast %scan3A_119 : i32 to index
      %swap3A_156 = arith.constant 112 : index
      %swap3A_157 = tpu.vector_load %arg7[%swap3A_155, %swap3A_156] {strides = array<i32>} : memref<64x128xf32, #tpu.memory_space<vmem>>, vector<1x16xf32>,
      %swap3A_158 = vector.shape_cast %swap3A_157 : vector<1x16xf32> to vector<16xf32>
      %swap3A_159 = vector.shape_cast %broadcast_in_dim3A_0 : vector<16xf32> to vector<1x16xf32>
      tpu.vector_store %arg7[%swap3A_155, %swap3A_156], %swap3A_159 {strides = array<i32>} : memref<64x128xf32, #tpu.memory_space<vmem>>, vector<1x16xf32>,
      %scan3A_160 = arith.constant 0 : i32
      scf.yield %scan3A_160 : i32
    }
    %scan3A_6 = arith.constant 64 : i32
    %scan3A_7 = arith.constant 0 : i32
    %scan3A_8 = arith.constant 0 : i32
    %scan3A_9 = arith.constant 10 : i32
    %scan3A_10 = arith.addi %scan3A_8, %scan3A_9 : i32
    %scan3A_11 = arith.constant 1 : i32
    %scan3A_12 = scf.for %scan3A_119 = %scan3A_8 to %scan3A_10 step %scan3A_11 iter_args(%scan3A_120 = %scan3A_7) -> (i32)  : i32 {
      %mul3A_121 = arith.constant 640 : i32
      %mul3A_122 = arith.muli %arg1, %mul3A_121 : i32
      %mul3A_123 = arith.constant 64 : i32
      %mul3A_124 = arith.muli %scan3A_119, %mul3A_123 : i32
      %add3A_125 = arith.addi %mul3A_122, %mul3A_124 : i32
      "tpu.region"() ({
        %run_scoped3A = tpu.sem_alloc : memref<!tpu.dma_semaphore, #tpu.memory_space<semaphore_mem>>
        %dma_start3A_127 = arith.constant 0 : i32
        %dma_start3A_128 = tpu.memref_slice %arg11[%add3A_125, %dma_start3A_127] : memref<10240x128xf32, #tpu.memory_space<vmem_shared>> -> memref<64x128xf32, #tpu.memory_space<vmem_shared>>
        %dma_start3A_129 = arith.constant 0 : i32
        %dma_start3A_130 = tpu.memref_slice %arg11[%add3A_125, %dma_start3A_129] : memref<10240x128xf32, #tpu.memory_space<vmem_shared>> -> memref<64x128xf32, #tpu.memory_space<vmem_shared>>
        tpu.enqueue_dma source(%arg7 : memref<64x128xf32, #tpu.memory_space<vmem>>) target(%dma_start3A_130 : memref<64x128xf32, #tpu.memory_space<vmem_shared>>) target_semaphore(%run_scoped3A : memref<!tpu.dma_semaphore, #tpu.memory_space<semaphore_mem>>)
        %dma_wait3A = arith.constant 0 : i32
        %dma_wait3A_131 = tpu.memref_slice %arg11[%add3A_125, %dma_wait3A] : memref<10240x128xf32, #tpu.memory_space<vmem_shared>> -> memref<64x128xf32, #tpu.memory_space<vmem_shared>>
        %dma_wait3A_132 = arith.constant 0 : i32
        %dma_wait3A_133 = tpu.memref_slice %arg11[%add3A_125, %dma_wait3A_132] : memref<10240x128xf32, #tpu.memory_space<vmem_shared>> -> memref<64x128xf32, #tpu.memory_space<vmem_shared>>
        tpu.wait_dma2 semaphore(%run_scoped3A : memref<!tpu.dma_semaphore, #tpu.memory_space<semaphore_mem>>) src(%arg7 : memref<64x128xf32, #tpu.memory_space<vmem>>) dst(%dma_wait3A_133 : memref<64x128xf32, #tpu.memory_space<vmem_shared>>)
        tpu.yield
      }) : () -> ()
      %scan3A_126 = arith.constant 0 : i32
      scf.yield %scan3A_126 : i32
    }
    %scan3A_13 = arith.constant 10 : i32
    %barrier3A = arith.constant 0 : index
    tpu.barrier barrier_id(%barrier3A)
    %mul3A = arith.constant 16 : i32
    %mul3A_14 = arith.muli %arg0, %mul3A : i32
    %add3A = arith.addi %mul3A_14, %arg1 : i32
    %mul3A_15 = arith.constant 2 : i32
    %mul3A_16 = arith.muli %add3A, %mul3A_15 : i32
    %add3A_17 = arith.constant 0 : i32
    %add3A_18 = arith.addi %mul3A_16, %add3A_17 : i32
    %mul3A_19 = arith.constant 40 : i32
    %mul3A_20 = arith.muli %add3A_18, %mul3A_19 : i32
    "tpu.region"() ({
      %run_scoped3A = tpu.sem_alloc : memref<!tpu.dma_semaphore, #tpu.memory_space<semaphore_mem>>
      %dma_start3A_119 = arith.constant 0 : i32
      %dma_start3A_120 = arith.constant 0 : i32
      %dma_start3A_121 = tpu.memref_slice %arg6[%dma_start3A_119, %dma_start3A_120] : memref<80x128xi32, #tpu.memory_space<vmem>> -> memref<40x128xi32, #tpu.memory_space<vmem>>
      %dma_start3A_122 = arith.constant 0 : i32
      %dma_start3A_123 = tpu.memref_slice %arg3[%mul3A_20, %dma_start3A_122] : memref<2560x128xi32, #tpu.memory_space<hbm>> -> memref<40x128xi32, #tpu.memory_space<hbm>>
      %dma_start3A_124 = arith.constant 0 : i32
      %dma_start3A_125 = arith.constant 0 : i32
      %dma_start3A_126 = tpu.memref_slice %arg6[%dma_start3A_124, %dma_start3A_125] : memref<80x128xi32, #tpu.memory_space<vmem>> -> memref<40x128xi32, #tpu.memory_space<vmem>>
      %dma_start3A_127 = arith.constant 0 : i32
      %dma_start3A_128 = tpu.memref_slice %arg3[%mul3A_20, %dma_start3A_127] : memref<2560x128xi32, #tpu.memory_space<hbm>> -> memref<40x128xi32, #tpu.memory_space<hbm>>
      tpu.enqueue_dma source(%dma_start3A_128 : memref<40x128xi32, #tpu.memory_space<hbm>>) target(%dma_start3A_126 : memref<40x128xi32, #tpu.memory_space<vmem>>) target_semaphore(%run_scoped3A : memref<!tpu.dma_semaphore, #tpu.memory_space<semaphore_mem>>)
      %dma_wait3A = arith.constant 0 : i32
      %dma_wait3A_129 = arith.constant 0 : i32
      %dma_wait3A_130 = tpu.memref_slice %arg6[%dma_wait3A, %dma_wait3A_129] : memref<80x128xi32, #tpu.memory_space<vmem>> -> memref<40x128xi32, #tpu.memory_space<vmem>>
      %dma_wait3A_131 = arith.constant 0 : i32
      %dma_wait3A_132 = tpu.memref_slice %arg3[%mul3A_20, %dma_wait3A_131] : memref<2560x128xi32, #tpu.memory_space<hbm>> -> memref<40x128xi32, #tpu.memory_space<hbm>>
      %dma_wait3A_133 = arith.constant 0 : i32
      %dma_wait3A_134 = arith.constant 0 : i32
      %dma_wait3A_135 = tpu.memref_slice %arg6[%dma_wait3A_133, %dma_wait3A_134] : memref<80x128xi32, #tpu.memory_space<vmem>> -> memref<40x128xi32, #tpu.memory_space<vmem>>
      %dma_wait3A_136 = arith.constant 0 : i32
      %dma_wait3A_137 = tpu.memref_slice %arg3[%mul3A_20, %dma_wait3A_136] : memref<2560x128xi32, #tpu.memory_space<hbm>> -> memref<40x128xi32, #tpu.memory_space<hbm>>
      tpu.wait_dma2 semaphore(%run_scoped3A : memref<!tpu.dma_semaphore, #tpu.memory_space<semaphore_mem>>) src(%dma_wait3A_137 : memref<40x128xi32, #tpu.memory_space<hbm>>) dst(%dma_wait3A_135 : memref<40x128xi32, #tpu.memory_space<vmem>>)
      tpu.yield
    }) : () -> ()
    %mul3A_21 = arith.constant 2 : i32
    %mul3A_22 = arith.muli %arg1, %mul3A_21 : i32
    %add3A_23 = arith.constant 0 : i32
    %add3A_24 = arith.addi %mul3A_22, %add3A_23 : i32
    %mul3A_25 = arith.constant 40 : i32
    %mul3A_26 = arith.muli %add3A_24, %mul3A_25 : i32
    "tpu.region"() ({
      %run_scoped3A = tpu.sem_alloc : memref<!tpu.dma_semaphore, #tpu.memory_space<semaphore_mem>>
      %dma_start3A_119 = arith.constant 40 : i32
      %dma_start3A_120 = arith.constant 0 : i32
      %dma_start3A_121 = tpu.memref_slice %arg6[%dma_start3A_119, %dma_start3A_120] : memref<80x128xi32, #tpu.memory_space<vmem>> -> memref<40x128xi32, #tpu.memory_space<vmem>>
      %dma_start3A_122 = arith.constant 0 : i32
      %dma_start3A_123 = tpu.memref_slice %arg4[%mul3A_26, %dma_start3A_122] : memref<1280x128xi32, #tpu.memory_space<hbm>> -> memref<40x128xi32, #tpu.memory_space<hbm>>
      %dma_start3A_124 = arith.constant 40 : i32
      %dma_start3A_125 = arith.constant 0 : i32
      %dma_start3A_126 = tpu.memref_slice %arg6[%dma_start3A_124, %dma_start3A_125] : memref<80x128xi32, #tpu.memory_space<vmem>> -> memref<40x128xi32, #tpu.memory_space<vmem>>
      %dma_start3A_127 = arith.constant 0 : i32
      %dma_start3A_128 = tpu.memref_slice %arg4[%mul3A_26, %dma_start3A_127] : memref<1280x128xi32, #tpu.memory_space<hbm>> -> memref<40x128xi32, #tpu.memory_space<hbm>>
      tpu.enqueue_dma source(%dma_start3A_128 : memref<40x128xi32, #tpu.memory_space<hbm>>) target(%dma_start3A_126 : memref<40x128xi32, #tpu.memory_space<vmem>>) target_semaphore(%run_scoped3A : memref<!tpu.dma_semaphore, #tpu.memory_space<semaphore_mem>>)
      %dma_wait3A = arith.constant 40 : i32
      %dma_wait3A_129 = arith.constant 0 : i32
      %dma_wait3A_130 = tpu.memref_slice %arg6[%dma_wait3A, %dma_wait3A_129] : memref<80x128xi32, #tpu.memory_space<vmem>> -> memref<40x128xi32, #tpu.memory_space<vmem>>
      %dma_wait3A_131 = arith.constant 0 : i32
      %dma_wait3A_132 = tpu.memref_slice %arg4[%mul3A_26, %dma_wait3A_131] : memref<1280x128xi32, #tpu.memory_space<hbm>> -> memref<40x128xi32, #tpu.memory_space<hbm>>
      %dma_wait3A_133 = arith.constant 40 : i32
      %dma_wait3A_134 = arith.constant 0 : i32
      %dma_wait3A_135 = tpu.memref_slice %arg6[%dma_wait3A_133, %dma_wait3A_134] : memref<80x128xi32, #tpu.memory_space<vmem>> -> memref<40x128xi32, #tpu.memory_space<vmem>>
      %dma_wait3A_136 = arith.constant 0 : i32
      %dma_wait3A_137 = tpu.memref_slice %arg4[%mul3A_26, %dma_wait3A_136] : memref<1280x128xi32, #tpu.memory_space<hbm>> -> memref<40x128xi32, #tpu.memory_space<hbm>>
      tpu.wait_dma2 semaphore(%run_scoped3A : memref<!tpu.dma_semaphore, #tpu.memory_space<semaphore_mem>>) src(%dma_wait3A_137 : memref<40x128xi32, #tpu.memory_space<hbm>>) dst(%dma_wait3A_135 : memref<40x128xi32, #tpu.memory_space<vmem>>)
      tpu.yield
    }) : () -> ()
    %dma_start3A = arith.constant 0 : i32
    %dma_start3A_27 = arith.constant 0 : i32
    %dma_start3A_28 = tpu.memref_slice %arg6[%dma_start3A, %dma_start3A_27] : memref<80x128xi32, #tpu.memory_space<vmem>> -> memref<1x64xi32, #tpu.memory_space<vmem>>
    %dma_start3A_29 = tpu.memref_squeeze %dma_start3A_28 : memref<1x64xi32, #tpu.memory_space<vmem>> -> memref<64xi32, #tpu.memory_space<vmem>>
    %dma_start3A_30 = arith.constant 0 : i32
    %dma_start3A_31 = arith.constant 0 : i32
    %dma_start3A_32 = tpu.memref_slice %arg2[%dma_start3A_30, %dma_start3A_31] : memref<20000x128xf32, #tpu.memory_space<hbm>> -> memref<20000x128xf32, #tpu.memory_space<hbm>>
    tpu.enqueue_indirect_dma source(%dma_start3A_32 : memref<20000x128xf32, #tpu.memory_space<hbm>>) target(%arg7 : memref<64x128xf32, #tpu.memory_space<vmem>>) offsets(%dma_start3A_29 : memref<64xi32, #tpu.memory_space<vmem>>) semaphore(%arg12 : memref<!tpu.dma_semaphore, #tpu.memory_space<semaphore_mem>>)
    %dma_start3A_33 = arith.constant 0 : i32
    %dma_start3A_34 = arith.constant 64 : i32
    %dma_start3A_35 = tpu.memref_slice %arg6[%dma_start3A_33, %dma_start3A_34] : memref<80x128xi32, #tpu.memory_space<vmem>> -> memref<1x64xi32, #tpu.memory_space<vmem>>
    %dma_start3A_36 = tpu.memref_squeeze %dma_start3A_35 : memref<1x64xi32, #tpu.memory_space<vmem>> -> memref<64xi32, #tpu.memory_space<vmem>>
    %dma_start3A_37 = arith.constant 0 : i32
    %dma_start3A_38 = arith.constant 0 : i32
    %dma_start3A_39 = tpu.memref_slice %arg2[%dma_start3A_37, %dma_start3A_38] : memref<20000x128xf32, #tpu.memory_space<hbm>> -> memref<20000x128xf32, #tpu.memory_space<hbm>>
    tpu.enqueue_indirect_dma source(%dma_start3A_39 : memref<20000x128xf32, #tpu.memory_space<hbm>>) target(%arg8 : memref<64x128xf32, #tpu.memory_space<vmem>>) offsets(%dma_start3A_36 : memref<64xi32, #tpu.memory_space<vmem>>) semaphore(%arg13 : memref<!tpu.dma_semaphore, #tpu.memory_space<semaphore_mem>>)
    %dma_start3A_40 = arith.constant 1 : i32
    %dma_start3A_41 = arith.constant 0 : i32
    %dma_start3A_42 = tpu.memref_slice %arg6[%dma_start3A_40, %dma_start3A_41] : memref<80x128xi32, #tpu.memory_space<vmem>> -> memref<1x64xi32, #tpu.memory_space<vmem>>
    %dma_start3A_43 = tpu.memref_squeeze %dma_start3A_42 : memref<1x64xi32, #tpu.memory_space<vmem>> -> memref<64xi32, #tpu.memory_space<vmem>>
    %dma_start3A_44 = arith.constant 0 : i32
    %dma_start3A_45 = arith.constant 0 : i32
    %dma_start3A_46 = tpu.memref_slice %arg2[%dma_start3A_44, %dma_start3A_45] : memref<20000x128xf32, #tpu.memory_space<hbm>> -> memref<20000x128xf32, #tpu.memory_space<hbm>>
    tpu.enqueue_indirect_dma source(%dma_start3A_46 : memref<20000x128xf32, #tpu.memory_space<hbm>>) target(%arg9 : memref<64x128xf32, #tpu.memory_space<vmem>>) offsets(%dma_start3A_43 : memref<64xi32, #tpu.memory_space<vmem>>) semaphore(%arg14 : memref<!tpu.dma_semaphore, #tpu.memory_space<semaphore_mem>>)
    %dma_start3A_47 = arith.constant 1 : i32
    %dma_start3A_48 = arith.constant 64 : i32
    %dma_start3A_49 = tpu.memref_slice %arg6[%dma_start3A_47, %dma_start3A_48] : memref<80x128xi32, #tpu.memory_space<vmem>> -> memref<1x64xi32, #tpu.memory_space<vmem>>
    %dma_start3A_50 = tpu.memref_squeeze %dma_start3A_49 : memref<1x64xi32, #tpu.memory_space<vmem>> -> memref<64xi32, #tpu.memory_space<vmem>>
    %dma_start3A_51 = arith.constant 0 : i32
    %dma_start3A_52 = arith.constant 0 : i32
    %dma_start3A_53 = tpu.memref_slice %arg2[%dma_start3A_51, %dma_start3A_52] : memref<20000x128xf32, #tpu.memory_space<hbm>> -> memref<20000x128xf32, #tpu.memory_space<hbm>>
    tpu.enqueue_indirect_dma source(%dma_start3A_53 : memref<20000x128xf32, #tpu.memory_space<hbm>>) target(%arg10 : memref<64x128xf32, #tpu.memory_space<vmem>>) offsets(%dma_start3A_50 : memref<64xi32, #tpu.memory_space<vmem>>) semaphore(%arg15 : memref<!tpu.dma_semaphore, #tpu.memory_space<semaphore_mem>>)
    %scan3A_54 = arith.constant 0 : i32
    %scan3A_55 = arith.constant 0 : i32
    %scan3A_56 = arith.constant 20 : i32
    %scan3A_57 = arith.addi %scan3A_55, %scan3A_56 : i32
    %scan3A_58 = arith.constant 1 : i32
    %scan3A_59 = scf.for %scan3A_119 = %scan3A_55 to %scan3A_57 step %scan3A_58 iter_args(%scan3A_120 = %scan3A_54) -> (i32)  : i32 {
      %mul3A_121 = arith.constant 2 : i32
      %mul3A_122 = arith.muli %scan3A_119, %mul3A_121 : i32
      %add3A_123 = arith.constant 0 : i32
      %add3A_124 = arith.addi %mul3A_122, %add3A_123 : i32
      %add3A_125 = arith.constant 40 : i32
      %add3A_126 = arith.addi %add3A_125, %add3A_124 : i32
      %dma_wait3A = arith.constant 0 : i32
      %dma_wait3A_127 = tpu.memref_slice %arg6[%add3A_124, %dma_wait3A] : memref<80x128xi32, #tpu.memory_space<vmem>> -> memref<1x64xi32, #tpu.memory_space<vmem>>
      %dma_wait3A_128 = tpu.memref_squeeze %dma_wait3A_127 : memref<1x64xi32, #tpu.memory_space<vmem>> -> memref<64xi32, #tpu.memory_space<vmem>>
      %dma_wait3A_129 = arith.constant 0 : i32
      %dma_wait3A_130 = arith.constant 0 : i32
      %dma_wait3A_131 = tpu.memref_slice %arg2[%dma_wait3A_129, %dma_wait3A_130] : memref<20000x128xf32, #tpu.memory_space<hbm>> -> memref<20000x128xf32, #tpu.memory_space<hbm>>
      tpu.wait_indirect_dma semaphore(%arg12 : memref<!tpu.dma_semaphore, #tpu.memory_space<semaphore_mem>>) src(%dma_wait3A_131 : memref<20000x128xf32, #tpu.memory_space<hbm>>) dst(%arg7 : memref<64x128xf32, #tpu.memory_space<vmem>>)
      %dma_start3A_132 = arith.constant 0 : i32
      %dma_start3A_133 = tpu.memref_slice %arg6[%add3A_126, %dma_start3A_132] : memref<80x128xi32, #tpu.memory_space<vmem>> -> memref<1x64xi32, #tpu.memory_space<vmem>>
      %dma_start3A_134 = tpu.memref_squeeze %dma_start3A_133 : memref<1x64xi32, #tpu.memory_space<vmem>> -> memref<64xi32, #tpu.memory_space<vmem>>
      %dma_start3A_135 = arith.constant 0 : i32
      %dma_start3A_136 = arith.constant 0 : i32
      %dma_start3A_137 = tpu.memref_slice %arg11[%dma_start3A_135, %dma_start3A_136] : memref<10240x128xf32, #tpu.memory_space<vmem_shared>> -> memref<10240x128xf32, #tpu.memory_space<vmem_shared>>
      tpu.enqueue_indirect_dma source(%arg7 : memref<64x128xf32, #tpu.memory_space<vmem>>) target(%dma_start3A_137 : memref<10240x128xf32, #tpu.memory_space<vmem_shared>>) offsets(%dma_start3A_134 : memref<64xi32, #tpu.memory_space<vmem>>) semaphore(%arg16 : memref<!tpu.dma_semaphore, #tpu.memory_space<semaphore_mem>>) {add = true}
      %dma_wait3A_138 = arith.constant 0 : i32
      %dma_wait3A_139 = tpu.memref_slice %arg6[%add3A_126, %dma_wait3A_138] : memref<80x128xi32, #tpu.memory_space<vmem>> -> memref<1x64xi32, #tpu.memory_space<vmem>>
      %dma_wait3A_140 = tpu.memref_squeeze %dma_wait3A_139 : memref<1x64xi32, #tpu.memory_space<vmem>> -> memref<64xi32, #tpu.memory_space<vmem>>
      %dma_wait3A_141 = arith.constant 0 : i32
      %dma_wait3A_142 = arith.constant 0 : i32
      %dma_wait3A_143 = tpu.memref_slice %arg11[%dma_wait3A_141, %dma_wait3A_142] : memref<10240x128xf32, #tpu.memory_space<vmem_shared>> -> memref<10240x128xf32, #tpu.memory_space<vmem_shared>>
      tpu.wait_indirect_dma semaphore(%arg16 : memref<!tpu.dma_semaphore, #tpu.memory_space<semaphore_mem>>) src(%arg7 : memref<64x128xf32, #tpu.memory_space<vmem>>) dst(%dma_wait3A_143 : memref<10240x128xf32, #tpu.memory_space<vmem_shared>>)
      %add3A_144 = arith.constant 2 : i32
      %add3A_145 = arith.addi %add3A_124, %add3A_144 : i32
      %lt3A = arith.constant 40 : i32
      %lt3A_146 = arith.cmpi slt, %add3A_145, %lt3A : i32
      %convert_element_type3A = arith.extui %lt3A_146 : i1 to i32
      %cond3A = arith.constant 0 : i32
      %cond3A_147 = arith.cmpi ne, %convert_element_type3A, %cond3A : i32
      scf.if %cond3A_147 {
        %add3A_242 = arith.constant 2 : i32
        %add3A_243 = arith.addi %add3A_124, %add3A_242 : i32
        %dma_start3A_244 = arith.constant 0 : i32
        %dma_start3A_245 = tpu.memref_slice %arg6[%add3A_243, %dma_start3A_244] : memref<80x128xi32, #tpu.memory_space<vmem>> -> memref<1x64xi32, #tpu.memory_space<vmem>>
        %dma_start3A_246 = tpu.memref_squeeze %dma_start3A_245 : memref<1x64xi32, #tpu.memory_space<vmem>> -> memref<64xi32, #tpu.memory_space<vmem>>
        %dma_start3A_247 = arith.constant 0 : i32
        %dma_start3A_248 = arith.constant 0 : i32
        %dma_start3A_249 = tpu.memref_slice %arg2[%dma_start3A_247, %dma_start3A_248] : memref<20000x128xf32, #tpu.memory_space<hbm>> -> memref<20000x128xf32, #tpu.memory_space<hbm>>
        tpu.enqueue_indirect_dma source(%dma_start3A_249 : memref<20000x128xf32, #tpu.memory_space<hbm>>) target(%arg7 : memref<64x128xf32, #tpu.memory_space<vmem>>) offsets(%dma_start3A_246 : memref<64xi32, #tpu.memory_space<vmem>>) semaphore(%arg12 : memref<!tpu.dma_semaphore, #tpu.memory_space<semaphore_mem>>)
      } else {
      }
      %mul3A_148 = arith.constant 2 : i32
      %mul3A_149 = arith.muli %scan3A_119, %mul3A_148 : i32
      %add3A_150 = arith.constant 0 : i32
      %add3A_151 = arith.addi %mul3A_149, %add3A_150 : i32
      %add3A_152 = arith.constant 40 : i32
      %add3A_153 = arith.addi %add3A_152, %add3A_151 : i32
      %dma_wait3A_154 = arith.constant 64 : i32
      %dma_wait3A_155 = tpu.memref_slice %arg6[%add3A_151, %dma_wait3A_154] : memref<80x128xi32, #tpu.memory_space<vmem>> -> memref<1x64xi32, #tpu.memory_space<vmem>>
      %dma_wait3A_156 = tpu.memref_squeeze %dma_wait3A_155 : memref<1x64xi32, #tpu.memory_space<vmem>> -> memref<64xi32, #tpu.memory_space<vmem>>
      %dma_wait3A_157 = arith.constant 0 : i32
      %dma_wait3A_158 = arith.constant 0 : i32
      %dma_wait3A_159 = tpu.memref_slice %arg2[%dma_wait3A_157, %dma_wait3A_158] : memref<20000x128xf32, #tpu.memory_space<hbm>> -> memref<20000x128xf32, #tpu.memory_space<hbm>>
      tpu.wait_indirect_dma semaphore(%arg13 : memref<!tpu.dma_semaphore, #tpu.memory_space<semaphore_mem>>) src(%dma_wait3A_159 : memref<20000x128xf32, #tpu.memory_space<hbm>>) dst(%arg8 : memref<64x128xf32, #tpu.memory_space<vmem>>)
      %dma_start3A_160 = arith.constant 64 : i32
      %dma_start3A_161 = tpu.memref_slice %arg6[%add3A_153, %dma_start3A_160] : memref<80x128xi32, #tpu.memory_space<vmem>> -> memref<1x64xi32, #tpu.memory_space<vmem>>
      %dma_start3A_162 = tpu.memref_squeeze %dma_start3A_161 : memref<1x64xi32, #tpu.memory_space<vmem>> -> memref<64xi32, #tpu.memory_space<vmem>>
      %dma_start3A_163 = arith.constant 0 : i32
      %dma_start3A_164 = arith.constant 0 : i32
      %dma_start3A_165 = tpu.memref_slice %arg11[%dma_start3A_163, %dma_start3A_164] : memref<10240x128xf32, #tpu.memory_space<vmem_shared>> -> memref<10240x128xf32, #tpu.memory_space<vmem_shared>>
      tpu.enqueue_indirect_dma source(%arg8 : memref<64x128xf32, #tpu.memory_space<vmem>>) target(%dma_start3A_165 : memref<10240x128xf32, #tpu.memory_space<vmem_shared>>) offsets(%dma_start3A_162 : memref<64xi32, #tpu.memory_space<vmem>>) semaphore(%arg17 : memref<!tpu.dma_semaphore, #tpu.memory_space<semaphore_mem>>) {add = true}
      %dma_wait3A_166 = arith.constant 64 : i32
      %dma_wait3A_167 = tpu.memref_slice %arg6[%add3A_153, %dma_wait3A_166] : memref<80x128xi32, #tpu.memory_space<vmem>> -> memref<1x64xi32, #tpu.memory_space<vmem>>
      %dma_wait3A_168 = tpu.memref_squeeze %dma_wait3A_167 : memref<1x64xi32, #tpu.memory_space<vmem>> -> memref<64xi32, #tpu.memory_space<vmem>>
      %dma_wait3A_169 = arith.constant 0 : i32
      %dma_wait3A_170 = arith.constant 0 : i32
      %dma_wait3A_171 = tpu.memref_slice %arg11[%dma_wait3A_169, %dma_wait3A_170] : memref<10240x128xf32, #tpu.memory_space<vmem_shared>> -> memref<10240x128xf32, #tpu.memory_space<vmem_shared>>
      tpu.wait_indirect_dma semaphore(%arg17 : memref<!tpu.dma_semaphore, #tpu.memory_space<semaphore_mem>>) src(%arg8 : memref<64x128xf32, #tpu.memory_space<vmem>>) dst(%dma_wait3A_171 : memref<10240x128xf32, #tpu.memory_space<vmem_shared>>)
      %add3A_172 = arith.constant 2 : i32
      %add3A_173 = arith.addi %add3A_151, %add3A_172 : i32
      %lt3A_174 = arith.constant 40 : i32
      %lt3A_175 = arith.cmpi slt, %add3A_173, %lt3A_174 : i32
      %convert_element_type3A_176 = arith.extui %lt3A_175 : i1 to i32
      %cond3A_177 = arith.constant 0 : i32
      %cond3A_178 = arith.cmpi ne, %convert_element_type3A_176, %cond3A_177 : i32
      scf.if %cond3A_178 {
        %add3A_242 = arith.constant 2 : i32
        %add3A_243 = arith.addi %add3A_151, %add3A_242 : i32
        %dma_start3A_244 = arith.constant 64 : i32
        %dma_start3A_245 = tpu.memref_slice %arg6[%add3A_243, %dma_start3A_244] : memref<80x128xi32, #tpu.memory_space<vmem>> -> memref<1x64xi32, #tpu.memory_space<vmem>>
        %dma_start3A_246 = tpu.memref_squeeze %dma_start3A_245 : memref<1x64xi32, #tpu.memory_space<vmem>> -> memref<64xi32, #tpu.memory_space<vmem>>
        %dma_start3A_247 = arith.constant 0 : i32
        %dma_start3A_248 = arith.constant 0 : i32
        %dma_start3A_249 = tpu.memref_slice %arg2[%dma_start3A_247, %dma_start3A_248] : memref<20000x128xf32, #tpu.memory_space<hbm>> -> memref<20000x128xf32, #tpu.memory_space<hbm>>
        tpu.enqueue_indirect_dma source(%dma_start3A_249 : memref<20000x128xf32, #tpu.memory_space<hbm>>) target(%arg8 : memref<64x128xf32, #tpu.memory_space<vmem>>) offsets(%dma_start3A_246 : memref<64xi32, #tpu.memory_space<vmem>>) semaphore(%arg13 : memref<!tpu.dma_semaphore, #tpu.memory_space<semaphore_mem>>)
      } else {
      }
      %mul3A_179 = arith.constant 2 : i32
      %mul3A_180 = arith.muli %scan3A_119, %mul3A_179 : i32
      %add3A_181 = arith.constant 1 : i32
      %add3A_182 = arith.addi %mul3A_180, %add3A_181 : i32
      %add3A_183 = arith.constant 40 : i32
      %add3A_184 = arith.addi %add3A_183, %add3A_182 : i32
      %dma_wait3A_185 = arith.constant 0 : i32
      %dma_wait3A_186 = tpu.memref_slice %arg6[%add3A_182, %dma_wait3A_185] : memref<80x128xi32, #tpu.memory_space<vmem>> -> memref<1x64xi32, #tpu.memory_space<vmem>>
      %dma_wait3A_187 = tpu.memref_squeeze %dma_wait3A_186 : memref<1x64xi32, #tpu.memory_space<vmem>> -> memref<64xi32, #tpu.memory_space<vmem>>
      %dma_wait3A_188 = arith.constant 0 : i32
      %dma_wait3A_189 = arith.constant 0 : i32
      %dma_wait3A_190 = tpu.memref_slice %arg2[%dma_wait3A_188, %dma_wait3A_189] : memref<20000x128xf32, #tpu.memory_space<hbm>> -> memref<20000x128xf32, #tpu.memory_space<hbm>>
      tpu.wait_indirect_dma semaphore(%arg14 : memref<!tpu.dma_semaphore, #tpu.memory_space<semaphore_mem>>) src(%dma_wait3A_190 : memref<20000x128xf32, #tpu.memory_space<hbm>>) dst(%arg9 : memref<64x128xf32, #tpu.memory_space<vmem>>)
      %dma_start3A_191 = arith.constant 0 : i32
      %dma_start3A_192 = tpu.memref_slice %arg6[%add3A_184, %dma_start3A_191] : memref<80x128xi32, #tpu.memory_space<vmem>> -> memref<1x64xi32, #tpu.memory_space<vmem>>
      %dma_start3A_193 = tpu.memref_squeeze %dma_start3A_192 : memref<1x64xi32, #tpu.memory_space<vmem>> -> memref<64xi32, #tpu.memory_space<vmem>>
      %dma_start3A_194 = arith.constant 0 : i32
      %dma_start3A_195 = arith.constant 0 : i32
      %dma_start3A_196 = tpu.memref_slice %arg11[%dma_start3A_194, %dma_start3A_195] : memref<10240x128xf32, #tpu.memory_space<vmem_shared>> -> memref<10240x128xf32, #tpu.memory_space<vmem_shared>>
      tpu.enqueue_indirect_dma source(%arg9 : memref<64x128xf32, #tpu.memory_space<vmem>>) target(%dma_start3A_196 : memref<10240x128xf32, #tpu.memory_space<vmem_shared>>) offsets(%dma_start3A_193 : memref<64xi32, #tpu.memory_space<vmem>>) semaphore(%arg18 : memref<!tpu.dma_semaphore, #tpu.memory_space<semaphore_mem>>) {add = true}
      %dma_wait3A_197 = arith.constant 0 : i32
      %dma_wait3A_198 = tpu.memref_slice %arg6[%add3A_184, %dma_wait3A_197] : memref<80x128xi32, #tpu.memory_space<vmem>> -> memref<1x64xi32, #tpu.memory_space<vmem>>
      %dma_wait3A_199 = tpu.memref_squeeze %dma_wait3A_198 : memref<1x64xi32, #tpu.memory_space<vmem>> -> memref<64xi32, #tpu.memory_space<vmem>>
      %dma_wait3A_200 = arith.constant 0 : i32
      %dma_wait3A_201 = arith.constant 0 : i32
      %dma_wait3A_202 = tpu.memref_slice %arg11[%dma_wait3A_200, %dma_wait3A_201] : memref<10240x128xf32, #tpu.memory_space<vmem_shared>> -> memref<10240x128xf32, #tpu.memory_space<vmem_shared>>
      tpu.wait_indirect_dma semaphore(%arg18 : memref<!tpu.dma_semaphore, #tpu.memory_space<semaphore_mem>>) src(%arg9 : memref<64x128xf32, #tpu.memory_space<vmem>>) dst(%dma_wait3A_202 : memref<10240x128xf32, #tpu.memory_space<vmem_shared>>)
      %add3A_203 = arith.constant 2 : i32
      %add3A_204 = arith.addi %add3A_182, %add3A_203 : i32
      %lt3A_205 = arith.constant 40 : i32
      %lt3A_206 = arith.cmpi slt, %add3A_204, %lt3A_205 : i32
      %convert_element_type3A_207 = arith.extui %lt3A_206 : i1 to i32
      %cond3A_208 = arith.constant 0 : i32
      %cond3A_209 = arith.cmpi ne, %convert_element_type3A_207, %cond3A_208 : i32
      scf.if %cond3A_209 {
        %add3A_242 = arith.constant 2 : i32
        %add3A_243 = arith.addi %add3A_182, %add3A_242 : i32
        %dma_start3A_244 = arith.constant 0 : i32
        %dma_start3A_245 = tpu.memref_slice %arg6[%add3A_243, %dma_start3A_244] : memref<80x128xi32, #tpu.memory_space<vmem>> -> memref<1x64xi32, #tpu.memory_space<vmem>>
        %dma_start3A_246 = tpu.memref_squeeze %dma_start3A_245 : memref<1x64xi32, #tpu.memory_space<vmem>> -> memref<64xi32, #tpu.memory_space<vmem>>
        %dma_start3A_247 = arith.constant 0 : i32
        %dma_start3A_248 = arith.constant 0 : i32
        %dma_start3A_249 = tpu.memref_slice %arg2[%dma_start3A_247, %dma_start3A_248] : memref<20000x128xf32, #tpu.memory_space<hbm>> -> memref<20000x128xf32, #tpu.memory_space<hbm>>
        tpu.enqueue_indirect_dma source(%dma_start3A_249 : memref<20000x128xf32, #tpu.memory_space<hbm>>) target(%arg9 : memref<64x128xf32, #tpu.memory_space<vmem>>) offsets(%dma_start3A_246 : memref<64xi32, #tpu.memory_space<vmem>>) semaphore(%arg14 : memref<!tpu.dma_semaphore, #tpu.memory_space<semaphore_mem>>)
      } else {
      }
      %mul3A_210 = arith.constant 2 : i32
      %mul3A_211 = arith.muli %scan3A_119, %mul3A_210 : i32
      %add3A_212 = arith.constant 1 : i32
      %add3A_213 = arith.addi %mul3A_211, %add3A_212 : i32
      %add3A_214 = arith.constant 40 : i32
      %add3A_215 = arith.addi %add3A_214, %add3A_213 : i32
      %dma_wait3A_216 = arith.constant 64 : i32
      %dma_wait3A_217 = tpu.memref_slice %arg6[%add3A_213, %dma_wait3A_216] : memref<80x128xi32, #tpu.memory_space<vmem>> -> memref<1x64xi32, #tpu.memory_space<vmem>>
      %dma_wait3A_218 = tpu.memref_squeeze %dma_wait3A_217 : memref<1x64xi32, #tpu.memory_space<vmem>> -> memref<64xi32, #tpu.memory_space<vmem>>
      %dma_wait3A_219 = arith.constant 0 : i32
      %dma_wait3A_220 = arith.constant 0 : i32
      %dma_wait3A_221 = tpu.memref_slice %arg2[%dma_wait3A_219, %dma_wait3A_220] : memref<20000x128xf32, #tpu.memory_space<hbm>> -> memref<20000x128xf32, #tpu.memory_space<hbm>>
      tpu.wait_indirect_dma semaphore(%arg15 : memref<!tpu.dma_semaphore, #tpu.memory_space<semaphore_mem>>) src(%dma_wait3A_221 : memref<20000x128xf32, #tpu.memory_space<hbm>>) dst(%arg10 : memref<64x128xf32, #tpu.memory_space<vmem>>)
      %dma_start3A_222 = arith.constant 64 : i32
      %dma_start3A_223 = tpu.memref_slice %arg6[%add3A_215, %dma_start3A_222] : memref<80x128xi32, #tpu.memory_space<vmem>> -> memref<1x64xi32, #tpu.memory_space<vmem>>
      %dma_start3A_224 = tpu.memref_squeeze %dma_start3A_223 : memref<1x64xi32, #tpu.memory_space<vmem>> -> memref<64xi32, #tpu.memory_space<vmem>>
      %dma_start3A_225 = arith.constant 0 : i32
      %dma_start3A_226 = arith.constant 0 : i32
      %dma_start3A_227 = tpu.memref_slice %arg11[%dma_start3A_225, %dma_start3A_226] : memref<10240x128xf32, #tpu.memory_space<vmem_shared>> -> memref<10240x128xf32, #tpu.memory_space<vmem_shared>>
      tpu.enqueue_indirect_dma source(%arg10 : memref<64x128xf32, #tpu.memory_space<vmem>>) target(%dma_start3A_227 : memref<10240x128xf32, #tpu.memory_space<vmem_shared>>) offsets(%dma_start3A_224 : memref<64xi32, #tpu.memory_space<vmem>>) semaphore(%arg19 : memref<!tpu.dma_semaphore, #tpu.memory_space<semaphore_mem>>) {add = true}
      %dma_wait3A_228 = arith.constant 64 : i32
      %dma_wait3A_229 = tpu.memref_slice %arg6[%add3A_215, %dma_wait3A_228] : memref<80x128xi32, #tpu.memory_space<vmem>> -> memref<1x64xi32, #tpu.memory_space<vmem>>
      %dma_wait3A_230 = tpu.memref_squeeze %dma_wait3A_229 : memref<1x64xi32, #tpu.memory_space<vmem>> -> memref<64xi32, #tpu.memory_space<vmem>>
      %dma_wait3A_231 = arith.constant 0 : i32
      %dma_wait3A_232 = arith.constant 0 : i32
      %dma_wait3A_233 = tpu.memref_slice %arg11[%dma_wait3A_231, %dma_wait3A_232] : memref<10240x128xf32, #tpu.memory_space<vmem_shared>> -> memref<10240x128xf32, #tpu.memory_space<vmem_shared>>
      tpu.wait_indirect_dma semaphore(%arg19 : memref<!tpu.dma_semaphore, #tpu.memory_space<semaphore_mem>>) src(%arg10 : memref<64x128xf32, #tpu.memory_space<vmem>>) dst(%dma_wait3A_233 : memref<10240x128xf32, #tpu.memory_space<vmem_shared>>)
      %add3A_234 = arith.constant 2 : i32
      %add3A_235 = arith.addi %add3A_213, %add3A_234 : i32
      %lt3A_236 = arith.constant 40 : i32
      %lt3A_237 = arith.cmpi slt, %add3A_235, %lt3A_236 : i32
      %convert_element_type3A_238 = arith.extui %lt3A_237 : i1 to i32
      %cond3A_239 = arith.constant 0 : i32
      %cond3A_240 = arith.cmpi ne, %convert_element_type3A_238, %cond3A_239 : i32
      scf.if %cond3A_240 {
        %add3A_242 = arith.constant 2 : i32
        %add3A_243 = arith.addi %add3A_213, %add3A_242 : i32
        %dma_start3A_244 = arith.constant 64 : i32
        %dma_start3A_245 = tpu.memref_slice %arg6[%add3A_243, %dma_start3A_244] : memref<80x128xi32, #tpu.memory_space<vmem>> -> memref<1x64xi32, #tpu.memory_space<vmem>>
        %dma_start3A_246 = tpu.memref_squeeze %dma_start3A_245 : memref<1x64xi32, #tpu.memory_space<vmem>> -> memref<64xi32, #tpu.memory_space<vmem>>
        %dma_start3A_247 = arith.constant 0 : i32
        %dma_start3A_248 = arith.constant 0 : i32
        %dma_start3A_249 = tpu.memref_slice %arg2[%dma_start3A_247, %dma_start3A_248] : memref<20000x128xf32, #tpu.memory_space<hbm>> -> memref<20000x128xf32, #tpu.memory_space<hbm>>
        tpu.enqueue_indirect_dma source(%dma_start3A_249 : memref<20000x128xf32, #tpu.memory_space<hbm>>) target(%arg10 : memref<64x128xf32, #tpu.memory_space<vmem>>) offsets(%dma_start3A_246 : memref<64xi32, #tpu.memory_space<vmem>>) semaphore(%arg15 : memref<!tpu.dma_semaphore, #tpu.memory_space<semaphore_mem>>)
      } else {
      }
      %scan3A_241 = arith.constant 0 : i32
      scf.yield %scan3A_241 : i32
    }
    %scan3A_60 = arith.constant 20 : i32
    %mul3A_61 = arith.constant 16 : i32
    %mul3A_62 = arith.muli %arg0, %mul3A_61 : i32
    %add3A_63 = arith.addi %mul3A_62, %arg1 : i32
    %mul3A_64 = arith.constant 2 : i32
    %mul3A_65 = arith.muli %add3A_63, %mul3A_64 : i32
    %add3A_66 = arith.constant 1 : i32
    %add3A_67 = arith.addi %mul3A_65, %add3A_66 : i32
    %mul3A_68 = arith.constant 40 : i32
    %mul3A_69 = arith.muli %add3A_67, %mul3A_68 : i32
    "tpu.region"() ({
      %run_scoped3A = tpu.sem_alloc : memref<!tpu.dma_semaphore, #tpu.memory_space<semaphore_mem>>
      %dma_start3A_119 = arith.constant 0 : i32
      %dma_start3A_120 = arith.constant 0 : i32
      %dma_start3A_121 = tpu.memref_slice %arg6[%dma_start3A_119, %dma_start3A_120] : memref<80x128xi32, #tpu.memory_space<vmem>> -> memref<40x128xi32, #tpu.memory_space<vmem>>
      %dma_start3A_122 = arith.constant 0 : i32
      %dma_start3A_123 = tpu.memref_slice %arg3[%mul3A_69, %dma_start3A_122] : memref<2560x128xi32, #tpu.memory_space<hbm>> -> memref<40x128xi32, #tpu.memory_space<hbm>>
      %dma_start3A_124 = arith.constant 0 : i32
      %dma_start3A_125 = arith.constant 0 : i32
      %dma_start3A_126 = tpu.memref_slice %arg6[%dma_start3A_124, %dma_start3A_125] : memref<80x128xi32, #tpu.memory_space<vmem>> -> memref<40x128xi32, #tpu.memory_space<vmem>>
      %dma_start3A_127 = arith.constant 0 : i32
      %dma_start3A_128 = tpu.memref_slice %arg3[%mul3A_69, %dma_start3A_127] : memref<2560x128xi32, #tpu.memory_space<hbm>> -> memref<40x128xi32, #tpu.memory_space<hbm>>
      tpu.enqueue_dma source(%dma_start3A_128 : memref<40x128xi32, #tpu.memory_space<hbm>>) target(%dma_start3A_126 : memref<40x128xi32, #tpu.memory_space<vmem>>) target_semaphore(%run_scoped3A : memref<!tpu.dma_semaphore, #tpu.memory_space<semaphore_mem>>)
      %dma_wait3A = arith.constant 0 : i32
      %dma_wait3A_129 = arith.constant 0 : i32
      %dma_wait3A_130 = tpu.memref_slice %arg6[%dma_wait3A, %dma_wait3A_129] : memref<80x128xi32, #tpu.memory_space<vmem>> -> memref<40x128xi32, #tpu.memory_space<vmem>>
      %dma_wait3A_131 = arith.constant 0 : i32
      %dma_wait3A_132 = tpu.memref_slice %arg3[%mul3A_69, %dma_wait3A_131] : memref<2560x128xi32, #tpu.memory_space<hbm>> -> memref<40x128xi32, #tpu.memory_space<hbm>>
      %dma_wait3A_133 = arith.constant 0 : i32
      %dma_wait3A_134 = arith.constant 0 : i32
      %dma_wait3A_135 = tpu.memref_slice %arg6[%dma_wait3A_133, %dma_wait3A_134] : memref<80x128xi32, #tpu.memory_space<vmem>> -> memref<40x128xi32, #tpu.memory_space<vmem>>
      %dma_wait3A_136 = arith.constant 0 : i32
      %dma_wait3A_137 = tpu.memref_slice %arg3[%mul3A_69, %dma_wait3A_136] : memref<2560x128xi32, #tpu.memory_space<hbm>> -> memref<40x128xi32, #tpu.memory_space<hbm>>
      tpu.wait_dma2 semaphore(%run_scoped3A : memref<!tpu.dma_semaphore, #tpu.memory_space<semaphore_mem>>) src(%dma_wait3A_137 : memref<40x128xi32, #tpu.memory_space<hbm>>) dst(%dma_wait3A_135 : memref<40x128xi32, #tpu.memory_space<vmem>>)
      tpu.yield
    }) : () -> ()
    %mul3A_70 = arith.constant 2 : i32
    %mul3A_71 = arith.muli %arg1, %mul3A_70 : i32
    %add3A_72 = arith.constant 1 : i32
    %add3A_73 = arith.addi %mul3A_71, %add3A_72 : i32
    %mul3A_74 = arith.constant 40 : i32
    %mul3A_75 = arith.muli %add3A_73, %mul3A_74 : i32
    "tpu.region"() ({
      %run_scoped3A = tpu.sem_alloc : memref<!tpu.dma_semaphore, #tpu.memory_space<semaphore_mem>>
      %dma_start3A_119 = arith.constant 40 : i32
      %dma_start3A_120 = arith.constant 0 : i32
      %dma_start3A_121 = tpu.memref_slice %arg6[%dma_start3A_119, %dma_start3A_120] : memref<80x128xi32, #tpu.memory_space<vmem>> -> memref<40x128xi32, #tpu.memory_space<vmem>>
      %dma_start3A_122 = arith.constant 0 : i32
      %dma_start3A_123 = tpu.memref_slice %arg4[%mul3A_75, %dma_start3A_122] : memref<1280x128xi32, #tpu.memory_space<hbm>> -> memref<40x128xi32, #tpu.memory_space<hbm>>
      %dma_start3A_124 = arith.constant 40 : i32
      %dma_start3A_125 = arith.constant 0 : i32
      %dma_start3A_126 = tpu.memref_slice %arg6[%dma_start3A_124, %dma_start3A_125] : memref<80x128xi32, #tpu.memory_space<vmem>> -> memref<40x128xi32, #tpu.memory_space<vmem>>
      %dma_start3A_127 = arith.constant 0 : i32
      %dma_start3A_128 = tpu.memref_slice %arg4[%mul3A_75, %dma_start3A_127] : memref<1280x128xi32, #tpu.memory_space<hbm>> -> memref<40x128xi32, #tpu.memory_space<hbm>>
      tpu.enqueue_dma source(%dma_start3A_128 : memref<40x128xi32, #tpu.memory_space<hbm>>) target(%dma_start3A_126 : memref<40x128xi32, #tpu.memory_space<vmem>>) target_semaphore(%run_scoped3A : memref<!tpu.dma_semaphore, #tpu.memory_space<semaphore_mem>>)
      %dma_wait3A = arith.constant 40 : i32
      %dma_wait3A_129 = arith.constant 0 : i32
      %dma_wait3A_130 = tpu.memref_slice %arg6[%dma_wait3A, %dma_wait3A_129] : memref<80x128xi32, #tpu.memory_space<vmem>> -> memref<40x128xi32, #tpu.memory_space<vmem>>
      %dma_wait3A_131 = arith.constant 0 : i32
      %dma_wait3A_132 = tpu.memref_slice %arg4[%mul3A_75, %dma_wait3A_131] : memref<1280x128xi32, #tpu.memory_space<hbm>> -> memref<40x128xi32, #tpu.memory_space<hbm>>
      %dma_wait3A_133 = arith.constant 40 : i32
      %dma_wait3A_134 = arith.constant 0 : i32
      %dma_wait3A_135 = tpu.memref_slice %arg6[%dma_wait3A_133, %dma_wait3A_134] : memref<80x128xi32, #tpu.memory_space<vmem>> -> memref<40x128xi32, #tpu.memory_space<vmem>>
      %dma_wait3A_136 = arith.constant 0 : i32
      %dma_wait3A_137 = tpu.memref_slice %arg4[%mul3A_75, %dma_wait3A_136] : memref<1280x128xi32, #tpu.memory_space<hbm>> -> memref<40x128xi32, #tpu.memory_space<hbm>>
      tpu.wait_dma2 semaphore(%run_scoped3A : memref<!tpu.dma_semaphore, #tpu.memory_space<semaphore_mem>>) src(%dma_wait3A_137 : memref<40x128xi32, #tpu.memory_space<hbm>>) dst(%dma_wait3A_135 : memref<40x128xi32, #tpu.memory_space<vmem>>)
      tpu.yield
    }) : () -> ()
    %dma_start3A_76 = arith.constant 0 : i32
    %dma_start3A_77 = arith.constant 0 : i32
    %dma_start3A_78 = tpu.memref_slice %arg6[%dma_start3A_76, %dma_start3A_77] : memref<80x128xi32, #tpu.memory_space<vmem>> -> memref<1x64xi32, #tpu.memory_space<vmem>>
    %dma_start3A_79 = tpu.memref_squeeze %dma_start3A_78 : memref<1x64xi32, #tpu.memory_space<vmem>> -> memref<64xi32, #tpu.memory_space<vmem>>
    %dma_start3A_80 = arith.constant 0 : i32
    %dma_start3A_81 = arith.constant 0 : i32
    %dma_start3A_82 = tpu.memref_slice %arg2[%dma_start3A_80, %dma_start3A_81] : memref<20000x128xf32, #tpu.memory_space<hbm>> -> memref<20000x128xf32, #tpu.memory_space<hbm>>
    tpu.enqueue_indirect_dma source(%dma_start3A_82 : memref<20000x128xf32, #tpu.memory_space<hbm>>) target(%arg7 : memref<64x128xf32, #tpu.memory_space<vmem>>) offsets(%dma_start3A_79 : memref<64xi32, #tpu.memory_space<vmem>>) semaphore(%arg12 : memref<!tpu.dma_semaphore, #tpu.memory_space<semaphore_mem>>)
    %dma_start3A_83 = arith.constant 0 : i32
    %dma_start3A_84 = arith.constant 64 : i32
    %dma_start3A_85 = tpu.memref_slice %arg6[%dma_start3A_83, %dma_start3A_84] : memref<80x128xi32, #tpu.memory_space<vmem>> -> memref<1x64xi32, #tpu.memory_space<vmem>>
    %dma_start3A_86 = tpu.memref_squeeze %dma_start3A_85 : memref<1x64xi32, #tpu.memory_space<vmem>> -> memref<64xi32, #tpu.memory_space<vmem>>
    %dma_start3A_87 = arith.constant 0 : i32
    %dma_start3A_88 = arith.constant 0 : i32
    %dma_start3A_89 = tpu.memref_slice %arg2[%dma_start3A_87, %dma_start3A_88] : memref<20000x128xf32, #tpu.memory_space<hbm>> -> memref<20000x128xf32, #tpu.memory_space<hbm>>
    tpu.enqueue_indirect_dma source(%dma_start3A_89 : memref<20000x128xf32, #tpu.memory_space<hbm>>) target(%arg8 : memref<64x128xf32, #tpu.memory_space<vmem>>) offsets(%dma_start3A_86 : memref<64xi32, #tpu.memory_space<vmem>>) semaphore(%arg13 : memref<!tpu.dma_semaphore, #tpu.memory_space<semaphore_mem>>)
    %dma_start3A_90 = arith.constant 1 : i32
    %dma_start3A_91 = arith.constant 0 : i32
    %dma_start3A_92 = tpu.memref_slice %arg6[%dma_start3A_90, %dma_start3A_91] : memref<80x128xi32, #tpu.memory_space<vmem>> -> memref<1x64xi32, #tpu.memory_space<vmem>>
    %dma_start3A_93 = tpu.memref_squeeze %dma_start3A_92 : memref<1x64xi32, #tpu.memory_space<vmem>> -> memref<64xi32, #tpu.memory_space<vmem>>
    %dma_start3A_94 = arith.constant 0 : i32
    %dma_start3A_95 = arith.constant 0 : i32
    %dma_start3A_96 = tpu.memref_slice %arg2[%dma_start3A_94, %dma_start3A_95] : memref<20000x128xf32, #tpu.memory_space<hbm>> -> memref<20000x128xf32, #tpu.memory_space<hbm>>
    tpu.enqueue_indirect_dma source(%dma_start3A_96 : memref<20000x128xf32, #tpu.memory_space<hbm>>) target(%arg9 : memref<64x128xf32, #tpu.memory_space<vmem>>) offsets(%dma_start3A_93 : memref<64xi32, #tpu.memory_space<vmem>>) semaphore(%arg14 : memref<!tpu.dma_semaphore, #tpu.memory_space<semaphore_mem>>)
    %dma_start3A_97 = arith.constant 1 : i32
    %dma_start3A_98 = arith.constant 64 : i32
    %dma_start3A_99 = tpu.memref_slice %arg6[%dma_start3A_97, %dma_start3A_98] : memref<80x128xi32, #tpu.memory_space<vmem>> -> memref<1x64xi32, #tpu.memory_space<vmem>>
    %dma_start3A_100 = tpu.memref_squeeze %dma_start3A_99 : memref<1x64xi32, #tpu.memory_space<vmem>> -> memref<64xi32, #tpu.memory_space<vmem>>
    %dma_start3A_101 = arith.constant 0 : i32
    %dma_start3A_102 = arith.constant 0 : i32
    %dma_start3A_103 = tpu.memref_slice %arg2[%dma_start3A_101, %dma_start3A_102] : memref<20000x128xf32, #tpu.memory_space<hbm>> -> memref<20000x128xf32, #tpu.memory_space<hbm>>
    tpu.enqueue_indirect_dma source(%dma_start3A_103 : memref<20000x128xf32, #tpu.memory_space<hbm>>) target(%arg10 : memref<64x128xf32, #tpu.memory_space<vmem>>) offsets(%dma_start3A_100 : memref<64xi32, #tpu.memory_space<vmem>>) semaphore(%arg15 : memref<!tpu.dma_semaphore, #tpu.memory_space<semaphore_mem>>)
    %scan3A_104 = arith.constant 0 : i32
    %scan3A_105 = arith.constant 0 : i32
    %scan3A_106 = arith.constant 20 : i32
    %scan3A_107 = arith.addi %scan3A_105, %scan3A_106 : i32
    %scan3A_108 = arith.constant 1 : i32
    %scan3A_109 = scf.for %scan3A_119 = %scan3A_105 to %scan3A_107 step %scan3A_108 iter_args(%scan3A_120 = %scan3A_104) -> (i32)  : i32 {
      %mul3A_121 = arith.constant 2 : i32
      %mul3A_122 = arith.muli %scan3A_119, %mul3A_121 : i32
      %add3A_123 = arith.constant 0 : i32
      %add3A_124 = arith.addi %mul3A_122, %add3A_123 : i32
      %add3A_125 = arith.constant 40 : i32
      %add3A_126 = arith.addi %add3A_125, %add3A_124 : i32
      %dma_wait3A = arith.constant 0 : i32
      %dma_wait3A_127 = tpu.memref_slice %arg6[%add3A_124, %dma_wait3A] : memref<80x128xi32, #tpu.memory_space<vmem>> -> memref<1x64xi32, #tpu.memory_space<vmem>>
      %dma_wait3A_128 = tpu.memref_squeeze %dma_wait3A_127 : memref<1x64xi32, #tpu.memory_space<vmem>> -> memref<64xi32, #tpu.memory_space<vmem>>
      %dma_wait3A_129 = arith.constant 0 : i32
      %dma_wait3A_130 = arith.constant 0 : i32
      %dma_wait3A_131 = tpu.memref_slice %arg2[%dma_wait3A_129, %dma_wait3A_130] : memref<20000x128xf32, #tpu.memory_space<hbm>> -> memref<20000x128xf32, #tpu.memory_space<hbm>>
      tpu.wait_indirect_dma semaphore(%arg12 : memref<!tpu.dma_semaphore, #tpu.memory_space<semaphore_mem>>) src(%dma_wait3A_131 : memref<20000x128xf32, #tpu.memory_space<hbm>>) dst(%arg7 : memref<64x128xf32, #tpu.memory_space<vmem>>)
      %dma_start3A_132 = arith.constant 0 : i32
      %dma_start3A_133 = tpu.memref_slice %arg6[%add3A_126, %dma_start3A_132] : memref<80x128xi32, #tpu.memory_space<vmem>> -> memref<1x64xi32, #tpu.memory_space<vmem>>
      %dma_start3A_134 = tpu.memref_squeeze %dma_start3A_133 : memref<1x64xi32, #tpu.memory_space<vmem>> -> memref<64xi32, #tpu.memory_space<vmem>>
      %dma_start3A_135 = arith.constant 0 : i32
      %dma_start3A_136 = arith.constant 0 : i32
      %dma_start3A_137 = tpu.memref_slice %arg11[%dma_start3A_135, %dma_start3A_136] : memref<10240x128xf32, #tpu.memory_space<vmem_shared>> -> memref<10240x128xf32, #tpu.memory_space<vmem_shared>>
      tpu.enqueue_indirect_dma source(%arg7 : memref<64x128xf32, #tpu.memory_space<vmem>>) target(%dma_start3A_137 : memref<10240x128xf32, #tpu.memory_space<vmem_shared>>) offsets(%dma_start3A_134 : memref<64xi32, #tpu.memory_space<vmem>>) semaphore(%arg16 : memref<!tpu.dma_semaphore, #tpu.memory_space<semaphore_mem>>) {add = true}
      %dma_wait3A_138 = arith.constant 0 : i32
      %dma_wait3A_139 = tpu.memref_slice %arg6[%add3A_126, %dma_wait3A_138] : memref<80x128xi32, #tpu.memory_space<vmem>> -> memref<1x64xi32, #tpu.memory_space<vmem>>
      %dma_wait3A_140 = tpu.memref_squeeze %dma_wait3A_139 : memref<1x64xi32, #tpu.memory_space<vmem>> -> memref<64xi32, #tpu.memory_space<vmem>>
      %dma_wait3A_141 = arith.constant 0 : i32
      %dma_wait3A_142 = arith.constant 0 : i32
      %dma_wait3A_143 = tpu.memref_slice %arg11[%dma_wait3A_141, %dma_wait3A_142] : memref<10240x128xf32, #tpu.memory_space<vmem_shared>> -> memref<10240x128xf32, #tpu.memory_space<vmem_shared>>
      tpu.wait_indirect_dma semaphore(%arg16 : memref<!tpu.dma_semaphore, #tpu.memory_space<semaphore_mem>>) src(%arg7 : memref<64x128xf32, #tpu.memory_space<vmem>>) dst(%dma_wait3A_143 : memref<10240x128xf32, #tpu.memory_space<vmem_shared>>)
      %add3A_144 = arith.constant 2 : i32
      %add3A_145 = arith.addi %add3A_124, %add3A_144 : i32
      %lt3A = arith.constant 40 : i32
      %lt3A_146 = arith.cmpi slt, %add3A_145, %lt3A : i32
      %convert_element_type3A = arith.extui %lt3A_146 : i1 to i32
      %cond3A = arith.constant 0 : i32
      %cond3A_147 = arith.cmpi ne, %convert_element_type3A, %cond3A : i32
      scf.if %cond3A_147 {
        %add3A_242 = arith.constant 2 : i32
        %add3A_243 = arith.addi %add3A_124, %add3A_242 : i32
        %dma_start3A_244 = arith.constant 0 : i32
        %dma_start3A_245 = tpu.memref_slice %arg6[%add3A_243, %dma_start3A_244] : memref<80x128xi32, #tpu.memory_space<vmem>> -> memref<1x64xi32, #tpu.memory_space<vmem>>
        %dma_start3A_246 = tpu.memref_squeeze %dma_start3A_245 : memref<1x64xi32, #tpu.memory_space<vmem>> -> memref<64xi32, #tpu.memory_space<vmem>>
        %dma_start3A_247 = arith.constant 0 : i32
        %dma_start3A_248 = arith.constant 0 : i32
        %dma_start3A_249 = tpu.memref_slice %arg2[%dma_start3A_247, %dma_start3A_248] : memref<20000x128xf32, #tpu.memory_space<hbm>> -> memref<20000x128xf32, #tpu.memory_space<hbm>>
        tpu.enqueue_indirect_dma source(%dma_start3A_249 : memref<20000x128xf32, #tpu.memory_space<hbm>>) target(%arg7 : memref<64x128xf32, #tpu.memory_space<vmem>>) offsets(%dma_start3A_246 : memref<64xi32, #tpu.memory_space<vmem>>) semaphore(%arg12 : memref<!tpu.dma_semaphore, #tpu.memory_space<semaphore_mem>>)
      } else {
      }
      %mul3A_148 = arith.constant 2 : i32
      %mul3A_149 = arith.muli %scan3A_119, %mul3A_148 : i32
      %add3A_150 = arith.constant 0 : i32
      %add3A_151 = arith.addi %mul3A_149, %add3A_150 : i32
      %add3A_152 = arith.constant 40 : i32
      %add3A_153 = arith.addi %add3A_152, %add3A_151 : i32
      %dma_wait3A_154 = arith.constant 64 : i32
      %dma_wait3A_155 = tpu.memref_slice %arg6[%add3A_151, %dma_wait3A_154] : memref<80x128xi32, #tpu.memory_space<vmem>> -> memref<1x64xi32, #tpu.memory_space<vmem>>
      %dma_wait3A_156 = tpu.memref_squeeze %dma_wait3A_155 : memref<1x64xi32, #tpu.memory_space<vmem>> -> memref<64xi32, #tpu.memory_space<vmem>>
      %dma_wait3A_157 = arith.constant 0 : i32
      %dma_wait3A_158 = arith.constant 0 : i32
      %dma_wait3A_159 = tpu.memref_slice %arg2[%dma_wait3A_157, %dma_wait3A_158] : memref<20000x128xf32, #tpu.memory_space<hbm>> -> memref<20000x128xf32, #tpu.memory_space<hbm>>
      tpu.wait_indirect_dma semaphore(%arg13 : memref<!tpu.dma_semaphore, #tpu.memory_space<semaphore_mem>>) src(%dma_wait3A_159 : memref<20000x128xf32, #tpu.memory_space<hbm>>) dst(%arg8 : memref<64x128xf32, #tpu.memory_space<vmem>>)
      %dma_start3A_160 = arith.constant 64 : i32
      %dma_start3A_161 = tpu.memref_slice %arg6[%add3A_153, %dma_start3A_160] : memref<80x128xi32, #tpu.memory_space<vmem>> -> memref<1x64xi32, #tpu.memory_space<vmem>>
      %dma_start3A_162 = tpu.memref_squeeze %dma_start3A_161 : memref<1x64xi32, #tpu.memory_space<vmem>> -> memref<64xi32, #tpu.memory_space<vmem>>
      %dma_start3A_163 = arith.constant 0 : i32
      %dma_start3A_164 = arith.constant 0 : i32
      %dma_start3A_165 = tpu.memref_slice %arg11[%dma_start3A_163, %dma_start3A_164] : memref<10240x128xf32, #tpu.memory_space<vmem_shared>> -> memref<10240x128xf32, #tpu.memory_space<vmem_shared>>
      tpu.enqueue_indirect_dma source(%arg8 : memref<64x128xf32, #tpu.memory_space<vmem>>) target(%dma_start3A_165 : memref<10240x128xf32, #tpu.memory_space<vmem_shared>>) offsets(%dma_start3A_162 : memref<64xi32, #tpu.memory_space<vmem>>) semaphore(%arg17 : memref<!tpu.dma_semaphore, #tpu.memory_space<semaphore_mem>>) {add = true}
      %dma_wait3A_166 = arith.constant 64 : i32
      %dma_wait3A_167 = tpu.memref_slice %arg6[%add3A_153, %dma_wait3A_166] : memref<80x128xi32, #tpu.memory_space<vmem>> -> memref<1x64xi32, #tpu.memory_space<vmem>>
      %dma_wait3A_168 = tpu.memref_squeeze %dma_wait3A_167 : memref<1x64xi32, #tpu.memory_space<vmem>> -> memref<64xi32, #tpu.memory_space<vmem>>
      %dma_wait3A_169 = arith.constant 0 : i32
      %dma_wait3A_170 = arith.constant 0 : i32
      %dma_wait3A_171 = tpu.memref_slice %arg11[%dma_wait3A_169, %dma_wait3A_170] : memref<10240x128xf32, #tpu.memory_space<vmem_shared>> -> memref<10240x128xf32, #tpu.memory_space<vmem_shared>>
      tpu.wait_indirect_dma semaphore(%arg17 : memref<!tpu.dma_semaphore, #tpu.memory_space<semaphore_mem>>) src(%arg8 : memref<64x128xf32, #tpu.memory_space<vmem>>) dst(%dma_wait3A_171 : memref<10240x128xf32, #tpu.memory_space<vmem_shared>>)
      %add3A_172 = arith.constant 2 : i32
      %add3A_173 = arith.addi %add3A_151, %add3A_172 : i32
      %lt3A_174 = arith.constant 40 : i32
      %lt3A_175 = arith.cmpi slt, %add3A_173, %lt3A_174 : i32
      %convert_element_type3A_176 = arith.extui %lt3A_175 : i1 to i32
      %cond3A_177 = arith.constant 0 : i32
      %cond3A_178 = arith.cmpi ne, %convert_element_type3A_176, %cond3A_177 : i32
      scf.if %cond3A_178 {
        %add3A_242 = arith.constant 2 : i32
        %add3A_243 = arith.addi %add3A_151, %add3A_242 : i32
        %dma_start3A_244 = arith.constant 64 : i32
        %dma_start3A_245 = tpu.memref_slice %arg6[%add3A_243, %dma_start3A_244] : memref<80x128xi32, #tpu.memory_space<vmem>> -> memref<1x64xi32, #tpu.memory_space<vmem>>
        %dma_start3A_246 = tpu.memref_squeeze %dma_start3A_245 : memref<1x64xi32, #tpu.memory_space<vmem>> -> memref<64xi32, #tpu.memory_space<vmem>>
        %dma_start3A_247 = arith.constant 0 : i32
        %dma_start3A_248 = arith.constant 0 : i32
        %dma_start3A_249 = tpu.memref_slice %arg2[%dma_start3A_247, %dma_start3A_248] : memref<20000x128xf32, #tpu.memory_space<hbm>> -> memref<20000x128xf32, #tpu.memory_space<hbm>>
        tpu.enqueue_indirect_dma source(%dma_start3A_249 : memref<20000x128xf32, #tpu.memory_space<hbm>>) target(%arg8 : memref<64x128xf32, #tpu.memory_space<vmem>>) offsets(%dma_start3A_246 : memref<64xi32, #tpu.memory_space<vmem>>) semaphore(%arg13 : memref<!tpu.dma_semaphore, #tpu.memory_space<semaphore_mem>>)
      } else {
      }
      %mul3A_179 = arith.constant 2 : i32
      %mul3A_180 = arith.muli %scan3A_119, %mul3A_179 : i32
      %add3A_181 = arith.constant 1 : i32
      %add3A_182 = arith.addi %mul3A_180, %add3A_181 : i32
      %add3A_183 = arith.constant 40 : i32
      %add3A_184 = arith.addi %add3A_183, %add3A_182 : i32
      %dma_wait3A_185 = arith.constant 0 : i32
      %dma_wait3A_186 = tpu.memref_slice %arg6[%add3A_182, %dma_wait3A_185] : memref<80x128xi32, #tpu.memory_space<vmem>> -> memref<1x64xi32, #tpu.memory_space<vmem>>
      %dma_wait3A_187 = tpu.memref_squeeze %dma_wait3A_186 : memref<1x64xi32, #tpu.memory_space<vmem>> -> memref<64xi32, #tpu.memory_space<vmem>>
      %dma_wait3A_188 = arith.constant 0 : i32
      %dma_wait3A_189 = arith.constant 0 : i32
      %dma_wait3A_190 = tpu.memref_slice %arg2[%dma_wait3A_188, %dma_wait3A_189] : memref<20000x128xf32, #tpu.memory_space<hbm>> -> memref<20000x128xf32, #tpu.memory_space<hbm>>
      tpu.wait_indirect_dma semaphore(%arg14 : memref<!tpu.dma_semaphore, #tpu.memory_space<semaphore_mem>>) src(%dma_wait3A_190 : memref<20000x128xf32, #tpu.memory_space<hbm>>) dst(%arg9 : memref<64x128xf32, #tpu.memory_space<vmem>>)
      %dma_start3A_191 = arith.constant 0 : i32
      %dma_start3A_192 = tpu.memref_slice %arg6[%add3A_184, %dma_start3A_191] : memref<80x128xi32, #tpu.memory_space<vmem>> -> memref<1x64xi32, #tpu.memory_space<vmem>>
      %dma_start3A_193 = tpu.memref_squeeze %dma_start3A_192 : memref<1x64xi32, #tpu.memory_space<vmem>> -> memref<64xi32, #tpu.memory_space<vmem>>
      %dma_start3A_194 = arith.constant 0 : i32
      %dma_start3A_195 = arith.constant 0 : i32
      %dma_start3A_196 = tpu.memref_slice %arg11[%dma_start3A_194, %dma_start3A_195] : memref<10240x128xf32, #tpu.memory_space<vmem_shared>> -> memref<10240x128xf32, #tpu.memory_space<vmem_shared>>
      tpu.enqueue_indirect_dma source(%arg9 : memref<64x128xf32, #tpu.memory_space<vmem>>) target(%dma_start3A_196 : memref<10240x128xf32, #tpu.memory_space<vmem_shared>>) offsets(%dma_start3A_193 : memref<64xi32, #tpu.memory_space<vmem>>) semaphore(%arg18 : memref<!tpu.dma_semaphore, #tpu.memory_space<semaphore_mem>>) {add = true}
      %dma_wait3A_197 = arith.constant 0 : i32
      %dma_wait3A_198 = tpu.memref_slice %arg6[%add3A_184, %dma_wait3A_197] : memref<80x128xi32, #tpu.memory_space<vmem>> -> memref<1x64xi32, #tpu.memory_space<vmem>>
      %dma_wait3A_199 = tpu.memref_squeeze %dma_wait3A_198 : memref<1x64xi32, #tpu.memory_space<vmem>> -> memref<64xi32, #tpu.memory_space<vmem>>
      %dma_wait3A_200 = arith.constant 0 : i32
      %dma_wait3A_201 = arith.constant 0 : i32
      %dma_wait3A_202 = tpu.memref_slice %arg11[%dma_wait3A_200, %dma_wait3A_201] : memref<10240x128xf32, #tpu.memory_space<vmem_shared>> -> memref<10240x128xf32, #tpu.memory_space<vmem_shared>>
      tpu.wait_indirect_dma semaphore(%arg18 : memref<!tpu.dma_semaphore, #tpu.memory_space<semaphore_mem>>) src(%arg9 : memref<64x128xf32, #tpu.memory_space<vmem>>) dst(%dma_wait3A_202 : memref<10240x128xf32, #tpu.memory_space<vmem_shared>>)
      %add3A_203 = arith.constant 2 : i32
      %add3A_204 = arith.addi %add3A_182, %add3A_203 : i32
      %lt3A_205 = arith.constant 40 : i32
      %lt3A_206 = arith.cmpi slt, %add3A_204, %lt3A_205 : i32
      %convert_element_type3A_207 = arith.extui %lt3A_206 : i1 to i32
      %cond3A_208 = arith.constant 0 : i32
      %cond3A_209 = arith.cmpi ne, %convert_element_type3A_207, %cond3A_208 : i32
      scf.if %cond3A_209 {
        %add3A_242 = arith.constant 2 : i32
        %add3A_243 = arith.addi %add3A_182, %add3A_242 : i32
        %dma_start3A_244 = arith.constant 0 : i32
        %dma_start3A_245 = tpu.memref_slice %arg6[%add3A_243, %dma_start3A_244] : memref<80x128xi32, #tpu.memory_space<vmem>> -> memref<1x64xi32, #tpu.memory_space<vmem>>
        %dma_start3A_246 = tpu.memref_squeeze %dma_start3A_245 : memref<1x64xi32, #tpu.memory_space<vmem>> -> memref<64xi32, #tpu.memory_space<vmem>>
        %dma_start3A_247 = arith.constant 0 : i32
        %dma_start3A_248 = arith.constant 0 : i32
        %dma_start3A_249 = tpu.memref_slice %arg2[%dma_start3A_247, %dma_start3A_248] : memref<20000x128xf32, #tpu.memory_space<hbm>> -> memref<20000x128xf32, #tpu.memory_space<hbm>>
        tpu.enqueue_indirect_dma source(%dma_start3A_249 : memref<20000x128xf32, #tpu.memory_space<hbm>>) target(%arg9 : memref<64x128xf32, #tpu.memory_space<vmem>>) offsets(%dma_start3A_246 : memref<64xi32, #tpu.memory_space<vmem>>) semaphore(%arg14 : memref<!tpu.dma_semaphore, #tpu.memory_space<semaphore_mem>>)
      } else {
      }
      %mul3A_210 = arith.constant 2 : i32
      %mul3A_211 = arith.muli %scan3A_119, %mul3A_210 : i32
      %add3A_212 = arith.constant 1 : i32
      %add3A_213 = arith.addi %mul3A_211, %add3A_212 : i32
      %add3A_214 = arith.constant 40 : i32
      %add3A_215 = arith.addi %add3A_214, %add3A_213 : i32
      %dma_wait3A_216 = arith.constant 64 : i32
      %dma_wait3A_217 = tpu.memref_slice %arg6[%add3A_213, %dma_wait3A_216] : memref<80x128xi32, #tpu.memory_space<vmem>> -> memref<1x64xi32, #tpu.memory_space<vmem>>
      %dma_wait3A_218 = tpu.memref_squeeze %dma_wait3A_217 : memref<1x64xi32, #tpu.memory_space<vmem>> -> memref<64xi32, #tpu.memory_space<vmem>>
      %dma_wait3A_219 = arith.constant 0 : i32
      %dma_wait3A_220 = arith.constant 0 : i32
      %dma_wait3A_221 = tpu.memref_slice %arg2[%dma_wait3A_219, %dma_wait3A_220] : memref<20000x128xf32, #tpu.memory_space<hbm>> -> memref<20000x128xf32, #tpu.memory_space<hbm>>
      tpu.wait_indirect_dma semaphore(%arg15 : memref<!tpu.dma_semaphore, #tpu.memory_space<semaphore_mem>>) src(%dma_wait3A_221 : memref<20000x128xf32, #tpu.memory_space<hbm>>) dst(%arg10 : memref<64x128xf32, #tpu.memory_space<vmem>>)
      %dma_start3A_222 = arith.constant 64 : i32
      %dma_start3A_223 = tpu.memref_slice %arg6[%add3A_215, %dma_start3A_222] : memref<80x128xi32, #tpu.memory_space<vmem>> -> memref<1x64xi32, #tpu.memory_space<vmem>>
      %dma_start3A_224 = tpu.memref_squeeze %dma_start3A_223 : memref<1x64xi32, #tpu.memory_space<vmem>> -> memref<64xi32, #tpu.memory_space<vmem>>
      %dma_start3A_225 = arith.constant 0 : i32
      %dma_start3A_226 = arith.constant 0 : i32
      %dma_start3A_227 = tpu.memref_slice %arg11[%dma_start3A_225, %dma_start3A_226] : memref<10240x128xf32, #tpu.memory_space<vmem_shared>> -> memref<10240x128xf32, #tpu.memory_space<vmem_shared>>
      tpu.enqueue_indirect_dma source(%arg10 : memref<64x128xf32, #tpu.memory_space<vmem>>) target(%dma_start3A_227 : memref<10240x128xf32, #tpu.memory_space<vmem_shared>>) offsets(%dma_start3A_224 : memref<64xi32, #tpu.memory_space<vmem>>) semaphore(%arg19 : memref<!tpu.dma_semaphore, #tpu.memory_space<semaphore_mem>>) {add = true}
      %dma_wait3A_228 = arith.constant 64 : i32
      %dma_wait3A_229 = tpu.memref_slice %arg6[%add3A_215, %dma_wait3A_228] : memref<80x128xi32, #tpu.memory_space<vmem>> -> memref<1x64xi32, #tpu.memory_space<vmem>>
      %dma_wait3A_230 = tpu.memref_squeeze %dma_wait3A_229 : memref<1x64xi32, #tpu.memory_space<vmem>> -> memref<64xi32, #tpu.memory_space<vmem>>
      %dma_wait3A_231 = arith.constant 0 : i32
      %dma_wait3A_232 = arith.constant 0 : i32
      %dma_wait3A_233 = tpu.memref_slice %arg11[%dma_wait3A_231, %dma_wait3A_232] : memref<10240x128xf32, #tpu.memory_space<vmem_shared>> -> memref<10240x128xf32, #tpu.memory_space<vmem_shared>>
      tpu.wait_indirect_dma semaphore(%arg19 : memref<!tpu.dma_semaphore, #tpu.memory_space<semaphore_mem>>) src(%arg10 : memref<64x128xf32, #tpu.memory_space<vmem>>) dst(%dma_wait3A_233 : memref<10240x128xf32, #tpu.memory_space<vmem_shared>>)
      %add3A_234 = arith.constant 2 : i32
      %add3A_235 = arith.addi %add3A_213, %add3A_234 : i32
      %lt3A_236 = arith.constant 40 : i32
      %lt3A_237 = arith.cmpi slt, %add3A_235, %lt3A_236 : i32
      %convert_element_type3A_238 = arith.extui %lt3A_237 : i1 to i32
      %cond3A_239 = arith.constant 0 : i32
      %cond3A_240 = arith.cmpi ne, %convert_element_type3A_238, %cond3A_239 : i32
      scf.if %cond3A_240 {
        %add3A_242 = arith.constant 2 : i32
        %add3A_243 = arith.addi %add3A_213, %add3A_242 : i32
        %dma_start3A_244 = arith.constant 64 : i32
        %dma_start3A_245 = tpu.memref_slice %arg6[%add3A_243, %dma_start3A_244] : memref<80x128xi32, #tpu.memory_space<vmem>> -> memref<1x64xi32, #tpu.memory_space<vmem>>
        %dma_start3A_246 = tpu.memref_squeeze %dma_start3A_245 : memref<1x64xi32, #tpu.memory_space<vmem>> -> memref<64xi32, #tpu.memory_space<vmem>>
        %dma_start3A_247 = arith.constant 0 : i32
        %dma_start3A_248 = arith.constant 0 : i32
        %dma_start3A_249 = tpu.memref_slice %arg2[%dma_start3A_247, %dma_start3A_248] : memref<20000x128xf32, #tpu.memory_space<hbm>> -> memref<20000x128xf32, #tpu.memory_space<hbm>>
        tpu.enqueue_indirect_dma source(%dma_start3A_249 : memref<20000x128xf32, #tpu.memory_space<hbm>>) target(%arg10 : memref<64x128xf32, #tpu.memory_space<vmem>>) offsets(%dma_start3A_246 : memref<64xi32, #tpu.memory_space<vmem>>) semaphore(%arg15 : memref<!tpu.dma_semaphore, #tpu.memory_space<semaphore_mem>>)
      } else {
      }
      %scan3A_241 = arith.constant 0 : i32
      scf.yield %scan3A_241 : i32
    }
    %scan3A_110 = arith.constant 20 : i32
    %barrier3A_111 = arith.constant 0 : index
    tpu.barrier barrier_id(%barrier3A_111)
    %scan3A_112 = arith.constant 0 : i32
    %scan3A_113 = arith.constant 0 : i32
    %scan3A_114 = arith.constant 10 : i32
    %scan3A_115 = arith.addi %scan3A_113, %scan3A_114 : i32
    %scan3A_116 = arith.constant 1 : i32
    %scan3A_117 = scf.for %scan3A_119 = %scan3A_113 to %scan3A_115 step %scan3A_116 iter_args(%scan3A_120 = %scan3A_112) -> (i32)  : i32 {
      %mul3A_121 = arith.constant 640 : i32
      %mul3A_122 = arith.muli %arg1, %mul3A_121 : i32
      %mul3A_123 = arith.constant 64 : i32
      %mul3A_124 = arith.muli %scan3A_119, %mul3A_123 : i32
      %add3A_125 = arith.addi %mul3A_122, %mul3A_124 : i32
      "tpu.region"() ({
        %run_scoped3A = tpu.sem_alloc : memref<!tpu.dma_semaphore, #tpu.memory_space<semaphore_mem>>
        %dma_start3A_130 = arith.constant 0 : i32
        %dma_start3A_131 = tpu.memref_slice %arg11[%add3A_125, %dma_start3A_130] : memref<10240x128xf32, #tpu.memory_space<vmem_shared>> -> memref<64x128xf32, #tpu.memory_space<vmem_shared>>
        %dma_start3A_132 = arith.constant 0 : i32
        %dma_start3A_133 = tpu.memref_slice %arg11[%add3A_125, %dma_start3A_132] : memref<10240x128xf32, #tpu.memory_space<vmem_shared>> -> memref<64x128xf32, #tpu.memory_space<vmem_shared>>
        tpu.enqueue_dma source(%dma_start3A_133 : memref<64x128xf32, #tpu.memory_space<vmem_shared>>) target(%arg7 : memref<64x128xf32, #tpu.memory_space<vmem>>) target_semaphore(%run_scoped3A : memref<!tpu.dma_semaphore, #tpu.memory_space<semaphore_mem>>)
        %dma_wait3A = arith.constant 0 : i32
        %dma_wait3A_134 = tpu.memref_slice %arg11[%add3A_125, %dma_wait3A] : memref<10240x128xf32, #tpu.memory_space<vmem_shared>> -> memref<64x128xf32, #tpu.memory_space<vmem_shared>>
        %dma_wait3A_135 = arith.constant 0 : i32
        %dma_wait3A_136 = tpu.memref_slice %arg11[%add3A_125, %dma_wait3A_135] : memref<10240x128xf32, #tpu.memory_space<vmem_shared>> -> memref<64x128xf32, #tpu.memory_space<vmem_shared>>
        tpu.wait_dma2 semaphore(%run_scoped3A : memref<!tpu.dma_semaphore, #tpu.memory_space<semaphore_mem>>) src(%dma_wait3A_136 : memref<64x128xf32, #tpu.memory_space<vmem_shared>>) dst(%arg7 : memref<64x128xf32, #tpu.memory_space<vmem>>)
        tpu.yield
      }) : () -> ()
      %mul3A_126 = arith.constant 10240 : i32
      %mul3A_127 = arith.muli %arg0, %mul3A_126 : i32
      %add3A_128 = arith.addi %mul3A_127, %add3A_125 : i32
      "tpu.region"() ({
        %run_scoped3A = tpu.sem_alloc : memref<!tpu.dma_semaphore, #tpu.memory_space<semaphore_mem>>
        %dma_start3A_130 = arith.constant 0 : i32
        %dma_start3A_131 = tpu.memref_slice %arg5[%add3A_128, %dma_start3A_130] : memref<20480x128xf32, #tpu.memory_space<hbm>> -> memref<64x128xf32, #tpu.memory_space<hbm>>
        %dma_start3A_132 = arith.constant 0 : i32
        %dma_start3A_133 = tpu.memref_slice %arg5[%add3A_128, %dma_start3A_132] : memref<20480x128xf32, #tpu.memory_space<hbm>> -> memref<64x128xf32, #tpu.memory_space<hbm>>
        tpu.enqueue_dma source(%arg7 : memref<64x128xf32, #tpu.memory_space<vmem>>) target(%dma_start3A_133 : memref<64x128xf32, #tpu.memory_space<hbm>>) target_semaphore(%run_scoped3A : memref<!tpu.dma_semaphore, #tpu.memory_space<semaphore_mem>>)
        %dma_wait3A = arith.constant 0 : i32
        %dma_wait3A_134 = tpu.memref_slice %arg5[%add3A_128, %dma_wait3A] : memref<20480x128xf32, #tpu.memory_space<hbm>> -> memref<64x128xf32, #tpu.memory_space<hbm>>
        %dma_wait3A_135 = arith.constant 0 : i32
        %dma_wait3A_136 = tpu.memref_slice %arg5[%add3A_128, %dma_wait3A_135] : memref<20480x128xf32, #tpu.memory_space<hbm>> -> memref<64x128xf32, #tpu.memory_space<hbm>>
        tpu.wait_dma2 semaphore(%run_scoped3A : memref<!tpu.dma_semaphore, #tpu.memory_space<semaphore_mem>>) src(%arg7 : memref<64x128xf32, #tpu.memory_space<vmem>>) dst(%dma_wait3A_136 : memref<64x128xf32, #tpu.memory_space<hbm>>)
        tpu.yield
      }) : () -> ()
      %scan3A_129 = arith.constant 0 : i32
      scf.yield %scan3A_129 : i32
    }
    %scan3A_118 = arith.constant 10 : i32
    return
  }
}

#map = affine_map<(d0, d1) -> (0, 0)>
module attributes {stable_mosaic.version = 14 : i64} {
  func.func @_sc_agg(%arg0: i32, %arg1: i32, %arg2: memref<20000x128xf32, #tpu.memory_space<hbm>>, %arg3: memref<2560x128xi32, #tpu.memory_space<hbm>>, %arg4: memref<1280x128xi32, #tpu.memory_space<hbm>>, %arg5: memref<20480x128xf32, #tpu.memory_space<hbm>>, %arg6: memref<80x128xi32, #tpu.memory_space<vmem>>, %arg7: memref<64x128xf32, #tpu.memory_space<vmem>>, %arg8: memref<64x128xf32, #tpu.memory_space<vmem>>, %arg9: memref<64x128xf32, #tpu.memory_space<vmem>>, %arg10: memref<64x128xf32, #tpu.memory_space<vmem>>, %arg11: memref<10240x128xf32, #tpu.memory_space<vmem_shared>>, %arg12: memref<!tpu.dma_semaphore, #tpu.memory_space<semaphore_mem>>, %arg13: memref<!tpu.dma_semaphore, #tpu.memory_space<semaphore_mem>>, %arg14: memref<!tpu.dma_semaphore, #tpu.memory_space<semaphore_mem>>, %arg15: memref<!tpu.dma_semaphore, #tpu.memory_space<semaphore_mem>>, %arg16: memref<!tpu.dma_semaphore, #tpu.memory_space<semaphore_mem>>, %arg17: memref<!tpu.dma_semaphore, #tpu.memory_space<semaphore_mem>>, %arg18: memref<!tpu.dma_semaphore, #tpu.memory_space<semaphore_mem>>, %arg19: memref<!tpu.dma_semaphore, #tpu.memory_space<semaphore_mem>>) attributes {dimension_semantics = [#tpu.dimension_semantics<core_parallel>, #tpu.dimension_semantics<subcore_parallel>], iteration_bounds = array<i64: 2, 16>, scalar_prefetch = 0 : i64, scratch_operands = 14 : i64, tpu.core_type = #tpu.core_type<sc_vector_subcore>, window_params = [{transform_indices = #map}, {transform_indices = #map}, {transform_indices = #map}, {transform_indices = #map}]} {
    %broadcast_in_dim3A = arith.constant 0.000000e+00 : f32
    %broadcast_in_dim3A_0 = vector.broadcast %broadcast_in_dim3A : f32 to vector<16xf32>
    %scan3A = arith.constant 0 : i32
    %scan3A_1 = arith.constant 0 : i32
    %scan3A_2 = arith.constant 64 : i32
    %scan3A_3 = arith.addi %scan3A_1, %scan3A_2 : i32
    %scan3A_4 = arith.constant 1 : i32
    %scan3A_5 = scf.for %scan3A_119 = %scan3A_1 to %scan3A_3 step %scan3A_4 iter_args(%scan3A_120 = %scan3A) -> (i32)  : i32 {
      %swap3A = arith.index_cast %scan3A_119 : i32 to index
      %swap3A_121 = arith.constant 0 : index
      %swap3A_122 = tpu.vector_load %arg7[%swap3A, %swap3A_121] {strides = array<i32>} : memref<64x128xf32, #tpu.memory_space<vmem>>, vector<1x16xf32>,
      %swap3A_123 = vector.shape_cast %swap3A_122 : vector<1x16xf32> to vector<16xf32>
      %swap3A_124 = vector.shape_cast %broadcast_in_dim3A_0 : vector<16xf32> to vector<1x16xf32>
      tpu.vector_store %arg7[%swap3A, %swap3A_121], %swap3A_124 {strides = array<i32>} : memref<64x128xf32, #tpu.memory_space<vmem>>, vector<1x16xf32>,
      %swap3A_125 = arith.index_cast %scan3A_119 : i32 to index
      %swap3A_126 = arith.constant 16 : index
      %swap3A_127 = tpu.vector_load %arg7[%swap3A_125, %swap3A_126] {strides = array<i32>} : memref<64x128xf32, #tpu.memory_space<vmem>>, vector<1x16xf32>,
      %swap3A_128 = vector.shape_cast %swap3A_127 : vector<1x16xf32> to vector<16xf32>
      %swap3A_129 = vector.shape_cast %broadcast_in_dim3A_0 : vector<16xf32> to vector<1x16xf32>
      tpu.vector_store %arg7[%swap3A_125, %swap3A_126], %swap3A_129 {strides = array<i32>} : memref<64x128xf32, #tpu.memory_space<vmem>>, vector<1x16xf32>,
      %swap3A_130 = arith.index_cast %scan3A_119 : i32 to index
      %swap3A_131 = arith.constant 32 : index
      %swap3A_132 = tpu.vector_load %arg7[%swap3A_130, %swap3A_131] {strides = array<i32>} : memref<64x128xf32, #tpu.memory_space<vmem>>, vector<1x16xf32>,
      %swap3A_133 = vector.shape_cast %swap3A_132 : vector<1x16xf32> to vector<16xf32>
      %swap3A_134 = vector.shape_cast %broadcast_in_dim3A_0 : vector<16xf32> to vector<1x16xf32>
      tpu.vector_store %arg7[%swap3A_130, %swap3A_131], %swap3A_134 {strides = array<i32>} : memref<64x128xf32, #tpu.memory_space<vmem>>, vector<1x16xf32>,
      %swap3A_135 = arith.index_cast %scan3A_119 : i32 to index
      %swap3A_136 = arith.constant 48 : index
      %swap3A_137 = tpu.vector_load %arg7[%swap3A_135, %swap3A_136] {strides = array<i32>} : memref<64x128xf32, #tpu.memory_space<vmem>>, vector<1x16xf32>,
      %swap3A_138 = vector.shape_cast %swap3A_137 : vector<1x16xf32> to vector<16xf32>
      %swap3A_139 = vector.shape_cast %broadcast_in_dim3A_0 : vector<16xf32> to vector<1x16xf32>
      tpu.vector_store %arg7[%swap3A_135, %swap3A_136], %swap3A_139 {strides = array<i32>} : memref<64x128xf32, #tpu.memory_space<vmem>>, vector<1x16xf32>,
      %swap3A_140 = arith.index_cast %scan3A_119 : i32 to index
      %swap3A_141 = arith.constant 64 : index
      %swap3A_142 = tpu.vector_load %arg7[%swap3A_140, %swap3A_141] {strides = array<i32>} : memref<64x128xf32, #tpu.memory_space<vmem>>, vector<1x16xf32>,
      %swap3A_143 = vector.shape_cast %swap3A_142 : vector<1x16xf32> to vector<16xf32>
      %swap3A_144 = vector.shape_cast %broadcast_in_dim3A_0 : vector<16xf32> to vector<1x16xf32>
      tpu.vector_store %arg7[%swap3A_140, %swap3A_141], %swap3A_144 {strides = array<i32>} : memref<64x128xf32, #tpu.memory_space<vmem>>, vector<1x16xf32>,
      %swap3A_145 = arith.index_cast %scan3A_119 : i32 to index
      %swap3A_146 = arith.constant 80 : index
      %swap3A_147 = tpu.vector_load %arg7[%swap3A_145, %swap3A_146] {strides = array<i32>} : memref<64x128xf32, #tpu.memory_space<vmem>>, vector<1x16xf32>,
      %swap3A_148 = vector.shape_cast %swap3A_147 : vector<1x16xf32> to vector<16xf32>
      %swap3A_149 = vector.shape_cast %broadcast_in_dim3A_0 : vector<16xf32> to vector<1x16xf32>
      tpu.vector_store %arg7[%swap3A_145, %swap3A_146], %swap3A_149 {strides = array<i32>} : memref<64x128xf32, #tpu.memory_space<vmem>>, vector<1x16xf32>,
      %swap3A_150 = arith.index_cast %scan3A_119 : i32 to index
      %swap3A_151 = arith.constant 96 : index
      %swap3A_152 = tpu.vector_load %arg7[%swap3A_150, %swap3A_151] {strides = array<i32>} : memref<64x128xf32, #tpu.memory_space<vmem>>, vector<1x16xf32>,
      %swap3A_153 = vector.shape_cast %swap3A_152 : vector<1x16xf32> to vector<16xf32>
      %swap3A_154 = vector.shape_cast %broadcast_in_dim3A_0 : vector<16xf32> to vector<1x16xf32>
      tpu.vector_store %arg7[%swap3A_150, %swap3A_151], %swap3A_154 {strides = array<i32>} : memref<64x128xf32, #tpu.memory_space<vmem>>, vector<1x16xf32>,
      %swap3A_155 = arith.index_cast %scan3A_119 : i32 to index
      %swap3A_156 = arith.constant 112 : index
      %swap3A_157 = tpu.vector_load %arg7[%swap3A_155, %swap3A_156] {strides = array<i32>} : memref<64x128xf32, #tpu.memory_space<vmem>>, vector<1x16xf32>,
      %swap3A_158 = vector.shape_cast %swap3A_157 : vector<1x16xf32> to vector<16xf32>
      %swap3A_159 = vector.shape_cast %broadcast_in_dim3A_0 : vector<16xf32> to vector<1x16xf32>
      tpu.vector_store %arg7[%swap3A_155, %swap3A_156], %swap3A_159 {strides = array<i32>} : memref<64x128xf32, #tpu.memory_space<vmem>>, vector<1x16xf32>,
      %scan3A_160 = arith.constant 0 : i32
      scf.yield %scan3A_160 : i32
    }
    %scan3A_6 = arith.constant 64 : i32
    %scan3A_7 = arith.constant 0 : i32
    %scan3A_8 = arith.constant 0 : i32
    %scan3A_9 = arith.constant 10 : i32
    %scan3A_10 = arith.addi %scan3A_8, %scan3A_9 : i32
    %scan3A_11 = arith.constant 1 : i32
    %scan3A_12 = scf.for %scan3A_119 = %scan3A_8 to %scan3A_10 step %scan3A_11 iter_args(%scan3A_120 = %scan3A_7) -> (i32)  : i32 {
      %mul3A_121 = arith.constant 640 : i32
      %mul3A_122 = arith.muli %arg1, %mul3A_121 : i32
      %mul3A_123 = arith.constant 64 : i32
      %mul3A_124 = arith.muli %scan3A_119, %mul3A_123 : i32
      %add3A_125 = arith.addi %mul3A_122, %mul3A_124 : i32
      "tpu.region"() ({
        %run_scoped3A = tpu.sem_alloc : memref<!tpu.dma_semaphore, #tpu.memory_space<semaphore_mem>>
        %dma_start3A_127 = arith.constant 0 : i32
        %dma_start3A_128 = tpu.memref_slice %arg11[%add3A_125, %dma_start3A_127] : memref<10240x128xf32, #tpu.memory_space<vmem_shared>> -> memref<64x128xf32, #tpu.memory_space<vmem_shared>>
        %dma_start3A_129 = arith.constant 0 : i32
        %dma_start3A_130 = tpu.memref_slice %arg11[%add3A_125, %dma_start3A_129] : memref<10240x128xf32, #tpu.memory_space<vmem_shared>> -> memref<64x128xf32, #tpu.memory_space<vmem_shared>>
        tpu.enqueue_dma source(%arg7 : memref<64x128xf32, #tpu.memory_space<vmem>>) target(%dma_start3A_130 : memref<64x128xf32, #tpu.memory_space<vmem_shared>>) target_semaphore(%run_scoped3A : memref<!tpu.dma_semaphore, #tpu.memory_space<semaphore_mem>>)
        %dma_wait3A = arith.constant 0 : i32
        %dma_wait3A_131 = tpu.memref_slice %arg11[%add3A_125, %dma_wait3A] : memref<10240x128xf32, #tpu.memory_space<vmem_shared>> -> memref<64x128xf32, #tpu.memory_space<vmem_shared>>
        %dma_wait3A_132 = arith.constant 0 : i32
        %dma_wait3A_133 = tpu.memref_slice %arg11[%add3A_125, %dma_wait3A_132] : memref<10240x128xf32, #tpu.memory_space<vmem_shared>> -> memref<64x128xf32, #tpu.memory_space<vmem_shared>>
        tpu.wait_dma2 semaphore(%run_scoped3A : memref<!tpu.dma_semaphore, #tpu.memory_space<semaphore_mem>>) src(%arg7 : memref<64x128xf32, #tpu.memory_space<vmem>>) dst(%dma_wait3A_133 : memref<64x128xf32, #tpu.memory_space<vmem_shared>>)
        tpu.yield
      }) : () -> ()
      %scan3A_126 = arith.constant 0 : i32
      scf.yield %scan3A_126 : i32
    }
    %scan3A_13 = arith.constant 10 : i32
    %barrier3A = arith.constant 0 : index
    tpu.barrier barrier_id(%barrier3A)
    %mul3A = arith.constant 16 : i32
    %mul3A_14 = arith.muli %arg0, %mul3A : i32
    %add3A = arith.addi %mul3A_14, %arg1 : i32
    %mul3A_15 = arith.constant 2 : i32
    %mul3A_16 = arith.muli %add3A, %mul3A_15 : i32
    %add3A_17 = arith.constant 0 : i32
    %add3A_18 = arith.addi %mul3A_16, %add3A_17 : i32
    %mul3A_19 = arith.constant 40 : i32
    %mul3A_20 = arith.muli %add3A_18, %mul3A_19 : i32
    "tpu.region"() ({
      %run_scoped3A = tpu.sem_alloc : memref<!tpu.dma_semaphore, #tpu.memory_space<semaphore_mem>>
      %dma_start3A_119 = arith.constant 0 : i32
      %dma_start3A_120 = arith.constant 0 : i32
      %dma_start3A_121 = tpu.memref_slice %arg6[%dma_start3A_119, %dma_start3A_120] : memref<80x128xi32, #tpu.memory_space<vmem>> -> memref<40x128xi32, #tpu.memory_space<vmem>>
      %dma_start3A_122 = arith.constant 0 : i32
      %dma_start3A_123 = tpu.memref_slice %arg3[%mul3A_20, %dma_start3A_122] : memref<2560x128xi32, #tpu.memory_space<hbm>> -> memref<40x128xi32, #tpu.memory_space<hbm>>
      %dma_start3A_124 = arith.constant 0 : i32
      %dma_start3A_125 = arith.constant 0 : i32
      %dma_start3A_126 = tpu.memref_slice %arg6[%dma_start3A_124, %dma_start3A_125] : memref<80x128xi32, #tpu.memory_space<vmem>> -> memref<40x128xi32, #tpu.memory_space<vmem>>
      %dma_start3A_127 = arith.constant 0 : i32
      %dma_start3A_128 = tpu.memref_slice %arg3[%mul3A_20, %dma_start3A_127] : memref<2560x128xi32, #tpu.memory_space<hbm>> -> memref<40x128xi32, #tpu.memory_space<hbm>>
      tpu.enqueue_dma source(%dma_start3A_128 : memref<40x128xi32, #tpu.memory_space<hbm>>) target(%dma_start3A_126 : memref<40x128xi32, #tpu.memory_space<vmem>>) target_semaphore(%run_scoped3A : memref<!tpu.dma_semaphore, #tpu.memory_space<semaphore_mem>>)
      %dma_wait3A = arith.constant 0 : i32
      %dma_wait3A_129 = arith.constant 0 : i32
      %dma_wait3A_130 = tpu.memref_slice %arg6[%dma_wait3A, %dma_wait3A_129] : memref<80x128xi32, #tpu.memory_space<vmem>> -> memref<40x128xi32, #tpu.memory_space<vmem>>
      %dma_wait3A_131 = arith.constant 0 : i32
      %dma_wait3A_132 = tpu.memref_slice %arg3[%mul3A_20, %dma_wait3A_131] : memref<2560x128xi32, #tpu.memory_space<hbm>> -> memref<40x128xi32, #tpu.memory_space<hbm>>
      %dma_wait3A_133 = arith.constant 0 : i32
      %dma_wait3A_134 = arith.constant 0 : i32
      %dma_wait3A_135 = tpu.memref_slice %arg6[%dma_wait3A_133, %dma_wait3A_134] : memref<80x128xi32, #tpu.memory_space<vmem>> -> memref<40x128xi32, #tpu.memory_space<vmem>>
      %dma_wait3A_136 = arith.constant 0 : i32
      %dma_wait3A_137 = tpu.memref_slice %arg3[%mul3A_20, %dma_wait3A_136] : memref<2560x128xi32, #tpu.memory_space<hbm>> -> memref<40x128xi32, #tpu.memory_space<hbm>>
      tpu.wait_dma2 semaphore(%run_scoped3A : memref<!tpu.dma_semaphore, #tpu.memory_space<semaphore_mem>>) src(%dma_wait3A_137 : memref<40x128xi32, #tpu.memory_space<hbm>>) dst(%dma_wait3A_135 : memref<40x128xi32, #tpu.memory_space<vmem>>)
      tpu.yield
    }) : () -> ()
    %mul3A_21 = arith.constant 2 : i32
    %mul3A_22 = arith.muli %arg1, %mul3A_21 : i32
    %add3A_23 = arith.constant 0 : i32
    %add3A_24 = arith.addi %mul3A_22, %add3A_23 : i32
    %mul3A_25 = arith.constant 40 : i32
    %mul3A_26 = arith.muli %add3A_24, %mul3A_25 : i32
    "tpu.region"() ({
      %run_scoped3A = tpu.sem_alloc : memref<!tpu.dma_semaphore, #tpu.memory_space<semaphore_mem>>
      %dma_start3A_119 = arith.constant 40 : i32
      %dma_start3A_120 = arith.constant 0 : i32
      %dma_start3A_121 = tpu.memref_slice %arg6[%dma_start3A_119, %dma_start3A_120] : memref<80x128xi32, #tpu.memory_space<vmem>> -> memref<40x128xi32, #tpu.memory_space<vmem>>
      %dma_start3A_122 = arith.constant 0 : i32
      %dma_start3A_123 = tpu.memref_slice %arg4[%mul3A_26, %dma_start3A_122] : memref<1280x128xi32, #tpu.memory_space<hbm>> -> memref<40x128xi32, #tpu.memory_space<hbm>>
      %dma_start3A_124 = arith.constant 40 : i32
      %dma_start3A_125 = arith.constant 0 : i32
      %dma_start3A_126 = tpu.memref_slice %arg6[%dma_start3A_124, %dma_start3A_125] : memref<80x128xi32, #tpu.memory_space<vmem>> -> memref<40x128xi32, #tpu.memory_space<vmem>>
      %dma_start3A_127 = arith.constant 0 : i32
      %dma_start3A_128 = tpu.memref_slice %arg4[%mul3A_26, %dma_start3A_127] : memref<1280x128xi32, #tpu.memory_space<hbm>> -> memref<40x128xi32, #tpu.memory_space<hbm>>
      tpu.enqueue_dma source(%dma_start3A_128 : memref<40x128xi32, #tpu.memory_space<hbm>>) target(%dma_start3A_126 : memref<40x128xi32, #tpu.memory_space<vmem>>) target_semaphore(%run_scoped3A : memref<!tpu.dma_semaphore, #tpu.memory_space<semaphore_mem>>)
      %dma_wait3A = arith.constant 40 : i32
      %dma_wait3A_129 = arith.constant 0 : i32
      %dma_wait3A_130 = tpu.memref_slice %arg6[%dma_wait3A, %dma_wait3A_129] : memref<80x128xi32, #tpu.memory_space<vmem>> -> memref<40x128xi32, #tpu.memory_space<vmem>>
      %dma_wait3A_131 = arith.constant 0 : i32
      %dma_wait3A_132 = tpu.memref_slice %arg4[%mul3A_26, %dma_wait3A_131] : memref<1280x128xi32, #tpu.memory_space<hbm>> -> memref<40x128xi32, #tpu.memory_space<hbm>>
      %dma_wait3A_133 = arith.constant 40 : i32
      %dma_wait3A_134 = arith.constant 0 : i32
      %dma_wait3A_135 = tpu.memref_slice %arg6[%dma_wait3A_133, %dma_wait3A_134] : memref<80x128xi32, #tpu.memory_space<vmem>> -> memref<40x128xi32, #tpu.memory_space<vmem>>
      %dma_wait3A_136 = arith.constant 0 : i32
      %dma_wait3A_137 = tpu.memref_slice %arg4[%mul3A_26, %dma_wait3A_136] : memref<1280x128xi32, #tpu.memory_space<hbm>> -> memref<40x128xi32, #tpu.memory_space<hbm>>
      tpu.wait_dma2 semaphore(%run_scoped3A : memref<!tpu.dma_semaphore, #tpu.memory_space<semaphore_mem>>) src(%dma_wait3A_137 : memref<40x128xi32, #tpu.memory_space<hbm>>) dst(%dma_wait3A_135 : memref<40x128xi32, #tpu.memory_space<vmem>>)
      tpu.yield
    }) : () -> ()
    %dma_start3A = arith.constant 0 : i32
    %dma_start3A_27 = arith.constant 0 : i32
    %dma_start3A_28 = tpu.memref_slice %arg6[%dma_start3A, %dma_start3A_27] : memref<80x128xi32, #tpu.memory_space<vmem>> -> memref<1x64xi32, #tpu.memory_space<vmem>>
    %dma_start3A_29 = tpu.memref_squeeze %dma_start3A_28 : memref<1x64xi32, #tpu.memory_space<vmem>> -> memref<64xi32, #tpu.memory_space<vmem>>
    %dma_start3A_30 = arith.constant 0 : i32
    %dma_start3A_31 = arith.constant 0 : i32
    %dma_start3A_32 = tpu.memref_slice %arg2[%dma_start3A_30, %dma_start3A_31] : memref<20000x128xf32, #tpu.memory_space<hbm>> -> memref<20000x128xf32, #tpu.memory_space<hbm>>
    tpu.enqueue_indirect_dma source(%dma_start3A_32 : memref<20000x128xf32, #tpu.memory_space<hbm>>) target(%arg7 : memref<64x128xf32, #tpu.memory_space<vmem>>) offsets(%dma_start3A_29 : memref<64xi32, #tpu.memory_space<vmem>>) semaphore(%arg12 : memref<!tpu.dma_semaphore, #tpu.memory_space<semaphore_mem>>)
    %dma_start3A_33 = arith.constant 0 : i32
    %dma_start3A_34 = arith.constant 64 : i32
    %dma_start3A_35 = tpu.memref_slice %arg6[%dma_start3A_33, %dma_start3A_34] : memref<80x128xi32, #tpu.memory_space<vmem>> -> memref<1x64xi32, #tpu.memory_space<vmem>>
    %dma_start3A_36 = tpu.memref_squeeze %dma_start3A_35 : memref<1x64xi32, #tpu.memory_space<vmem>> -> memref<64xi32, #tpu.memory_space<vmem>>
    %dma_start3A_37 = arith.constant 0 : i32
    %dma_start3A_38 = arith.constant 0 : i32
    %dma_start3A_39 = tpu.memref_slice %arg2[%dma_start3A_37, %dma_start3A_38] : memref<20000x128xf32, #tpu.memory_space<hbm>> -> memref<20000x128xf32, #tpu.memory_space<hbm>>
    tpu.enqueue_indirect_dma source(%dma_start3A_39 : memref<20000x128xf32, #tpu.memory_space<hbm>>) target(%arg8 : memref<64x128xf32, #tpu.memory_space<vmem>>) offsets(%dma_start3A_36 : memref<64xi32, #tpu.memory_space<vmem>>) semaphore(%arg13 : memref<!tpu.dma_semaphore, #tpu.memory_space<semaphore_mem>>)
    %dma_start3A_40 = arith.constant 1 : i32
    %dma_start3A_41 = arith.constant 0 : i32
    %dma_start3A_42 = tpu.memref_slice %arg6[%dma_start3A_40, %dma_start3A_41] : memref<80x128xi32, #tpu.memory_space<vmem>> -> memref<1x64xi32, #tpu.memory_space<vmem>>
    %dma_start3A_43 = tpu.memref_squeeze %dma_start3A_42 : memref<1x64xi32, #tpu.memory_space<vmem>> -> memref<64xi32, #tpu.memory_space<vmem>>
    %dma_start3A_44 = arith.constant 0 : i32
    %dma_start3A_45 = arith.constant 0 : i32
    %dma_start3A_46 = tpu.memref_slice %arg2[%dma_start3A_44, %dma_start3A_45] : memref<20000x128xf32, #tpu.memory_space<hbm>> -> memref<20000x128xf32, #tpu.memory_space<hbm>>
    tpu.enqueue_indirect_dma source(%dma_start3A_46 : memref<20000x128xf32, #tpu.memory_space<hbm>>) target(%arg9 : memref<64x128xf32, #tpu.memory_space<vmem>>) offsets(%dma_start3A_43 : memref<64xi32, #tpu.memory_space<vmem>>) semaphore(%arg14 : memref<!tpu.dma_semaphore, #tpu.memory_space<semaphore_mem>>)
    %dma_start3A_47 = arith.constant 1 : i32
    %dma_start3A_48 = arith.constant 64 : i32
    %dma_start3A_49 = tpu.memref_slice %arg6[%dma_start3A_47, %dma_start3A_48] : memref<80x128xi32, #tpu.memory_space<vmem>> -> memref<1x64xi32, #tpu.memory_space<vmem>>
    %dma_start3A_50 = tpu.memref_squeeze %dma_start3A_49 : memref<1x64xi32, #tpu.memory_space<vmem>> -> memref<64xi32, #tpu.memory_space<vmem>>
    %dma_start3A_51 = arith.constant 0 : i32
    %dma_start3A_52 = arith.constant 0 : i32
    %dma_start3A_53 = tpu.memref_slice %arg2[%dma_start3A_51, %dma_start3A_52] : memref<20000x128xf32, #tpu.memory_space<hbm>> -> memref<20000x128xf32, #tpu.memory_space<hbm>>
    tpu.enqueue_indirect_dma source(%dma_start3A_53 : memref<20000x128xf32, #tpu.memory_space<hbm>>) target(%arg10 : memref<64x128xf32, #tpu.memory_space<vmem>>) offsets(%dma_start3A_50 : memref<64xi32, #tpu.memory_space<vmem>>) semaphore(%arg15 : memref<!tpu.dma_semaphore, #tpu.memory_space<semaphore_mem>>)
    %scan3A_54 = arith.constant 0 : i32
    %scan3A_55 = arith.constant 0 : i32
    %scan3A_56 = arith.constant 20 : i32
    %scan3A_57 = arith.addi %scan3A_55, %scan3A_56 : i32
    %scan3A_58 = arith.constant 1 : i32
    %scan3A_59 = scf.for %scan3A_119 = %scan3A_55 to %scan3A_57 step %scan3A_58 iter_args(%scan3A_120 = %scan3A_54) -> (i32)  : i32 {
      %mul3A_121 = arith.constant 2 : i32
      %mul3A_122 = arith.muli %scan3A_119, %mul3A_121 : i32
      %add3A_123 = arith.constant 0 : i32
      %add3A_124 = arith.addi %mul3A_122, %add3A_123 : i32
      %add3A_125 = arith.constant 40 : i32
      %add3A_126 = arith.addi %add3A_125, %add3A_124 : i32
      %dma_wait3A = arith.constant 0 : i32
      %dma_wait3A_127 = tpu.memref_slice %arg6[%add3A_124, %dma_wait3A] : memref<80x128xi32, #tpu.memory_space<vmem>> -> memref<1x64xi32, #tpu.memory_space<vmem>>
      %dma_wait3A_128 = tpu.memref_squeeze %dma_wait3A_127 : memref<1x64xi32, #tpu.memory_space<vmem>> -> memref<64xi32, #tpu.memory_space<vmem>>
      %dma_wait3A_129 = arith.constant 0 : i32
      %dma_wait3A_130 = arith.constant 0 : i32
      %dma_wait3A_131 = tpu.memref_slice %arg2[%dma_wait3A_129, %dma_wait3A_130] : memref<20000x128xf32, #tpu.memory_space<hbm>> -> memref<20000x128xf32, #tpu.memory_space<hbm>>
      tpu.wait_indirect_dma semaphore(%arg12 : memref<!tpu.dma_semaphore, #tpu.memory_space<semaphore_mem>>) src(%dma_wait3A_131 : memref<20000x128xf32, #tpu.memory_space<hbm>>) dst(%arg7 : memref<64x128xf32, #tpu.memory_space<vmem>>)
      %dma_start3A_132 = arith.constant 0 : i32
      %dma_start3A_133 = tpu.memref_slice %arg6[%add3A_126, %dma_start3A_132] : memref<80x128xi32, #tpu.memory_space<vmem>> -> memref<1x64xi32, #tpu.memory_space<vmem>>
      %dma_start3A_134 = tpu.memref_squeeze %dma_start3A_133 : memref<1x64xi32, #tpu.memory_space<vmem>> -> memref<64xi32, #tpu.memory_space<vmem>>
      %dma_start3A_135 = arith.constant 0 : i32
      %dma_start3A_136 = arith.constant 0 : i32
      %dma_start3A_137 = tpu.memref_slice %arg11[%dma_start3A_135, %dma_start3A_136] : memref<10240x128xf32, #tpu.memory_space<vmem_shared>> -> memref<10240x128xf32, #tpu.memory_space<vmem_shared>>
      tpu.enqueue_indirect_dma source(%arg7 : memref<64x128xf32, #tpu.memory_space<vmem>>) target(%dma_start3A_137 : memref<10240x128xf32, #tpu.memory_space<vmem_shared>>) offsets(%dma_start3A_134 : memref<64xi32, #tpu.memory_space<vmem>>) semaphore(%arg16 : memref<!tpu.dma_semaphore, #tpu.memory_space<semaphore_mem>>) {add = true}
      %dma_wait3A_138 = arith.constant 0 : i32
      %dma_wait3A_139 = tpu.memref_slice %arg6[%add3A_126, %dma_wait3A_138] : memref<80x128xi32, #tpu.memory_space<vmem>> -> memref<1x64xi32, #tpu.memory_space<vmem>>
      %dma_wait3A_140 = tpu.memref_squeeze %dma_wait3A_139 : memref<1x64xi32, #tpu.memory_space<vmem>> -> memref<64xi32, #tpu.memory_space<vmem>>
      %dma_wait3A_141 = arith.constant 0 : i32
      %dma_wait3A_142 = arith.constant 0 : i32
      %dma_wait3A_143 = tpu.memref_slice %arg11[%dma_wait3A_141, %dma_wait3A_142] : memref<10240x128xf32, #tpu.memory_space<vmem_shared>> -> memref<10240x128xf32, #tpu.memory_space<vmem_shared>>
      tpu.wait_indirect_dma semaphore(%arg16 : memref<!tpu.dma_semaphore, #tpu.memory_space<semaphore_mem>>) src(%arg7 : memref<64x128xf32, #tpu.memory_space<vmem>>) dst(%dma_wait3A_143 : memref<10240x128xf32, #tpu.memory_space<vmem_shared>>)
      %add3A_144 = arith.constant 2 : i32
      %add3A_145 = arith.addi %add3A_124, %add3A_144 : i32
      %lt3A = arith.constant 40 : i32
      %lt3A_146 = arith.cmpi slt, %add3A_145, %lt3A : i32
      %convert_element_type3A = arith.extui %lt3A_146 : i1 to i32
      %cond3A = arith.constant 0 : i32
      %cond3A_147 = arith.cmpi ne, %convert_element_type3A, %cond3A : i32
      scf.if %cond3A_147 {
        %add3A_242 = arith.constant 2 : i32
        %add3A_243 = arith.addi %add3A_124, %add3A_242 : i32
        %dma_start3A_244 = arith.constant 0 : i32
        %dma_start3A_245 = tpu.memref_slice %arg6[%add3A_243, %dma_start3A_244] : memref<80x128xi32, #tpu.memory_space<vmem>> -> memref<1x64xi32, #tpu.memory_space<vmem>>
        %dma_start3A_246 = tpu.memref_squeeze %dma_start3A_245 : memref<1x64xi32, #tpu.memory_space<vmem>> -> memref<64xi32, #tpu.memory_space<vmem>>
        %dma_start3A_247 = arith.constant 0 : i32
        %dma_start3A_248 = arith.constant 0 : i32
        %dma_start3A_249 = tpu.memref_slice %arg2[%dma_start3A_247, %dma_start3A_248] : memref<20000x128xf32, #tpu.memory_space<hbm>> -> memref<20000x128xf32, #tpu.memory_space<hbm>>
        tpu.enqueue_indirect_dma source(%dma_start3A_249 : memref<20000x128xf32, #tpu.memory_space<hbm>>) target(%arg7 : memref<64x128xf32, #tpu.memory_space<vmem>>) offsets(%dma_start3A_246 : memref<64xi32, #tpu.memory_space<vmem>>) semaphore(%arg12 : memref<!tpu.dma_semaphore, #tpu.memory_space<semaphore_mem>>)
      } else {
      }
      %mul3A_148 = arith.constant 2 : i32
      %mul3A_149 = arith.muli %scan3A_119, %mul3A_148 : i32
      %add3A_150 = arith.constant 0 : i32
      %add3A_151 = arith.addi %mul3A_149, %add3A_150 : i32
      %add3A_152 = arith.constant 40 : i32
      %add3A_153 = arith.addi %add3A_152, %add3A_151 : i32
      %dma_wait3A_154 = arith.constant 64 : i32
      %dma_wait3A_155 = tpu.memref_slice %arg6[%add3A_151, %dma_wait3A_154] : memref<80x128xi32, #tpu.memory_space<vmem>> -> memref<1x64xi32, #tpu.memory_space<vmem>>
      %dma_wait3A_156 = tpu.memref_squeeze %dma_wait3A_155 : memref<1x64xi32, #tpu.memory_space<vmem>> -> memref<64xi32, #tpu.memory_space<vmem>>
      %dma_wait3A_157 = arith.constant 0 : i32
      %dma_wait3A_158 = arith.constant 0 : i32
      %dma_wait3A_159 = tpu.memref_slice %arg2[%dma_wait3A_157, %dma_wait3A_158] : memref<20000x128xf32, #tpu.memory_space<hbm>> -> memref<20000x128xf32, #tpu.memory_space<hbm>>
      tpu.wait_indirect_dma semaphore(%arg13 : memref<!tpu.dma_semaphore, #tpu.memory_space<semaphore_mem>>) src(%dma_wait3A_159 : memref<20000x128xf32, #tpu.memory_space<hbm>>) dst(%arg8 : memref<64x128xf32, #tpu.memory_space<vmem>>)
      %dma_start3A_160 = arith.constant 64 : i32
      %dma_start3A_161 = tpu.memref_slice %arg6[%add3A_153, %dma_start3A_160] : memref<80x128xi32, #tpu.memory_space<vmem>> -> memref<1x64xi32, #tpu.memory_space<vmem>>
      %dma_start3A_162 = tpu.memref_squeeze %dma_start3A_161 : memref<1x64xi32, #tpu.memory_space<vmem>> -> memref<64xi32, #tpu.memory_space<vmem>>
      %dma_start3A_163 = arith.constant 0 : i32
      %dma_start3A_164 = arith.constant 0 : i32
      %dma_start3A_165 = tpu.memref_slice %arg11[%dma_start3A_163, %dma_start3A_164] : memref<10240x128xf32, #tpu.memory_space<vmem_shared>> -> memref<10240x128xf32, #tpu.memory_space<vmem_shared>>
      tpu.enqueue_indirect_dma source(%arg8 : memref<64x128xf32, #tpu.memory_space<vmem>>) target(%dma_start3A_165 : memref<10240x128xf32, #tpu.memory_space<vmem_shared>>) offsets(%dma_start3A_162 : memref<64xi32, #tpu.memory_space<vmem>>) semaphore(%arg17 : memref<!tpu.dma_semaphore, #tpu.memory_space<semaphore_mem>>) {add = true}
      %dma_wait3A_166 = arith.constant 64 : i32
      %dma_wait3A_167 = tpu.memref_slice %arg6[%add3A_153, %dma_wait3A_166] : memref<80x128xi32, #tpu.memory_space<vmem>> -> memref<1x64xi32, #tpu.memory_space<vmem>>
      %dma_wait3A_168 = tpu.memref_squeeze %dma_wait3A_167 : memref<1x64xi32, #tpu.memory_space<vmem>> -> memref<64xi32, #tpu.memory_space<vmem>>
      %dma_wait3A_169 = arith.constant 0 : i32
      %dma_wait3A_170 = arith.constant 0 : i32
      %dma_wait3A_171 = tpu.memref_slice %arg11[%dma_wait3A_169, %dma_wait3A_170] : memref<10240x128xf32, #tpu.memory_space<vmem_shared>> -> memref<10240x128xf32, #tpu.memory_space<vmem_shared>>
      tpu.wait_indirect_dma semaphore(%arg17 : memref<!tpu.dma_semaphore, #tpu.memory_space<semaphore_mem>>) src(%arg8 : memref<64x128xf32, #tpu.memory_space<vmem>>) dst(%dma_wait3A_171 : memref<10240x128xf32, #tpu.memory_space<vmem_shared>>)
      %add3A_172 = arith.constant 2 : i32
      %add3A_173 = arith.addi %add3A_151, %add3A_172 : i32
      %lt3A_174 = arith.constant 40 : i32
      %lt3A_175 = arith.cmpi slt, %add3A_173, %lt3A_174 : i32
      %convert_element_type3A_176 = arith.extui %lt3A_175 : i1 to i32
      %cond3A_177 = arith.constant 0 : i32
      %cond3A_178 = arith.cmpi ne, %convert_element_type3A_176, %cond3A_177 : i32
      scf.if %cond3A_178 {
        %add3A_242 = arith.constant 2 : i32
        %add3A_243 = arith.addi %add3A_151, %add3A_242 : i32
        %dma_start3A_244 = arith.constant 64 : i32
        %dma_start3A_245 = tpu.memref_slice %arg6[%add3A_243, %dma_start3A_244] : memref<80x128xi32, #tpu.memory_space<vmem>> -> memref<1x64xi32, #tpu.memory_space<vmem>>
        %dma_start3A_246 = tpu.memref_squeeze %dma_start3A_245 : memref<1x64xi32, #tpu.memory_space<vmem>> -> memref<64xi32, #tpu.memory_space<vmem>>
        %dma_start3A_247 = arith.constant 0 : i32
        %dma_start3A_248 = arith.constant 0 : i32
        %dma_start3A_249 = tpu.memref_slice %arg2[%dma_start3A_247, %dma_start3A_248] : memref<20000x128xf32, #tpu.memory_space<hbm>> -> memref<20000x128xf32, #tpu.memory_space<hbm>>
        tpu.enqueue_indirect_dma source(%dma_start3A_249 : memref<20000x128xf32, #tpu.memory_space<hbm>>) target(%arg8 : memref<64x128xf32, #tpu.memory_space<vmem>>) offsets(%dma_start3A_246 : memref<64xi32, #tpu.memory_space<vmem>>) semaphore(%arg13 : memref<!tpu.dma_semaphore, #tpu.memory_space<semaphore_mem>>)
      } else {
      }
      %mul3A_179 = arith.constant 2 : i32
      %mul3A_180 = arith.muli %scan3A_119, %mul3A_179 : i32
      %add3A_181 = arith.constant 1 : i32
      %add3A_182 = arith.addi %mul3A_180, %add3A_181 : i32
      %add3A_183 = arith.constant 40 : i32
      %add3A_184 = arith.addi %add3A_183, %add3A_182 : i32
      %dma_wait3A_185 = arith.constant 0 : i32
      %dma_wait3A_186 = tpu.memref_slice %arg6[%add3A_182, %dma_wait3A_185] : memref<80x128xi32, #tpu.memory_space<vmem>> -> memref<1x64xi32, #tpu.memory_space<vmem>>
      %dma_wait3A_187 = tpu.memref_squeeze %dma_wait3A_186 : memref<1x64xi32, #tpu.memory_space<vmem>> -> memref<64xi32, #tpu.memory_space<vmem>>
      %dma_wait3A_188 = arith.constant 0 : i32
      %dma_wait3A_189 = arith.constant 0 : i32
      %dma_wait3A_190 = tpu.memref_slice %arg2[%dma_wait3A_188, %dma_wait3A_189] : memref<20000x128xf32, #tpu.memory_space<hbm>> -> memref<20000x128xf32, #tpu.memory_space<hbm>>
      tpu.wait_indirect_dma semaphore(%arg14 : memref<!tpu.dma_semaphore, #tpu.memory_space<semaphore_mem>>) src(%dma_wait3A_190 : memref<20000x128xf32, #tpu.memory_space<hbm>>) dst(%arg9 : memref<64x128xf32, #tpu.memory_space<vmem>>)
      %dma_start3A_191 = arith.constant 0 : i32
      %dma_start3A_192 = tpu.memref_slice %arg6[%add3A_184, %dma_start3A_191] : memref<80x128xi32, #tpu.memory_space<vmem>> -> memref<1x64xi32, #tpu.memory_space<vmem>>
      %dma_start3A_193 = tpu.memref_squeeze %dma_start3A_192 : memref<1x64xi32, #tpu.memory_space<vmem>> -> memref<64xi32, #tpu.memory_space<vmem>>
      %dma_start3A_194 = arith.constant 0 : i32
      %dma_start3A_195 = arith.constant 0 : i32
      %dma_start3A_196 = tpu.memref_slice %arg11[%dma_start3A_194, %dma_start3A_195] : memref<10240x128xf32, #tpu.memory_space<vmem_shared>> -> memref<10240x128xf32, #tpu.memory_space<vmem_shared>>
      tpu.enqueue_indirect_dma source(%arg9 : memref<64x128xf32, #tpu.memory_space<vmem>>) target(%dma_start3A_196 : memref<10240x128xf32, #tpu.memory_space<vmem_shared>>) offsets(%dma_start3A_193 : memref<64xi32, #tpu.memory_space<vmem>>) semaphore(%arg18 : memref<!tpu.dma_semaphore, #tpu.memory_space<semaphore_mem>>) {add = true}
      %dma_wait3A_197 = arith.constant 0 : i32
      %dma_wait3A_198 = tpu.memref_slice %arg6[%add3A_184, %dma_wait3A_197] : memref<80x128xi32, #tpu.memory_space<vmem>> -> memref<1x64xi32, #tpu.memory_space<vmem>>
      %dma_wait3A_199 = tpu.memref_squeeze %dma_wait3A_198 : memref<1x64xi32, #tpu.memory_space<vmem>> -> memref<64xi32, #tpu.memory_space<vmem>>
      %dma_wait3A_200 = arith.constant 0 : i32
      %dma_wait3A_201 = arith.constant 0 : i32
      %dma_wait3A_202 = tpu.memref_slice %arg11[%dma_wait3A_200, %dma_wait3A_201] : memref<10240x128xf32, #tpu.memory_space<vmem_shared>> -> memref<10240x128xf32, #tpu.memory_space<vmem_shared>>
      tpu.wait_indirect_dma semaphore(%arg18 : memref<!tpu.dma_semaphore, #tpu.memory_space<semaphore_mem>>) src(%arg9 : memref<64x128xf32, #tpu.memory_space<vmem>>) dst(%dma_wait3A_202 : memref<10240x128xf32, #tpu.memory_space<vmem_shared>>)
      %add3A_203 = arith.constant 2 : i32
      %add3A_204 = arith.addi %add3A_182, %add3A_203 : i32
      %lt3A_205 = arith.constant 40 : i32
      %lt3A_206 = arith.cmpi slt, %add3A_204, %lt3A_205 : i32
      %convert_element_type3A_207 = arith.extui %lt3A_206 : i1 to i32
      %cond3A_208 = arith.constant 0 : i32
      %cond3A_209 = arith.cmpi ne, %convert_element_type3A_207, %cond3A_208 : i32
      scf.if %cond3A_209 {
        %add3A_242 = arith.constant 2 : i32
        %add3A_243 = arith.addi %add3A_182, %add3A_242 : i32
        %dma_start3A_244 = arith.constant 0 : i32
        %dma_start3A_245 = tpu.memref_slice %arg6[%add3A_243, %dma_start3A_244] : memref<80x128xi32, #tpu.memory_space<vmem>> -> memref<1x64xi32, #tpu.memory_space<vmem>>
        %dma_start3A_246 = tpu.memref_squeeze %dma_start3A_245 : memref<1x64xi32, #tpu.memory_space<vmem>> -> memref<64xi32, #tpu.memory_space<vmem>>
        %dma_start3A_247 = arith.constant 0 : i32
        %dma_start3A_248 = arith.constant 0 : i32
        %dma_start3A_249 = tpu.memref_slice %arg2[%dma_start3A_247, %dma_start3A_248] : memref<20000x128xf32, #tpu.memory_space<hbm>> -> memref<20000x128xf32, #tpu.memory_space<hbm>>
        tpu.enqueue_indirect_dma source(%dma_start3A_249 : memref<20000x128xf32, #tpu.memory_space<hbm>>) target(%arg9 : memref<64x128xf32, #tpu.memory_space<vmem>>) offsets(%dma_start3A_246 : memref<64xi32, #tpu.memory_space<vmem>>) semaphore(%arg14 : memref<!tpu.dma_semaphore, #tpu.memory_space<semaphore_mem>>)
      } else {
      }
      %mul3A_210 = arith.constant 2 : i32
      %mul3A_211 = arith.muli %scan3A_119, %mul3A_210 : i32
      %add3A_212 = arith.constant 1 : i32
      %add3A_213 = arith.addi %mul3A_211, %add3A_212 : i32
      %add3A_214 = arith.constant 40 : i32
      %add3A_215 = arith.addi %add3A_214, %add3A_213 : i32
      %dma_wait3A_216 = arith.constant 64 : i32
      %dma_wait3A_217 = tpu.memref_slice %arg6[%add3A_213, %dma_wait3A_216] : memref<80x128xi32, #tpu.memory_space<vmem>> -> memref<1x64xi32, #tpu.memory_space<vmem>>
      %dma_wait3A_218 = tpu.memref_squeeze %dma_wait3A_217 : memref<1x64xi32, #tpu.memory_space<vmem>> -> memref<64xi32, #tpu.memory_space<vmem>>
      %dma_wait3A_219 = arith.constant 0 : i32
      %dma_wait3A_220 = arith.constant 0 : i32
      %dma_wait3A_221 = tpu.memref_slice %arg2[%dma_wait3A_219, %dma_wait3A_220] : memref<20000x128xf32, #tpu.memory_space<hbm>> -> memref<20000x128xf32, #tpu.memory_space<hbm>>
      tpu.wait_indirect_dma semaphore(%arg15 : memref<!tpu.dma_semaphore, #tpu.memory_space<semaphore_mem>>) src(%dma_wait3A_221 : memref<20000x128xf32, #tpu.memory_space<hbm>>) dst(%arg10 : memref<64x128xf32, #tpu.memory_space<vmem>>)
      %dma_start3A_222 = arith.constant 64 : i32
      %dma_start3A_223 = tpu.memref_slice %arg6[%add3A_215, %dma_start3A_222] : memref<80x128xi32, #tpu.memory_space<vmem>> -> memref<1x64xi32, #tpu.memory_space<vmem>>
      %dma_start3A_224 = tpu.memref_squeeze %dma_start3A_223 : memref<1x64xi32, #tpu.memory_space<vmem>> -> memref<64xi32, #tpu.memory_space<vmem>>
      %dma_start3A_225 = arith.constant 0 : i32
      %dma_start3A_226 = arith.constant 0 : i32
      %dma_start3A_227 = tpu.memref_slice %arg11[%dma_start3A_225, %dma_start3A_226] : memref<10240x128xf32, #tpu.memory_space<vmem_shared>> -> memref<10240x128xf32, #tpu.memory_space<vmem_shared>>
      tpu.enqueue_indirect_dma source(%arg10 : memref<64x128xf32, #tpu.memory_space<vmem>>) target(%dma_start3A_227 : memref<10240x128xf32, #tpu.memory_space<vmem_shared>>) offsets(%dma_start3A_224 : memref<64xi32, #tpu.memory_space<vmem>>) semaphore(%arg19 : memref<!tpu.dma_semaphore, #tpu.memory_space<semaphore_mem>>) {add = true}
      %dma_wait3A_228 = arith.constant 64 : i32
      %dma_wait3A_229 = tpu.memref_slice %arg6[%add3A_215, %dma_wait3A_228] : memref<80x128xi32, #tpu.memory_space<vmem>> -> memref<1x64xi32, #tpu.memory_space<vmem>>
      %dma_wait3A_230 = tpu.memref_squeeze %dma_wait3A_229 : memref<1x64xi32, #tpu.memory_space<vmem>> -> memref<64xi32, #tpu.memory_space<vmem>>
      %dma_wait3A_231 = arith.constant 0 : i32
      %dma_wait3A_232 = arith.constant 0 : i32
      %dma_wait3A_233 = tpu.memref_slice %arg11[%dma_wait3A_231, %dma_wait3A_232] : memref<10240x128xf32, #tpu.memory_space<vmem_shared>> -> memref<10240x128xf32, #tpu.memory_space<vmem_shared>>
      tpu.wait_indirect_dma semaphore(%arg19 : memref<!tpu.dma_semaphore, #tpu.memory_space<semaphore_mem>>) src(%arg10 : memref<64x128xf32, #tpu.memory_space<vmem>>) dst(%dma_wait3A_233 : memref<10240x128xf32, #tpu.memory_space<vmem_shared>>)
      %add3A_234 = arith.constant 2 : i32
      %add3A_235 = arith.addi %add3A_213, %add3A_234 : i32
      %lt3A_236 = arith.constant 40 : i32
      %lt3A_237 = arith.cmpi slt, %add3A_235, %lt3A_236 : i32
      %convert_element_type3A_238 = arith.extui %lt3A_237 : i1 to i32
      %cond3A_239 = arith.constant 0 : i32
      %cond3A_240 = arith.cmpi ne, %convert_element_type3A_238, %cond3A_239 : i32
      scf.if %cond3A_240 {
        %add3A_242 = arith.constant 2 : i32
        %add3A_243 = arith.addi %add3A_213, %add3A_242 : i32
        %dma_start3A_244 = arith.constant 64 : i32
        %dma_start3A_245 = tpu.memref_slice %arg6[%add3A_243, %dma_start3A_244] : memref<80x128xi32, #tpu.memory_space<vmem>> -> memref<1x64xi32, #tpu.memory_space<vmem>>
        %dma_start3A_246 = tpu.memref_squeeze %dma_start3A_245 : memref<1x64xi32, #tpu.memory_space<vmem>> -> memref<64xi32, #tpu.memory_space<vmem>>
        %dma_start3A_247 = arith.constant 0 : i32
        %dma_start3A_248 = arith.constant 0 : i32
        %dma_start3A_249 = tpu.memref_slice %arg2[%dma_start3A_247, %dma_start3A_248] : memref<20000x128xf32, #tpu.memory_space<hbm>> -> memref<20000x128xf32, #tpu.memory_space<hbm>>
        tpu.enqueue_indirect_dma source(%dma_start3A_249 : memref<20000x128xf32, #tpu.memory_space<hbm>>) target(%arg10 : memref<64x128xf32, #tpu.memory_space<vmem>>) offsets(%dma_start3A_246 : memref<64xi32, #tpu.memory_space<vmem>>) semaphore(%arg15 : memref<!tpu.dma_semaphore, #tpu.memory_space<semaphore_mem>>)
      } else {
      }
      %scan3A_241 = arith.constant 0 : i32
      scf.yield %scan3A_241 : i32
    }
    %scan3A_60 = arith.constant 20 : i32
    %mul3A_61 = arith.constant 16 : i32
    %mul3A_62 = arith.muli %arg0, %mul3A_61 : i32
    %add3A_63 = arith.addi %mul3A_62, %arg1 : i32
    %mul3A_64 = arith.constant 2 : i32
    %mul3A_65 = arith.muli %add3A_63, %mul3A_64 : i32
    %add3A_66 = arith.constant 1 : i32
    %add3A_67 = arith.addi %mul3A_65, %add3A_66 : i32
    %mul3A_68 = arith.constant 40 : i32
    %mul3A_69 = arith.muli %add3A_67, %mul3A_68 : i32
    "tpu.region"() ({
      %run_scoped3A = tpu.sem_alloc : memref<!tpu.dma_semaphore, #tpu.memory_space<semaphore_mem>>
      %dma_start3A_119 = arith.constant 0 : i32
      %dma_start3A_120 = arith.constant 0 : i32
      %dma_start3A_121 = tpu.memref_slice %arg6[%dma_start3A_119, %dma_start3A_120] : memref<80x128xi32, #tpu.memory_space<vmem>> -> memref<40x128xi32, #tpu.memory_space<vmem>>
      %dma_start3A_122 = arith.constant 0 : i32
      %dma_start3A_123 = tpu.memref_slice %arg3[%mul3A_69, %dma_start3A_122] : memref<2560x128xi32, #tpu.memory_space<hbm>> -> memref<40x128xi32, #tpu.memory_space<hbm>>
      %dma_start3A_124 = arith.constant 0 : i32
      %dma_start3A_125 = arith.constant 0 : i32
      %dma_start3A_126 = tpu.memref_slice %arg6[%dma_start3A_124, %dma_start3A_125] : memref<80x128xi32, #tpu.memory_space<vmem>> -> memref<40x128xi32, #tpu.memory_space<vmem>>
      %dma_start3A_127 = arith.constant 0 : i32
      %dma_start3A_128 = tpu.memref_slice %arg3[%mul3A_69, %dma_start3A_127] : memref<2560x128xi32, #tpu.memory_space<hbm>> -> memref<40x128xi32, #tpu.memory_space<hbm>>
      tpu.enqueue_dma source(%dma_start3A_128 : memref<40x128xi32, #tpu.memory_space<hbm>>) target(%dma_start3A_126 : memref<40x128xi32, #tpu.memory_space<vmem>>) target_semaphore(%run_scoped3A : memref<!tpu.dma_semaphore, #tpu.memory_space<semaphore_mem>>)
      %dma_wait3A = arith.constant 0 : i32
      %dma_wait3A_129 = arith.constant 0 : i32
      %dma_wait3A_130 = tpu.memref_slice %arg6[%dma_wait3A, %dma_wait3A_129] : memref<80x128xi32, #tpu.memory_space<vmem>> -> memref<40x128xi32, #tpu.memory_space<vmem>>
      %dma_wait3A_131 = arith.constant 0 : i32
      %dma_wait3A_132 = tpu.memref_slice %arg3[%mul3A_69, %dma_wait3A_131] : memref<2560x128xi32, #tpu.memory_space<hbm>> -> memref<40x128xi32, #tpu.memory_space<hbm>>
      %dma_wait3A_133 = arith.constant 0 : i32
      %dma_wait3A_134 = arith.constant 0 : i32
      %dma_wait3A_135 = tpu.memref_slice %arg6[%dma_wait3A_133, %dma_wait3A_134] : memref<80x128xi32, #tpu.memory_space<vmem>> -> memref<40x128xi32, #tpu.memory_space<vmem>>
      %dma_wait3A_136 = arith.constant 0 : i32
      %dma_wait3A_137 = tpu.memref_slice %arg3[%mul3A_69, %dma_wait3A_136] : memref<2560x128xi32, #tpu.memory_space<hbm>> -> memref<40x128xi32, #tpu.memory_space<hbm>>
      tpu.wait_dma2 semaphore(%run_scoped3A : memref<!tpu.dma_semaphore, #tpu.memory_space<semaphore_mem>>) src(%dma_wait3A_137 : memref<40x128xi32, #tpu.memory_space<hbm>>) dst(%dma_wait3A_135 : memref<40x128xi32, #tpu.memory_space<vmem>>)
      tpu.yield
    }) : () -> ()
    %mul3A_70 = arith.constant 2 : i32
    %mul3A_71 = arith.muli %arg1, %mul3A_70 : i32
    %add3A_72 = arith.constant 1 : i32
    %add3A_73 = arith.addi %mul3A_71, %add3A_72 : i32
    %mul3A_74 = arith.constant 40 : i32
    %mul3A_75 = arith.muli %add3A_73, %mul3A_74 : i32
    "tpu.region"() ({
      %run_scoped3A = tpu.sem_alloc : memref<!tpu.dma_semaphore, #tpu.memory_space<semaphore_mem>>
      %dma_start3A_119 = arith.constant 40 : i32
      %dma_start3A_120 = arith.constant 0 : i32
      %dma_start3A_121 = tpu.memref_slice %arg6[%dma_start3A_119, %dma_start3A_120] : memref<80x128xi32, #tpu.memory_space<vmem>> -> memref<40x128xi32, #tpu.memory_space<vmem>>
      %dma_start3A_122 = arith.constant 0 : i32
      %dma_start3A_123 = tpu.memref_slice %arg4[%mul3A_75, %dma_start3A_122] : memref<1280x128xi32, #tpu.memory_space<hbm>> -> memref<40x128xi32, #tpu.memory_space<hbm>>
      %dma_start3A_124 = arith.constant 40 : i32
      %dma_start3A_125 = arith.constant 0 : i32
      %dma_start3A_126 = tpu.memref_slice %arg6[%dma_start3A_124, %dma_start3A_125] : memref<80x128xi32, #tpu.memory_space<vmem>> -> memref<40x128xi32, #tpu.memory_space<vmem>>
      %dma_start3A_127 = arith.constant 0 : i32
      %dma_start3A_128 = tpu.memref_slice %arg4[%mul3A_75, %dma_start3A_127] : memref<1280x128xi32, #tpu.memory_space<hbm>> -> memref<40x128xi32, #tpu.memory_space<hbm>>
      tpu.enqueue_dma source(%dma_start3A_128 : memref<40x128xi32, #tpu.memory_space<hbm>>) target(%dma_start3A_126 : memref<40x128xi32, #tpu.memory_space<vmem>>) target_semaphore(%run_scoped3A : memref<!tpu.dma_semaphore, #tpu.memory_space<semaphore_mem>>)
      %dma_wait3A = arith.constant 40 : i32
      %dma_wait3A_129 = arith.constant 0 : i32
      %dma_wait3A_130 = tpu.memref_slice %arg6[%dma_wait3A, %dma_wait3A_129] : memref<80x128xi32, #tpu.memory_space<vmem>> -> memref<40x128xi32, #tpu.memory_space<vmem>>
      %dma_wait3A_131 = arith.constant 0 : i32
      %dma_wait3A_132 = tpu.memref_slice %arg4[%mul3A_75, %dma_wait3A_131] : memref<1280x128xi32, #tpu.memory_space<hbm>> -> memref<40x128xi32, #tpu.memory_space<hbm>>
      %dma_wait3A_133 = arith.constant 40 : i32
      %dma_wait3A_134 = arith.constant 0 : i32
      %dma_wait3A_135 = tpu.memref_slice %arg6[%dma_wait3A_133, %dma_wait3A_134] : memref<80x128xi32, #tpu.memory_space<vmem>> -> memref<40x128xi32, #tpu.memory_space<vmem>>
      %dma_wait3A_136 = arith.constant 0 : i32
      %dma_wait3A_137 = tpu.memref_slice %arg4[%mul3A_75, %dma_wait3A_136] : memref<1280x128xi32, #tpu.memory_space<hbm>> -> memref<40x128xi32, #tpu.memory_space<hbm>>
      tpu.wait_dma2 semaphore(%run_scoped3A : memref<!tpu.dma_semaphore, #tpu.memory_space<semaphore_mem>>) src(%dma_wait3A_137 : memref<40x128xi32, #tpu.memory_space<hbm>>) dst(%dma_wait3A_135 : memref<40x128xi32, #tpu.memory_space<vmem>>)
      tpu.yield
    }) : () -> ()
    %dma_start3A_76 = arith.constant 0 : i32
    %dma_start3A_77 = arith.constant 0 : i32
    %dma_start3A_78 = tpu.memref_slice %arg6[%dma_start3A_76, %dma_start3A_77] : memref<80x128xi32, #tpu.memory_space<vmem>> -> memref<1x64xi32, #tpu.memory_space<vmem>>
    %dma_start3A_79 = tpu.memref_squeeze %dma_start3A_78 : memref<1x64xi32, #tpu.memory_space<vmem>> -> memref<64xi32, #tpu.memory_space<vmem>>
    %dma_start3A_80 = arith.constant 0 : i32
    %dma_start3A_81 = arith.constant 0 : i32
    %dma_start3A_82 = tpu.memref_slice %arg2[%dma_start3A_80, %dma_start3A_81] : memref<20000x128xf32, #tpu.memory_space<hbm>> -> memref<20000x128xf32, #tpu.memory_space<hbm>>
    tpu.enqueue_indirect_dma source(%dma_start3A_82 : memref<20000x128xf32, #tpu.memory_space<hbm>>) target(%arg7 : memref<64x128xf32, #tpu.memory_space<vmem>>) offsets(%dma_start3A_79 : memref<64xi32, #tpu.memory_space<vmem>>) semaphore(%arg12 : memref<!tpu.dma_semaphore, #tpu.memory_space<semaphore_mem>>)
    %dma_start3A_83 = arith.constant 0 : i32
    %dma_start3A_84 = arith.constant 64 : i32
    %dma_start3A_85 = tpu.memref_slice %arg6[%dma_start3A_83, %dma_start3A_84] : memref<80x128xi32, #tpu.memory_space<vmem>> -> memref<1x64xi32, #tpu.memory_space<vmem>>
    %dma_start3A_86 = tpu.memref_squeeze %dma_start3A_85 : memref<1x64xi32, #tpu.memory_space<vmem>> -> memref<64xi32, #tpu.memory_space<vmem>>
    %dma_start3A_87 = arith.constant 0 : i32
    %dma_start3A_88 = arith.constant 0 : i32
    %dma_start3A_89 = tpu.memref_slice %arg2[%dma_start3A_87, %dma_start3A_88] : memref<20000x128xf32, #tpu.memory_space<hbm>> -> memref<20000x128xf32, #tpu.memory_space<hbm>>
    tpu.enqueue_indirect_dma source(%dma_start3A_89 : memref<20000x128xf32, #tpu.memory_space<hbm>>) target(%arg8 : memref<64x128xf32, #tpu.memory_space<vmem>>) offsets(%dma_start3A_86 : memref<64xi32, #tpu.memory_space<vmem>>) semaphore(%arg13 : memref<!tpu.dma_semaphore, #tpu.memory_space<semaphore_mem>>)
    %dma_start3A_90 = arith.constant 1 : i32
    %dma_start3A_91 = arith.constant 0 : i32
    %dma_start3A_92 = tpu.memref_slice %arg6[%dma_start3A_90, %dma_start3A_91] : memref<80x128xi32, #tpu.memory_space<vmem>> -> memref<1x64xi32, #tpu.memory_space<vmem>>
    %dma_start3A_93 = tpu.memref_squeeze %dma_start3A_92 : memref<1x64xi32, #tpu.memory_space<vmem>> -> memref<64xi32, #tpu.memory_space<vmem>>
    %dma_start3A_94 = arith.constant 0 : i32
    %dma_start3A_95 = arith.constant 0 : i32
    %dma_start3A_96 = tpu.memref_slice %arg2[%dma_start3A_94, %dma_start3A_95] : memref<20000x128xf32, #tpu.memory_space<hbm>> -> memref<20000x128xf32, #tpu.memory_space<hbm>>
    tpu.enqueue_indirect_dma source(%dma_start3A_96 : memref<20000x128xf32, #tpu.memory_space<hbm>>) target(%arg9 : memref<64x128xf32, #tpu.memory_space<vmem>>) offsets(%dma_start3A_93 : memref<64xi32, #tpu.memory_space<vmem>>) semaphore(%arg14 : memref<!tpu.dma_semaphore, #tpu.memory_space<semaphore_mem>>)
    %dma_start3A_97 = arith.constant 1 : i32
    %dma_start3A_98 = arith.constant 64 : i32
    %dma_start3A_99 = tpu.memref_slice %arg6[%dma_start3A_97, %dma_start3A_98] : memref<80x128xi32, #tpu.memory_space<vmem>> -> memref<1x64xi32, #tpu.memory_space<vmem>>
    %dma_start3A_100 = tpu.memref_squeeze %dma_start3A_99 : memref<1x64xi32, #tpu.memory_space<vmem>> -> memref<64xi32, #tpu.memory_space<vmem>>
    %dma_start3A_101 = arith.constant 0 : i32
    %dma_start3A_102 = arith.constant 0 : i32
    %dma_start3A_103 = tpu.memref_slice %arg2[%dma_start3A_101, %dma_start3A_102] : memref<20000x128xf32, #tpu.memory_space<hbm>> -> memref<20000x128xf32, #tpu.memory_space<hbm>>
    tpu.enqueue_indirect_dma source(%dma_start3A_103 : memref<20000x128xf32, #tpu.memory_space<hbm>>) target(%arg10 : memref<64x128xf32, #tpu.memory_space<vmem>>) offsets(%dma_start3A_100 : memref<64xi32, #tpu.memory_space<vmem>>) semaphore(%arg15 : memref<!tpu.dma_semaphore, #tpu.memory_space<semaphore_mem>>)
    %scan3A_104 = arith.constant 0 : i32
    %scan3A_105 = arith.constant 0 : i32
    %scan3A_106 = arith.constant 20 : i32
    %scan3A_107 = arith.addi %scan3A_105, %scan3A_106 : i32
    %scan3A_108 = arith.constant 1 : i32
    %scan3A_109 = scf.for %scan3A_119 = %scan3A_105 to %scan3A_107 step %scan3A_108 iter_args(%scan3A_120 = %scan3A_104) -> (i32)  : i32 {
      %mul3A_121 = arith.constant 2 : i32
      %mul3A_122 = arith.muli %scan3A_119, %mul3A_121 : i32
      %add3A_123 = arith.constant 0 : i32
      %add3A_124 = arith.addi %mul3A_122, %add3A_123 : i32
      %add3A_125 = arith.constant 40 : i32
      %add3A_126 = arith.addi %add3A_125, %add3A_124 : i32
      %dma_wait3A = arith.constant 0 : i32
      %dma_wait3A_127 = tpu.memref_slice %arg6[%add3A_124, %dma_wait3A] : memref<80x128xi32, #tpu.memory_space<vmem>> -> memref<1x64xi32, #tpu.memory_space<vmem>>
      %dma_wait3A_128 = tpu.memref_squeeze %dma_wait3A_127 : memref<1x64xi32, #tpu.memory_space<vmem>> -> memref<64xi32, #tpu.memory_space<vmem>>
      %dma_wait3A_129 = arith.constant 0 : i32
      %dma_wait3A_130 = arith.constant 0 : i32
      %dma_wait3A_131 = tpu.memref_slice %arg2[%dma_wait3A_129, %dma_wait3A_130] : memref<20000x128xf32, #tpu.memory_space<hbm>> -> memref<20000x128xf32, #tpu.memory_space<hbm>>
      tpu.wait_indirect_dma semaphore(%arg12 : memref<!tpu.dma_semaphore, #tpu.memory_space<semaphore_mem>>) src(%dma_wait3A_131 : memref<20000x128xf32, #tpu.memory_space<hbm>>) dst(%arg7 : memref<64x128xf32, #tpu.memory_space<vmem>>)
      %dma_start3A_132 = arith.constant 0 : i32
      %dma_start3A_133 = tpu.memref_slice %arg6[%add3A_126, %dma_start3A_132] : memref<80x128xi32, #tpu.memory_space<vmem>> -> memref<1x64xi32, #tpu.memory_space<vmem>>
      %dma_start3A_134 = tpu.memref_squeeze %dma_start3A_133 : memref<1x64xi32, #tpu.memory_space<vmem>> -> memref<64xi32, #tpu.memory_space<vmem>>
      %dma_start3A_135 = arith.constant 0 : i32
      %dma_start3A_136 = arith.constant 0 : i32
      %dma_start3A_137 = tpu.memref_slice %arg11[%dma_start3A_135, %dma_start3A_136] : memref<10240x128xf32, #tpu.memory_space<vmem_shared>> -> memref<10240x128xf32, #tpu.memory_space<vmem_shared>>
      tpu.enqueue_indirect_dma source(%arg7 : memref<64x128xf32, #tpu.memory_space<vmem>>) target(%dma_start3A_137 : memref<10240x128xf32, #tpu.memory_space<vmem_shared>>) offsets(%dma_start3A_134 : memref<64xi32, #tpu.memory_space<vmem>>) semaphore(%arg16 : memref<!tpu.dma_semaphore, #tpu.memory_space<semaphore_mem>>) {add = true}
      %dma_wait3A_138 = arith.constant 0 : i32
      %dma_wait3A_139 = tpu.memref_slice %arg6[%add3A_126, %dma_wait3A_138] : memref<80x128xi32, #tpu.memory_space<vmem>> -> memref<1x64xi32, #tpu.memory_space<vmem>>
      %dma_wait3A_140 = tpu.memref_squeeze %dma_wait3A_139 : memref<1x64xi32, #tpu.memory_space<vmem>> -> memref<64xi32, #tpu.memory_space<vmem>>
      %dma_wait3A_141 = arith.constant 0 : i32
      %dma_wait3A_142 = arith.constant 0 : i32
      %dma_wait3A_143 = tpu.memref_slice %arg11[%dma_wait3A_141, %dma_wait3A_142] : memref<10240x128xf32, #tpu.memory_space<vmem_shared>> -> memref<10240x128xf32, #tpu.memory_space<vmem_shared>>
      tpu.wait_indirect_dma semaphore(%arg16 : memref<!tpu.dma_semaphore, #tpu.memory_space<semaphore_mem>>) src(%arg7 : memref<64x128xf32, #tpu.memory_space<vmem>>) dst(%dma_wait3A_143 : memref<10240x128xf32, #tpu.memory_space<vmem_shared>>)
      %add3A_144 = arith.constant 2 : i32
      %add3A_145 = arith.addi %add3A_124, %add3A_144 : i32
      %lt3A = arith.constant 40 : i32
      %lt3A_146 = arith.cmpi slt, %add3A_145, %lt3A : i32
      %convert_element_type3A = arith.extui %lt3A_146 : i1 to i32
      %cond3A = arith.constant 0 : i32
      %cond3A_147 = arith.cmpi ne, %convert_element_type3A, %cond3A : i32
      scf.if %cond3A_147 {
        %add3A_242 = arith.constant 2 : i32
        %add3A_243 = arith.addi %add3A_124, %add3A_242 : i32
        %dma_start3A_244 = arith.constant 0 : i32
        %dma_start3A_245 = tpu.memref_slice %arg6[%add3A_243, %dma_start3A_244] : memref<80x128xi32, #tpu.memory_space<vmem>> -> memref<1x64xi32, #tpu.memory_space<vmem>>
        %dma_start3A_246 = tpu.memref_squeeze %dma_start3A_245 : memref<1x64xi32, #tpu.memory_space<vmem>> -> memref<64xi32, #tpu.memory_space<vmem>>
        %dma_start3A_247 = arith.constant 0 : i32
        %dma_start3A_248 = arith.constant 0 : i32
        %dma_start3A_249 = tpu.memref_slice %arg2[%dma_start3A_247, %dma_start3A_248] : memref<20000x128xf32, #tpu.memory_space<hbm>> -> memref<20000x128xf32, #tpu.memory_space<hbm>>
        tpu.enqueue_indirect_dma source(%dma_start3A_249 : memref<20000x128xf32, #tpu.memory_space<hbm>>) target(%arg7 : memref<64x128xf32, #tpu.memory_space<vmem>>) offsets(%dma_start3A_246 : memref<64xi32, #tpu.memory_space<vmem>>) semaphore(%arg12 : memref<!tpu.dma_semaphore, #tpu.memory_space<semaphore_mem>>)
      } else {
      }
      %mul3A_148 = arith.constant 2 : i32
      %mul3A_149 = arith.muli %scan3A_119, %mul3A_148 : i32
      %add3A_150 = arith.constant 0 : i32
      %add3A_151 = arith.addi %mul3A_149, %add3A_150 : i32
      %add3A_152 = arith.constant 40 : i32
      %add3A_153 = arith.addi %add3A_152, %add3A_151 : i32
      %dma_wait3A_154 = arith.constant 64 : i32
      %dma_wait3A_155 = tpu.memref_slice %arg6[%add3A_151, %dma_wait3A_154] : memref<80x128xi32, #tpu.memory_space<vmem>> -> memref<1x64xi32, #tpu.memory_space<vmem>>
      %dma_wait3A_156 = tpu.memref_squeeze %dma_wait3A_155 : memref<1x64xi32, #tpu.memory_space<vmem>> -> memref<64xi32, #tpu.memory_space<vmem>>
      %dma_wait3A_157 = arith.constant 0 : i32
      %dma_wait3A_158 = arith.constant 0 : i32
      %dma_wait3A_159 = tpu.memref_slice %arg2[%dma_wait3A_157, %dma_wait3A_158] : memref<20000x128xf32, #tpu.memory_space<hbm>> -> memref<20000x128xf32, #tpu.memory_space<hbm>>
      tpu.wait_indirect_dma semaphore(%arg13 : memref<!tpu.dma_semaphore, #tpu.memory_space<semaphore_mem>>) src(%dma_wait3A_159 : memref<20000x128xf32, #tpu.memory_space<hbm>>) dst(%arg8 : memref<64x128xf32, #tpu.memory_space<vmem>>)
      %dma_start3A_160 = arith.constant 64 : i32
      %dma_start3A_161 = tpu.memref_slice %arg6[%add3A_153, %dma_start3A_160] : memref<80x128xi32, #tpu.memory_space<vmem>> -> memref<1x64xi32, #tpu.memory_space<vmem>>
      %dma_start3A_162 = tpu.memref_squeeze %dma_start3A_161 : memref<1x64xi32, #tpu.memory_space<vmem>> -> memref<64xi32, #tpu.memory_space<vmem>>
      %dma_start3A_163 = arith.constant 0 : i32
      %dma_start3A_164 = arith.constant 0 : i32
      %dma_start3A_165 = tpu.memref_slice %arg11[%dma_start3A_163, %dma_start3A_164] : memref<10240x128xf32, #tpu.memory_space<vmem_shared>> -> memref<10240x128xf32, #tpu.memory_space<vmem_shared>>
      tpu.enqueue_indirect_dma source(%arg8 : memref<64x128xf32, #tpu.memory_space<vmem>>) target(%dma_start3A_165 : memref<10240x128xf32, #tpu.memory_space<vmem_shared>>) offsets(%dma_start3A_162 : memref<64xi32, #tpu.memory_space<vmem>>) semaphore(%arg17 : memref<!tpu.dma_semaphore, #tpu.memory_space<semaphore_mem>>) {add = true}
      %dma_wait3A_166 = arith.constant 64 : i32
      %dma_wait3A_167 = tpu.memref_slice %arg6[%add3A_153, %dma_wait3A_166] : memref<80x128xi32, #tpu.memory_space<vmem>> -> memref<1x64xi32, #tpu.memory_space<vmem>>
      %dma_wait3A_168 = tpu.memref_squeeze %dma_wait3A_167 : memref<1x64xi32, #tpu.memory_space<vmem>> -> memref<64xi32, #tpu.memory_space<vmem>>
      %dma_wait3A_169 = arith.constant 0 : i32
      %dma_wait3A_170 = arith.constant 0 : i32
      %dma_wait3A_171 = tpu.memref_slice %arg11[%dma_wait3A_169, %dma_wait3A_170] : memref<10240x128xf32, #tpu.memory_space<vmem_shared>> -> memref<10240x128xf32, #tpu.memory_space<vmem_shared>>
      tpu.wait_indirect_dma semaphore(%arg17 : memref<!tpu.dma_semaphore, #tpu.memory_space<semaphore_mem>>) src(%arg8 : memref<64x128xf32, #tpu.memory_space<vmem>>) dst(%dma_wait3A_171 : memref<10240x128xf32, #tpu.memory_space<vmem_shared>>)
      %add3A_172 = arith.constant 2 : i32
      %add3A_173 = arith.addi %add3A_151, %add3A_172 : i32
      %lt3A_174 = arith.constant 40 : i32
      %lt3A_175 = arith.cmpi slt, %add3A_173, %lt3A_174 : i32
      %convert_element_type3A_176 = arith.extui %lt3A_175 : i1 to i32
      %cond3A_177 = arith.constant 0 : i32
      %cond3A_178 = arith.cmpi ne, %convert_element_type3A_176, %cond3A_177 : i32
      scf.if %cond3A_178 {
        %add3A_242 = arith.constant 2 : i32
        %add3A_243 = arith.addi %add3A_151, %add3A_242 : i32
        %dma_start3A_244 = arith.constant 64 : i32
        %dma_start3A_245 = tpu.memref_slice %arg6[%add3A_243, %dma_start3A_244] : memref<80x128xi32, #tpu.memory_space<vmem>> -> memref<1x64xi32, #tpu.memory_space<vmem>>
        %dma_start3A_246 = tpu.memref_squeeze %dma_start3A_245 : memref<1x64xi32, #tpu.memory_space<vmem>> -> memref<64xi32, #tpu.memory_space<vmem>>
        %dma_start3A_247 = arith.constant 0 : i32
        %dma_start3A_248 = arith.constant 0 : i32
        %dma_start3A_249 = tpu.memref_slice %arg2[%dma_start3A_247, %dma_start3A_248] : memref<20000x128xf32, #tpu.memory_space<hbm>> -> memref<20000x128xf32, #tpu.memory_space<hbm>>
        tpu.enqueue_indirect_dma source(%dma_start3A_249 : memref<20000x128xf32, #tpu.memory_space<hbm>>) target(%arg8 : memref<64x128xf32, #tpu.memory_space<vmem>>) offsets(%dma_start3A_246 : memref<64xi32, #tpu.memory_space<vmem>>) semaphore(%arg13 : memref<!tpu.dma_semaphore, #tpu.memory_space<semaphore_mem>>)
      } else {
      }
      %mul3A_179 = arith.constant 2 : i32
      %mul3A_180 = arith.muli %scan3A_119, %mul3A_179 : i32
      %add3A_181 = arith.constant 1 : i32
      %add3A_182 = arith.addi %mul3A_180, %add3A_181 : i32
      %add3A_183 = arith.constant 40 : i32
      %add3A_184 = arith.addi %add3A_183, %add3A_182 : i32
      %dma_wait3A_185 = arith.constant 0 : i32
      %dma_wait3A_186 = tpu.memref_slice %arg6[%add3A_182, %dma_wait3A_185] : memref<80x128xi32, #tpu.memory_space<vmem>> -> memref<1x64xi32, #tpu.memory_space<vmem>>
      %dma_wait3A_187 = tpu.memref_squeeze %dma_wait3A_186 : memref<1x64xi32, #tpu.memory_space<vmem>> -> memref<64xi32, #tpu.memory_space<vmem>>
      %dma_wait3A_188 = arith.constant 0 : i32
      %dma_wait3A_189 = arith.constant 0 : i32
      %dma_wait3A_190 = tpu.memref_slice %arg2[%dma_wait3A_188, %dma_wait3A_189] : memref<20000x128xf32, #tpu.memory_space<hbm>> -> memref<20000x128xf32, #tpu.memory_space<hbm>>
      tpu.wait_indirect_dma semaphore(%arg14 : memref<!tpu.dma_semaphore, #tpu.memory_space<semaphore_mem>>) src(%dma_wait3A_190 : memref<20000x128xf32, #tpu.memory_space<hbm>>) dst(%arg9 : memref<64x128xf32, #tpu.memory_space<vmem>>)
      %dma_start3A_191 = arith.constant 0 : i32
      %dma_start3A_192 = tpu.memref_slice %arg6[%add3A_184, %dma_start3A_191] : memref<80x128xi32, #tpu.memory_space<vmem>> -> memref<1x64xi32, #tpu.memory_space<vmem>>
      %dma_start3A_193 = tpu.memref_squeeze %dma_start3A_192 : memref<1x64xi32, #tpu.memory_space<vmem>> -> memref<64xi32, #tpu.memory_space<vmem>>
      %dma_start3A_194 = arith.constant 0 : i32
      %dma_start3A_195 = arith.constant 0 : i32
      %dma_start3A_196 = tpu.memref_slice %arg11[%dma_start3A_194, %dma_start3A_195] : memref<10240x128xf32, #tpu.memory_space<vmem_shared>> -> memref<10240x128xf32, #tpu.memory_space<vmem_shared>>
      tpu.enqueue_indirect_dma source(%arg9 : memref<64x128xf32, #tpu.memory_space<vmem>>) target(%dma_start3A_196 : memref<10240x128xf32, #tpu.memory_space<vmem_shared>>) offsets(%dma_start3A_193 : memref<64xi32, #tpu.memory_space<vmem>>) semaphore(%arg18 : memref<!tpu.dma_semaphore, #tpu.memory_space<semaphore_mem>>) {add = true}
      %dma_wait3A_197 = arith.constant 0 : i32
      %dma_wait3A_198 = tpu.memref_slice %arg6[%add3A_184, %dma_wait3A_197] : memref<80x128xi32, #tpu.memory_space<vmem>> -> memref<1x64xi32, #tpu.memory_space<vmem>>
      %dma_wait3A_199 = tpu.memref_squeeze %dma_wait3A_198 : memref<1x64xi32, #tpu.memory_space<vmem>> -> memref<64xi32, #tpu.memory_space<vmem>>
      %dma_wait3A_200 = arith.constant 0 : i32
      %dma_wait3A_201 = arith.constant 0 : i32
      %dma_wait3A_202 = tpu.memref_slice %arg11[%dma_wait3A_200, %dma_wait3A_201] : memref<10240x128xf32, #tpu.memory_space<vmem_shared>> -> memref<10240x128xf32, #tpu.memory_space<vmem_shared>>
      tpu.wait_indirect_dma semaphore(%arg18 : memref<!tpu.dma_semaphore, #tpu.memory_space<semaphore_mem>>) src(%arg9 : memref<64x128xf32, #tpu.memory_space<vmem>>) dst(%dma_wait3A_202 : memref<10240x128xf32, #tpu.memory_space<vmem_shared>>)
      %add3A_203 = arith.constant 2 : i32
      %add3A_204 = arith.addi %add3A_182, %add3A_203 : i32
      %lt3A_205 = arith.constant 40 : i32
      %lt3A_206 = arith.cmpi slt, %add3A_204, %lt3A_205 : i32
      %convert_element_type3A_207 = arith.extui %lt3A_206 : i1 to i32
      %cond3A_208 = arith.constant 0 : i32
      %cond3A_209 = arith.cmpi ne, %convert_element_type3A_207, %cond3A_208 : i32
      scf.if %cond3A_209 {
        %add3A_242 = arith.constant 2 : i32
        %add3A_243 = arith.addi %add3A_182, %add3A_242 : i32
        %dma_start3A_244 = arith.constant 0 : i32
        %dma_start3A_245 = tpu.memref_slice %arg6[%add3A_243, %dma_start3A_244] : memref<80x128xi32, #tpu.memory_space<vmem>> -> memref<1x64xi32, #tpu.memory_space<vmem>>
        %dma_start3A_246 = tpu.memref_squeeze %dma_start3A_245 : memref<1x64xi32, #tpu.memory_space<vmem>> -> memref<64xi32, #tpu.memory_space<vmem>>
        %dma_start3A_247 = arith.constant 0 : i32
        %dma_start3A_248 = arith.constant 0 : i32
        %dma_start3A_249 = tpu.memref_slice %arg2[%dma_start3A_247, %dma_start3A_248] : memref<20000x128xf32, #tpu.memory_space<hbm>> -> memref<20000x128xf32, #tpu.memory_space<hbm>>
        tpu.enqueue_indirect_dma source(%dma_start3A_249 : memref<20000x128xf32, #tpu.memory_space<hbm>>) target(%arg9 : memref<64x128xf32, #tpu.memory_space<vmem>>) offsets(%dma_start3A_246 : memref<64xi32, #tpu.memory_space<vmem>>) semaphore(%arg14 : memref<!tpu.dma_semaphore, #tpu.memory_space<semaphore_mem>>)
      } else {
      }
      %mul3A_210 = arith.constant 2 : i32
      %mul3A_211 = arith.muli %scan3A_119, %mul3A_210 : i32
      %add3A_212 = arith.constant 1 : i32
      %add3A_213 = arith.addi %mul3A_211, %add3A_212 : i32
      %add3A_214 = arith.constant 40 : i32
      %add3A_215 = arith.addi %add3A_214, %add3A_213 : i32
      %dma_wait3A_216 = arith.constant 64 : i32
      %dma_wait3A_217 = tpu.memref_slice %arg6[%add3A_213, %dma_wait3A_216] : memref<80x128xi32, #tpu.memory_space<vmem>> -> memref<1x64xi32, #tpu.memory_space<vmem>>
      %dma_wait3A_218 = tpu.memref_squeeze %dma_wait3A_217 : memref<1x64xi32, #tpu.memory_space<vmem>> -> memref<64xi32, #tpu.memory_space<vmem>>
      %dma_wait3A_219 = arith.constant 0 : i32
      %dma_wait3A_220 = arith.constant 0 : i32
      %dma_wait3A_221 = tpu.memref_slice %arg2[%dma_wait3A_219, %dma_wait3A_220] : memref<20000x128xf32, #tpu.memory_space<hbm>> -> memref<20000x128xf32, #tpu.memory_space<hbm>>
      tpu.wait_indirect_dma semaphore(%arg15 : memref<!tpu.dma_semaphore, #tpu.memory_space<semaphore_mem>>) src(%dma_wait3A_221 : memref<20000x128xf32, #tpu.memory_space<hbm>>) dst(%arg10 : memref<64x128xf32, #tpu.memory_space<vmem>>)
      %dma_start3A_222 = arith.constant 64 : i32
      %dma_start3A_223 = tpu.memref_slice %arg6[%add3A_215, %dma_start3A_222] : memref<80x128xi32, #tpu.memory_space<vmem>> -> memref<1x64xi32, #tpu.memory_space<vmem>>
      %dma_start3A_224 = tpu.memref_squeeze %dma_start3A_223 : memref<1x64xi32, #tpu.memory_space<vmem>> -> memref<64xi32, #tpu.memory_space<vmem>>
      %dma_start3A_225 = arith.constant 0 : i32
      %dma_start3A_226 = arith.constant 0 : i32
      %dma_start3A_227 = tpu.memref_slice %arg11[%dma_start3A_225, %dma_start3A_226] : memref<10240x128xf32, #tpu.memory_space<vmem_shared>> -> memref<10240x128xf32, #tpu.memory_space<vmem_shared>>
      tpu.enqueue_indirect_dma source(%arg10 : memref<64x128xf32, #tpu.memory_space<vmem>>) target(%dma_start3A_227 : memref<10240x128xf32, #tpu.memory_space<vmem_shared>>) offsets(%dma_start3A_224 : memref<64xi32, #tpu.memory_space<vmem>>) semaphore(%arg19 : memref<!tpu.dma_semaphore, #tpu.memory_space<semaphore_mem>>) {add = true}
      %dma_wait3A_228 = arith.constant 64 : i32
      %dma_wait3A_229 = tpu.memref_slice %arg6[%add3A_215, %dma_wait3A_228] : memref<80x128xi32, #tpu.memory_space<vmem>> -> memref<1x64xi32, #tpu.memory_space<vmem>>
      %dma_wait3A_230 = tpu.memref_squeeze %dma_wait3A_229 : memref<1x64xi32, #tpu.memory_space<vmem>> -> memref<64xi32, #tpu.memory_space<vmem>>
      %dma_wait3A_231 = arith.constant 0 : i32
      %dma_wait3A_232 = arith.constant 0 : i32
      %dma_wait3A_233 = tpu.memref_slice %arg11[%dma_wait3A_231, %dma_wait3A_232] : memref<10240x128xf32, #tpu.memory_space<vmem_shared>> -> memref<10240x128xf32, #tpu.memory_space<vmem_shared>>
      tpu.wait_indirect_dma semaphore(%arg19 : memref<!tpu.dma_semaphore, #tpu.memory_space<semaphore_mem>>) src(%arg10 : memref<64x128xf32, #tpu.memory_space<vmem>>) dst(%dma_wait3A_233 : memref<10240x128xf32, #tpu.memory_space<vmem_shared>>)
      %add3A_234 = arith.constant 2 : i32
      %add3A_235 = arith.addi %add3A_213, %add3A_234 : i32
      %lt3A_236 = arith.constant 40 : i32
      %lt3A_237 = arith.cmpi slt, %add3A_235, %lt3A_236 : i32
      %convert_element_type3A_238 = arith.extui %lt3A_237 : i1 to i32
      %cond3A_239 = arith.constant 0 : i32
      %cond3A_240 = arith.cmpi ne, %convert_element_type3A_238, %cond3A_239 : i32
      scf.if %cond3A_240 {
        %add3A_242 = arith.constant 2 : i32
        %add3A_243 = arith.addi %add3A_213, %add3A_242 : i32
        %dma_start3A_244 = arith.constant 64 : i32
        %dma_start3A_245 = tpu.memref_slice %arg6[%add3A_243, %dma_start3A_244] : memref<80x128xi32, #tpu.memory_space<vmem>> -> memref<1x64xi32, #tpu.memory_space<vmem>>
        %dma_start3A_246 = tpu.memref_squeeze %dma_start3A_245 : memref<1x64xi32, #tpu.memory_space<vmem>> -> memref<64xi32, #tpu.memory_space<vmem>>
        %dma_start3A_247 = arith.constant 0 : i32
        %dma_start3A_248 = arith.constant 0 : i32
        %dma_start3A_249 = tpu.memref_slice %arg2[%dma_start3A_247, %dma_start3A_248] : memref<20000x128xf32, #tpu.memory_space<hbm>> -> memref<20000x128xf32, #tpu.memory_space<hbm>>
        tpu.enqueue_indirect_dma source(%dma_start3A_249 : memref<20000x128xf32, #tpu.memory_space<hbm>>) target(%arg10 : memref<64x128xf32, #tpu.memory_space<vmem>>) offsets(%dma_start3A_246 : memref<64xi32, #tpu.memory_space<vmem>>) semaphore(%arg15 : memref<!tpu.dma_semaphore, #tpu.memory_space<semaphore_mem>>)
      } else {
      }
      %scan3A_241 = arith.constant 0 : i32
      scf.yield %scan3A_241 : i32
    }
    %scan3A_110 = arith.constant 20 : i32
    %barrier3A_111 = arith.constant 0 : index
    tpu.barrier barrier_id(%barrier3A_111)
    %scan3A_112 = arith.constant 0 : i32
    %scan3A_113 = arith.constant 0 : i32
    %scan3A_114 = arith.constant 10 : i32
    %scan3A_115 = arith.addi %scan3A_113, %scan3A_114 : i32
    %scan3A_116 = arith.constant 1 : i32
    %scan3A_117 = scf.for %scan3A_119 = %scan3A_113 to %scan3A_115 step %scan3A_116 iter_args(%scan3A_120 = %scan3A_112) -> (i32)  : i32 {
      %mul3A_121 = arith.constant 640 : i32
      %mul3A_122 = arith.muli %arg1, %mul3A_121 : i32
      %mul3A_123 = arith.constant 64 : i32
      %mul3A_124 = arith.muli %scan3A_119, %mul3A_123 : i32
      %add3A_125 = arith.addi %mul3A_122, %mul3A_124 : i32
      "tpu.region"() ({
        %run_scoped3A = tpu.sem_alloc : memref<!tpu.dma_semaphore, #tpu.memory_space<semaphore_mem>>
        %dma_start3A_130 = arith.constant 0 : i32
        %dma_start3A_131 = tpu.memref_slice %arg11[%add3A_125, %dma_start3A_130] : memref<10240x128xf32, #tpu.memory_space<vmem_shared>> -> memref<64x128xf32, #tpu.memory_space<vmem_shared>>
        %dma_start3A_132 = arith.constant 0 : i32
        %dma_start3A_133 = tpu.memref_slice %arg11[%add3A_125, %dma_start3A_132] : memref<10240x128xf32, #tpu.memory_space<vmem_shared>> -> memref<64x128xf32, #tpu.memory_space<vmem_shared>>
        tpu.enqueue_dma source(%dma_start3A_133 : memref<64x128xf32, #tpu.memory_space<vmem_shared>>) target(%arg7 : memref<64x128xf32, #tpu.memory_space<vmem>>) target_semaphore(%run_scoped3A : memref<!tpu.dma_semaphore, #tpu.memory_space<semaphore_mem>>)
        %dma_wait3A = arith.constant 0 : i32
        %dma_wait3A_134 = tpu.memref_slice %arg11[%add3A_125, %dma_wait3A] : memref<10240x128xf32, #tpu.memory_space<vmem_shared>> -> memref<64x128xf32, #tpu.memory_space<vmem_shared>>
        %dma_wait3A_135 = arith.constant 0 : i32
        %dma_wait3A_136 = tpu.memref_slice %arg11[%add3A_125, %dma_wait3A_135] : memref<10240x128xf32, #tpu.memory_space<vmem_shared>> -> memref<64x128xf32, #tpu.memory_space<vmem_shared>>
        tpu.wait_dma2 semaphore(%run_scoped3A : memref<!tpu.dma_semaphore, #tpu.memory_space<semaphore_mem>>) src(%dma_wait3A_136 : memref<64x128xf32, #tpu.memory_space<vmem_shared>>) dst(%arg7 : memref<64x128xf32, #tpu.memory_space<vmem>>)
        tpu.yield
      }) : () -> ()
      %mul3A_126 = arith.constant 10240 : i32
      %mul3A_127 = arith.muli %arg0, %mul3A_126 : i32
      %add3A_128 = arith.addi %mul3A_127, %add3A_125 : i32
      "tpu.region"() ({
        %run_scoped3A = tpu.sem_alloc : memref<!tpu.dma_semaphore, #tpu.memory_space<semaphore_mem>>
        %dma_start3A_130 = arith.constant 0 : i32
        %dma_start3A_131 = tpu.memref_slice %arg5[%add3A_128, %dma_start3A_130] : memref<20480x128xf32, #tpu.memory_space<hbm>> -> memref<64x128xf32, #tpu.memory_space<hbm>>
        %dma_start3A_132 = arith.constant 0 : i32
        %dma_start3A_133 = tpu.memref_slice %arg5[%add3A_128, %dma_start3A_132] : memref<20480x128xf32, #tpu.memory_space<hbm>> -> memref<64x128xf32, #tpu.memory_space<hbm>>
        tpu.enqueue_dma source(%arg7 : memref<64x128xf32, #tpu.memory_space<vmem>>) target(%dma_start3A_133 : memref<64x128xf32, #tpu.memory_space<hbm>>) target_semaphore(%run_scoped3A : memref<!tpu.dma_semaphore, #tpu.memory_space<semaphore_mem>>)
        %dma_wait3A = arith.constant 0 : i32
        %dma_wait3A_134 = tpu.memref_slice %arg5[%add3A_128, %dma_wait3A] : memref<20480x128xf32, #tpu.memory_space<hbm>> -> memref<64x128xf32, #tpu.memory_space<hbm>>
        %dma_wait3A_135 = arith.constant 0 : i32
        %dma_wait3A_136 = tpu.memref_slice %arg5[%add3A_128, %dma_wait3A_135] : memref<20480x128xf32, #tpu.memory_space<hbm>> -> memref<64x128xf32, #tpu.memory_space<hbm>>
        tpu.wait_dma2 semaphore(%run_scoped3A : memref<!tpu.dma_semaphore, #tpu.memory_space<semaphore_mem>>) src(%arg7 : memref<64x128xf32, #tpu.memory_space<vmem>>) dst(%dma_wait3A_136 : memref<64x128xf32, #tpu.memory_space<hbm>>)
        tpu.yield
      }) : () -> ()
      %scan3A_129 = arith.constant 0 : i32
      scf.yield %scan3A_129 : i32
    }
    %scan3A_118 = arith.constant 10 : i32
    return
  }
}

module attributes {stable_mosaic.version = 14 : i64} {
  func.func @body(%arg0: i32, %arg1: memref<400x256xf32, #tpu.memory_space<vmem>>, %arg2: memref<256x256xf32, #tpu.memory_space<vmem>>, %arg3: memref<400x1xf32, #tpu.memory_space<vmem>>, %arg4: memref<2x400x128xf32, #tpu.memory_space<vmem>>, %arg5: memref<400x1xf32, #tpu.memory_space<vmem>>) attributes {dimension_semantics = [#tpu.dimension_semantics<arbitrary>], iteration_bounds = array<i64: 25>, scalar_prefetch = 0 : i64, scratch_operands = 0 : i64, tpu.core_type = #tpu.core_type<tc>, window_params = [{transform_indices = @transform_0, window_bounds = array<i64: 400, 256>}, {pipeline_mode = #tpu.pipeline_mode<synchronous>, transform_indices = @transform_1, window_bounds = array<i64: 256, 256>}, {transform_indices = @transform_2, window_bounds = array<i64: 400, 1>}, {transform_indices = @transform_3, window_bounds = array<i64: 2, 400, 128>}, {transform_indices = @transform_4, window_bounds = array<i64: 400, 1>}]} {
    %get3A = arith.constant 0 : index
    %get3A_0 = arith.constant 0 : index
    %get3A_1 = vector.load %arg3[%get3A, %get3A_0] : memref<400x1xf32, #tpu.memory_space<vmem>>, vector<400x1xf32>
    %add3A = arith.constant 1.000000e+00 : f32
    %add3A_2 = vector.broadcast %add3A : f32 to vector<400x1xf32>
    %add3A_3 = arith.addf %get3A_1, %add3A_2 : vector<400x1xf32>
    %rsqrt3A = math.rsqrt %add3A_3 : vector<400x1xf32>
    %get3A_4 = arith.constant 0 : index
    %get3A_5 = arith.constant 0 : index
    %get3A_6 = vector.load %arg1[%get3A_4, %get3A_5] : memref<400x256xf32, #tpu.memory_space<vmem>>, vector<400x256xf32>
    %get3A_7 = arith.constant 0 : index
    %get3A_8 = arith.constant 0 : index
    %get3A_9 = vector.load %arg2[%get3A_7, %get3A_8] : memref<256x256xf32, #tpu.memory_space<vmem>>, vector<256x256xf32>
    %dot_general3A = arith.constant dense<0.000000e+00> : vector<400x256xf32>
    %dot_general3A_10 = tpu.matmul %get3A_6, %get3A_9, %dot_general3A {dimension_numbers = #tpu.dot_dimension_numbers<[1], [0], [0], [1], [0, 0, 1, 1], [], []>, transpose_lhs_hint = false} : vector<400x256xf32>, vector<256x256xf32>, vector<400x256xf32> -> vector<400x256xf32>
    %mul3A = vector.broadcast %rsqrt3A : vector<400x1xf32> to vector<400x256xf32>
    %mul3A_11 = arith.mulf %dot_general3A_10, %mul3A : vector<400x256xf32>
    %slice3A = vector.extract_strided_slice %mul3A_11 {offsets = [0, 0], sizes = [400, 128], strides = [1, 1]} : vector<400x256xf32> to vector<400x128xf32>
    %swap3A = arith.constant 0 : index
    %swap3A_12 = arith.constant 0 : index
    %swap3A_13 = arith.constant 0 : index
    %swap3A_14 = vector.load %arg4[%swap3A, %swap3A_12, %swap3A_13] : memref<2x400x128xf32, #tpu.memory_space<vmem>>, vector<1x400x128xf32>
    %swap3A_15 = vector.shape_cast %swap3A_14 : vector<1x400x128xf32> to vector<400x128xf32>
    %swap3A_16 = vector.shape_cast %slice3A : vector<400x128xf32> to vector<1x400x128xf32>
    tpu.vector_store %arg4[%swap3A, %swap3A_12, %swap3A_13], %swap3A_16 {strides = array<i32>} : memref<2x400x128xf32, #tpu.memory_space<vmem>>, vector<1x400x128xf32>,
    %slice3A_17 = vector.extract_strided_slice %mul3A_11 {offsets = [0, 128], sizes = [400, 128], strides = [1, 1]} : vector<400x256xf32> to vector<400x128xf32>
    %swap3A_18 = arith.constant 1 : index
    %swap3A_19 = arith.constant 0 : index
    %swap3A_20 = arith.constant 0 : index
    %swap3A_21 = vector.load %arg4[%swap3A_18, %swap3A_19, %swap3A_20] : memref<2x400x128xf32, #tpu.memory_space<vmem>>, vector<1x400x128xf32>
    %swap3A_22 = vector.shape_cast %swap3A_21 : vector<1x400x128xf32> to vector<400x128xf32>
    %swap3A_23 = vector.shape_cast %slice3A_17 : vector<400x128xf32> to vector<1x400x128xf32>
    tpu.vector_store %arg4[%swap3A_18, %swap3A_19, %swap3A_20], %swap3A_23 {strides = array<i32>} : memref<2x400x128xf32, #tpu.memory_space<vmem>>, vector<1x400x128xf32>,
    %swap3A_24 = arith.constant 0 : index
    %swap3A_25 = arith.constant 0 : index
    %swap3A_26 = vector.load %arg5[%swap3A_24, %swap3A_25] : memref<400x1xf32, #tpu.memory_space<vmem>>, vector<400x1xf32>
    tpu.vector_store %arg5[%swap3A_24, %swap3A_25], %rsqrt3A {strides = array<i32>} : memref<400x1xf32, #tpu.memory_space<vmem>>, vector<400x1xf32>,
    return
  }
  func.func @transform_0(%arg0: i32) -> (i32, i32) {
    %c0_i32 = arith.constant 0 : i32
    %c0_i32_0 = arith.constant 0 : i32
    return %arg0, %c0_i32 : i32, i32
  }
  func.func @transform_1(%arg0: i32) -> (i32, i32) {
    %c0_i32 = arith.constant 0 : i32
    %c0_i32_0 = arith.constant 0 : i32
    %c0_i32_1 = arith.constant 0 : i32
    return %c0_i32, %c0_i32_0 : i32, i32
  }
  func.func @transform_2(%arg0: i32) -> (i32, i32) {
    %c0_i32 = arith.constant 0 : i32
    %c0_i32_0 = arith.constant 0 : i32
    return %arg0, %c0_i32 : i32, i32
  }
  func.func @transform_3(%arg0: i32) -> (i32, i32, i32) {
    %c0_i32 = arith.constant 0 : i32
    %c0_i32_0 = arith.constant 0 : i32
    %c0_i32_1 = arith.constant 0 : i32
    return %c0_i32, %arg0, %c0_i32_0 : i32, i32, i32
  }
  func.func @transform_4(%arg0: i32) -> (i32, i32) {
    %c0_i32 = arith.constant 0 : i32
    %c0_i32_0 = arith.constant 0 : i32
    return %arg0, %c0_i32 : i32, i32
  }
}

module attributes {stable_mosaic.version = 14 : i64} {
  func.func @body(%arg0: i32, %arg1: memref<2x400x128xf32, #tpu.memory_space<vmem>>, %arg2: memref<2x400x128xf32, #tpu.memory_space<vmem>>, %arg3: memref<400x1xf32, #tpu.memory_space<vmem>>, %arg4: memref<1x256xf32, #tpu.memory_space<vmem>>, %arg5: memref<256x256xf32, #tpu.memory_space<vmem>>, %arg6: memref<2x400x128xf32, #tpu.memory_space<vmem>>) attributes {dimension_semantics = [#tpu.dimension_semantics<arbitrary>], iteration_bounds = array<i64: 25>, scalar_prefetch = 0 : i64, scratch_operands = 0 : i64, tpu.core_type = #tpu.core_type<tc>, window_params = [{transform_indices = @transform_0, window_bounds = array<i64: 2, 400, 128>}, {transform_indices = @transform_1, window_bounds = array<i64: 2, 400, 128>}, {transform_indices = @transform_2, window_bounds = array<i64: 400, 1>}, {pipeline_mode = #tpu.pipeline_mode<synchronous>, transform_indices = @transform_3, window_bounds = array<i64: 1, 256>}, {pipeline_mode = #tpu.pipeline_mode<synchronous>, transform_indices = @transform_4, window_bounds = array<i64: 256, 256>}, {transform_indices = @transform_5, window_bounds = array<i64: 2, 400, 128>}]} {
    %get3A = arith.constant 0 : index
    %get3A_0 = arith.constant 0 : index
    %get3A_1 = arith.constant 0 : index
    %get3A_2 = vector.load %arg1[%get3A, %get3A_0, %get3A_1] : memref<2x400x128xf32, #tpu.memory_space<vmem>>, vector<1x400x128xf32>
    %get3A_3 = vector.shape_cast %get3A_2 : vector<1x400x128xf32> to vector<400x128xf32>
    %get3A_4 = arith.constant 0 : index
    %get3A_5 = arith.constant 0 : index
    %get3A_6 = arith.constant 0 : index
    %get3A_7 = vector.load %arg2[%get3A_4, %get3A_5, %get3A_6] : memref<2x400x128xf32, #tpu.memory_space<vmem>>, vector<1x400x128xf32>
    %get3A_8 = vector.shape_cast %get3A_7 : vector<1x400x128xf32> to vector<400x128xf32>
    %add3A = arith.addf %get3A_3, %get3A_8 : vector<400x128xf32>
    %get3A_9 = arith.constant 1 : index
    %get3A_10 = arith.constant 0 : index
    %get3A_11 = arith.constant 0 : index
    %get3A_12 = vector.load %arg1[%get3A_9, %get3A_10, %get3A_11] : memref<2x400x128xf32, #tpu.memory_space<vmem>>, vector<1x400x128xf32>
    %get3A_13 = vector.shape_cast %get3A_12 : vector<1x400x128xf32> to vector<400x128xf32>
    %get3A_14 = arith.constant 1 : index
    %get3A_15 = arith.constant 0 : index
    %get3A_16 = arith.constant 0 : index
    %get3A_17 = vector.load %arg2[%get3A_14, %get3A_15, %get3A_16] : memref<2x400x128xf32, #tpu.memory_space<vmem>>, vector<1x400x128xf32>
    %get3A_18 = vector.shape_cast %get3A_17 : vector<1x400x128xf32> to vector<400x128xf32>
    %add3A_19 = arith.addf %get3A_13, %get3A_18 : vector<400x128xf32>
    %concatenate3A = tpu.concatenate %add3A, %add3A_19 in 1 : vector<400x128xf32>, vector<400x128xf32> -> vector<400x256xf32>
    %get3A_20 = arith.constant 0 : index
    %get3A_21 = arith.constant 0 : index
    %get3A_22 = vector.load %arg3[%get3A_20, %get3A_21] : memref<400x1xf32, #tpu.memory_space<vmem>>, vector<400x1xf32>
    %mul3A = vector.broadcast %get3A_22 : vector<400x1xf32> to vector<400x256xf32>
    %mul3A_23 = arith.mulf %mul3A, %concatenate3A : vector<400x256xf32>
    %get3A_24 = arith.constant 0 : index
    %get3A_25 = arith.constant 0 : index
    %get3A_26 = vector.load %arg4[%get3A_24, %get3A_25] : memref<1x256xf32, #tpu.memory_space<vmem>>, vector<1x256xf32>
    %add3A_27 = vector.broadcast %get3A_26 : vector<1x256xf32> to vector<400x256xf32>
    %add3A_28 = arith.addf %mul3A_23, %add3A_27 : vector<400x256xf32>
    %max3A = arith.constant 0.000000e+00 : f32
    %max3A_29 = vector.broadcast %max3A : f32 to vector<400x256xf32>
    %max3A_30 = arith.maximumf %add3A_28, %max3A_29 : vector<400x256xf32>
    %get3A_31 = arith.constant 0 : index
    %get3A_32 = arith.constant 0 : index
    %get3A_33 = vector.load %arg5[%get3A_31, %get3A_32] : memref<256x256xf32, #tpu.memory_space<vmem>>, vector<256x256xf32>
    %dot_general3A = arith.constant dense<0.000000e+00> : vector<400x256xf32>
    %dot_general3A_34 = tpu.matmul %max3A_30, %get3A_33, %dot_general3A {dimension_numbers = #tpu.dot_dimension_numbers<[1], [0], [0], [1], [0, 0, 1, 1], [], []>, transpose_lhs_hint = false} : vector<400x256xf32>, vector<256x256xf32>, vector<400x256xf32> -> vector<400x256xf32>
    %mul3A_35 = vector.broadcast %get3A_22 : vector<400x1xf32> to vector<400x256xf32>
    %mul3A_36 = arith.mulf %dot_general3A_34, %mul3A_35 : vector<400x256xf32>
    %slice3A = vector.extract_strided_slice %mul3A_36 {offsets = [0, 0], sizes = [400, 128], strides = [1, 1]} : vector<400x256xf32> to vector<400x128xf32>
    %swap3A = arith.constant 0 : index
    %swap3A_37 = arith.constant 0 : index
    %swap3A_38 = arith.constant 0 : index
    %swap3A_39 = vector.load %arg6[%swap3A, %swap3A_37, %swap3A_38] : memref<2x400x128xf32, #tpu.memory_space<vmem>>, vector<1x400x128xf32>
    %swap3A_40 = vector.shape_cast %swap3A_39 : vector<1x400x128xf32> to vector<400x128xf32>
    %swap3A_41 = vector.shape_cast %slice3A : vector<400x128xf32> to vector<1x400x128xf32>
    tpu.vector_store %arg6[%swap3A, %swap3A_37, %swap3A_38], %swap3A_41 {strides = array<i32>} : memref<2x400x128xf32, #tpu.memory_space<vmem>>, vector<1x400x128xf32>,
    %slice3A_42 = vector.extract_strided_slice %mul3A_36 {offsets = [0, 128], sizes = [400, 128], strides = [1, 1]} : vector<400x256xf32> to vector<400x128xf32>
    %swap3A_43 = arith.constant 1 : index
    %swap3A_44 = arith.constant 0 : index
    %swap3A_45 = arith.constant 0 : index
    %swap3A_46 = vector.load %arg6[%swap3A_43, %swap3A_44, %swap3A_45] : memref<2x400x128xf32, #tpu.memory_space<vmem>>, vector<1x400x128xf32>
    %swap3A_47 = vector.shape_cast %swap3A_46 : vector<1x400x128xf32> to vector<400x128xf32>
    %swap3A_48 = vector.shape_cast %slice3A_42 : vector<400x128xf32> to vector<1x400x128xf32>
    tpu.vector_store %arg6[%swap3A_43, %swap3A_44, %swap3A_45], %swap3A_48 {strides = array<i32>} : memref<2x400x128xf32, #tpu.memory_space<vmem>>, vector<1x400x128xf32>,
    return
  }
  func.func @transform_0(%arg0: i32) -> (i32, i32, i32) {
    %c0_i32 = arith.constant 0 : i32
    %c0_i32_0 = arith.constant 0 : i32
    %c0_i32_1 = arith.constant 0 : i32
    return %c0_i32, %arg0, %c0_i32_0 : i32, i32, i32
  }
  func.func @transform_1(%arg0: i32) -> (i32, i32, i32) {
    %c0_i32 = arith.constant 0 : i32
    %c0_i32_0 = arith.constant 0 : i32
    %c0_i32_1 = arith.constant 0 : i32
    return %c0_i32, %arg0, %c0_i32_0 : i32, i32, i32
  }
  func.func @transform_2(%arg0: i32) -> (i32, i32) {
    %c0_i32 = arith.constant 0 : i32
    %c0_i32_0 = arith.constant 0 : i32
    return %arg0, %c0_i32 : i32, i32
  }
  func.func @transform_3(%arg0: i32) -> (i32, i32) {
    %c0_i32 = arith.constant 0 : i32
    %c0_i32_0 = arith.constant 0 : i32
    %c0_i32_1 = arith.constant 0 : i32
    return %c0_i32, %c0_i32_0 : i32, i32
  }
  func.func @transform_4(%arg0: i32) -> (i32, i32) {
    %c0_i32 = arith.constant 0 : i32
    %c0_i32_0 = arith.constant 0 : i32
    %c0_i32_1 = arith.constant 0 : i32
    return %c0_i32, %c0_i32_0 : i32, i32
  }
  func.func @transform_5(%arg0: i32) -> (i32, i32, i32) {
    %c0_i32 = arith.constant 0 : i32
    %c0_i32_0 = arith.constant 0 : i32
    %c0_i32_1 = arith.constant 0 : i32
    return %c0_i32, %arg0, %c0_i32_0 : i32, i32, i32
  }
}

module attributes {stable_mosaic.version = 14 : i64} {
  func.func @body(%arg0: i32, %arg1: memref<2x400x128xf32, #tpu.memory_space<vmem>>, %arg2: memref<2x400x128xf32, #tpu.memory_space<vmem>>, %arg3: memref<400x1xf32, #tpu.memory_space<vmem>>, %arg4: memref<1x256xf32, #tpu.memory_space<vmem>>, %arg5: memref<400x256xf32, #tpu.memory_space<vmem>>) attributes {dimension_semantics = [#tpu.dimension_semantics<arbitrary>], iteration_bounds = array<i64: 25>, scalar_prefetch = 0 : i64, scratch_operands = 0 : i64, tpu.core_type = #tpu.core_type<tc>, window_params = [{transform_indices = @transform_0, window_bounds = array<i64: 2, 400, 128>}, {transform_indices = @transform_1, window_bounds = array<i64: 2, 400, 128>}, {transform_indices = @transform_2, window_bounds = array<i64: 400, 1>}, {pipeline_mode = #tpu.pipeline_mode<synchronous>, transform_indices = @transform_3, window_bounds = array<i64: 1, 256>}, {transform_indices = @transform_4, window_bounds = array<i64: 400, 256>}]} {
    %get3A = arith.constant 0 : index
    %get3A_0 = arith.constant 0 : index
    %get3A_1 = arith.constant 0 : index
    %get3A_2 = vector.load %arg1[%get3A, %get3A_0, %get3A_1] : memref<2x400x128xf32, #tpu.memory_space<vmem>>, vector<1x400x128xf32>
    %get3A_3 = vector.shape_cast %get3A_2 : vector<1x400x128xf32> to vector<400x128xf32>
    %get3A_4 = arith.constant 0 : index
    %get3A_5 = arith.constant 0 : index
    %get3A_6 = arith.constant 0 : index
    %get3A_7 = vector.load %arg2[%get3A_4, %get3A_5, %get3A_6] : memref<2x400x128xf32, #tpu.memory_space<vmem>>, vector<1x400x128xf32>
    %get3A_8 = vector.shape_cast %get3A_7 : vector<1x400x128xf32> to vector<400x128xf32>
    %add3A = arith.addf %get3A_3, %get3A_8 : vector<400x128xf32>
    %get3A_9 = arith.constant 1 : index
    %get3A_10 = arith.constant 0 : index
    %get3A_11 = arith.constant 0 : index
    %get3A_12 = vector.load %arg1[%get3A_9, %get3A_10, %get3A_11] : memref<2x400x128xf32, #tpu.memory_space<vmem>>, vector<1x400x128xf32>
    %get3A_13 = vector.shape_cast %get3A_12 : vector<1x400x128xf32> to vector<400x128xf32>
    %get3A_14 = arith.constant 1 : index
    %get3A_15 = arith.constant 0 : index
    %get3A_16 = arith.constant 0 : index
    %get3A_17 = vector.load %arg2[%get3A_14, %get3A_15, %get3A_16] : memref<2x400x128xf32, #tpu.memory_space<vmem>>, vector<1x400x128xf32>
    %get3A_18 = vector.shape_cast %get3A_17 : vector<1x400x128xf32> to vector<400x128xf32>
    %add3A_19 = arith.addf %get3A_13, %get3A_18 : vector<400x128xf32>
    %concatenate3A = tpu.concatenate %add3A, %add3A_19 in 1 : vector<400x128xf32>, vector<400x128xf32> -> vector<400x256xf32>
    %get3A_20 = arith.constant 0 : index
    %get3A_21 = arith.constant 0 : index
    %get3A_22 = vector.load %arg3[%get3A_20, %get3A_21] : memref<400x1xf32, #tpu.memory_space<vmem>>, vector<400x1xf32>
    %mul3A = vector.broadcast %get3A_22 : vector<400x1xf32> to vector<400x256xf32>
    %mul3A_23 = arith.mulf %mul3A, %concatenate3A : vector<400x256xf32>
    %get3A_24 = arith.constant 0 : index
    %get3A_25 = arith.constant 0 : index
    %get3A_26 = vector.load %arg4[%get3A_24, %get3A_25] : memref<1x256xf32, #tpu.memory_space<vmem>>, vector<1x256xf32>
    %add3A_27 = vector.broadcast %get3A_26 : vector<1x256xf32> to vector<400x256xf32>
    %add3A_28 = arith.addf %mul3A_23, %add3A_27 : vector<400x256xf32>
    %max3A = arith.constant 0.000000e+00 : f32
    %max3A_29 = vector.broadcast %max3A : f32 to vector<400x256xf32>
    %max3A_30 = arith.maximumf %add3A_28, %max3A_29 : vector<400x256xf32>
    %swap3A = arith.constant 0 : index
    %swap3A_31 = arith.constant 0 : index
    %swap3A_32 = vector.load %arg5[%swap3A, %swap3A_31] : memref<400x256xf32, #tpu.memory_space<vmem>>, vector<400x256xf32>
    tpu.vector_store %arg5[%swap3A, %swap3A_31], %max3A_30 {strides = array<i32>} : memref<400x256xf32, #tpu.memory_space<vmem>>, vector<400x256xf32>,
    return
  }
  func.func @transform_0(%arg0: i32) -> (i32, i32, i32) {
    %c0_i32 = arith.constant 0 : i32
    %c0_i32_0 = arith.constant 0 : i32
    %c0_i32_1 = arith.constant 0 : i32
    return %c0_i32, %arg0, %c0_i32_0 : i32, i32, i32
  }
  func.func @transform_1(%arg0: i32) -> (i32, i32, i32) {
    %c0_i32 = arith.constant 0 : i32
    %c0_i32_0 = arith.constant 0 : i32
    %c0_i32_1 = arith.constant 0 : i32
    return %c0_i32, %arg0, %c0_i32_0 : i32, i32, i32
  }
  func.func @transform_2(%arg0: i32) -> (i32, i32) {
    %c0_i32 = arith.constant 0 : i32
    %c0_i32_0 = arith.constant 0 : i32
    return %arg0, %c0_i32 : i32, i32
  }
  func.func @transform_3(%arg0: i32) -> (i32, i32) {
    %c0_i32 = arith.constant 0 : i32
    %c0_i32_0 = arith.constant 0 : i32
    %c0_i32_1 = arith.constant 0 : i32
    return %c0_i32, %c0_i32_0 : i32, i32
  }
  func.func @transform_4(%arg0: i32) -> (i32, i32) {
    %c0_i32 = arith.constant 0 : i32
    %c0_i32_0 = arith.constant 0 : i32
    return %arg0, %c0_i32 : i32, i32
  }
}

</mosaic_0001>

<sc_bundles>
// kernel: kernel.11.cloned.1.call-start
scs
__scs_entry_jumppad:
0x0: {  	(pc) =	sbr.rel $0x88, $3  }
0x1: {  	(tag) =	ssettag $0x0;
	lr =	simm.s32 $0x1  }
0x2: {  	[smem:$0x3F9B] =	sst lr;
	_ =	strace $0xD0000000  }
0x3: {  	_ = 	snop  }
0x4: {  	_ = 	snop  }
0x5: {  	_ = 	snop  }
0x6: {  	_ = 	snop  }
0x7: {  	_ = 	snop  }
__scs_overlays_trampoline_lowered:
0x8: {  	[smem:$0x3FAA] =	sst s0  }
0x9: {  	[smem:$0x3FAB] =	sst s1  }
0xa: {  	[smem:$0x3FAC] =	sst s2  }
0xb: {  	[smem:$0x3FAD] =	sst s3  }
0xc: {  	[smem:$0x3FAE] =	sst s4  }
0xd: {  	[smem:$0x3FAF] =	sst s5  }
0xe: {  	[smem:$0x3FB0] =	sst s6  }
0xf: {  	[smem:$0x3FB1] =	sst s7  }
0x10: {  	[smem:$0x3FB2] =	sst s8  }
0x11: {  	[smem:$0x3FB3] =	sst s9;
	s0 =	simm.s32 @!p0 $0x0  }
0x12: {  	s1 =	sld [smem:$0x3F99];
	s0 =	simm.s32 @p0 $0x1  }
0x13: {  	[smem:$0x3FB4] =	sst s0;
	s0 =	simm.s32 @!p1 $0x0  }
0x14: {  	s2 =	sld [smem:$0x3F98];
	s0 =	simm.s32 @p1 $0x1  }
0x15: {  	[smem:$0x3FB5] =	sst s0;
	s0 =	simm.s32 @!p2 $0x0  }
0x16: {  	s3 =	sld [smem:$0x3FDB];
	s0 =	simm.s32 @p2 $0x1  }
0x17: {  	s4 =	simm.s32 $0x1BF5;
	[smem:$0x3FB7] =	sst s0  }
0x18: {  	s0 =	sld [smem:$0x3F9A];
	_ =	swait.ge [sflag:s4], $0x0  }
0x19: {  	s7 =	sld [smem:$0x3F9B]  }
0x1a: {  	s8 =	sadd.s32 $0xFFFFE003, lr  }
0x1b: {  	s9 =	sadd.s32 $0xFFFFFEF7, lr;
	s5 =	simm.s32 $0xFFFFFFFF;
	p2 =	slt.u32 s8, $0xFFFFF086  }
0x1c: {  	p1 =	slt.u32 s9, $0xF7A;
	s5 =	simm.s32 @!p2 $0x0  }
0x1d: {  	s5 =	simm.s32 @p1 $0x1;
	p0 =	seq.s32 s7, s2  }
0x1e: {  	s7 =	smul.u32 @!p0 $0xF7A, s2;
	p2 =	seq.s32 @!p0 s5, $0x0  }
0x1f: {  	s9 =	smul.u32 $0xF7A, s1;
	s8 =	simm.s32 @!p0 $0x1BF5;
	p2 =	por !p2, p0  }
0x20: {  	[sflag:s8] =	ssyncset.s32 @!p0 $0xFFFFF086;
	s6 =	sadd.s32 @!p0 s3, s7;
	s7 =	simm.s32 @!p0 $0x108  }
0x21: {  	s3 =	sadd.s32 s3, s9;
	s6 =	sadd.s32 @!p0 $0x88, s6;
	s7 =	simm.s32 @p2 $0x1082  }
0x22: {  	[simem:s7], [sflag:s8] =	dma.local @!p0 [hbm:s6], $0xF7A  }
0x23: {  	s9 =	sor.u32 $0xD0000000, s2;
	s6 =	simm.s32 $0x108;
	_ =	swait.ge @!p0 [sflag:s8], $0x0  }
0x24: {  	s3 =	sadd.s32 $0x88, s3;
	s6 =	simm.s32 @!p1 $0x1082;
	[sflag:s4] =	ssyncset.s32 $0xFFFFF086  }
0x25: {  	[simem:s6], [sflag:s4] =	dma.local [hbm:s3], $0xF7A  }
0x26: {  	[smem:$0x3F9B] =	sst s1;
	(tag) =	ssettag s2;
	_ =	strace s9  }
0x27: {  	s1 =	sld [smem:$0x3FAB]  }
0x28: {  	s2 =	sld [smem:$0x3FAC]  }
0x29: {  	s4 =	sld [smem:$0x3FAE]  }
0x2a: {  	p0 =	seq.s32 s5, $0x0;
	s5 =	sld [smem:$0x3FAF]  }
0x2b: {  	s6 =	sld [smem:$0x3FB0]  }
0x2c: {  	s7 =	sld [smem:$0x3FB1]  }
0x2d: {  	s3 =	simm.s32 $0x108;
	s8 =	sld [smem:$0x3FB2]  }
0x2e: {  	s3 =	simm.s32 @!p0 $0x1082;
	s9 =	sld [smem:$0x3FB3]  }
0x2f: {  	lr =	sadd.s32 s0, s3;
	s0 =	sld [smem:$0x3FAA]  }
0x30: {  	s3 =	sld [smem:$0x3FAD]  }
0x31: {  	[smem:$0x3FB6] =	sst s10  }
0x32: {  	s10 =	sld [smem:$0x3FB4];
	_ =	sdelay $0x3  }
0x33: {  	p0 =	seq.s32 s10, $0x1;
	s10 =	sld [smem:$0x3FB6];
	_ =	sdelay $0x3  }
0x34: {  	[smem:$0x3FB6] =	sst s10  }
0x35: {  	s10 =	sld [smem:$0x3FB5];
	_ =	sdelay $0x3  }
0x36: {  	p1 =	seq.s32 s10, $0x1;
	s10 =	sld [smem:$0x3FB6];
	_ =	sdelay $0x3  }
0x37: {  	[smem:$0x3FB6] =	sst s10  }
0x38: {  	s10 =	sld [smem:$0x3FB7]  }
0x39: {  	_ = 	snop;
	(pc) =	sbr.ind lr, $3  }
0x3a: {  	_ = 	snop  }
0x3b: {  	_ = 	snop  }
0x3c: {  	p2 =	seq.s32 s10, $0x1;
	s10 =	sld [smem:$0x3FB6]  }
0x3d: {  	_ =	shalt  }
0x3e: {  	_ =	shalt  }
0x3f: {  	_ =	shalt  }
0x40: {  	_ =	shalt  }
0x41: {  	_ =	shalt  }
0x42: {  	_ =	shalt  }
0x43: {  	_ =	shalt  }
0x44: {  	_ =	shalt  }
0x45: {  	_ =	shalt  }
0x46: {  	_ =	shalt  }
0x47: {  	_ =	shalt  }
0x48: {  	_ =	shalt  }
0x49: {  	_ =	shalt  }
0x4a: {  	_ =	shalt  }
0x4b: {  	_ =	shalt  }
0x4c: {  	_ =	shalt  }
0x4d: {  	_ =	shalt  }
0x4e: {  	_ =	shalt  }
0x4f: {  	_ =	shalt  }
0x50: {  	_ =	shalt  }
0x51: {  	_ =	shalt  }
0x52: {  	_ =	shalt  }
0x53: {  	_ =	shalt  }
0x54: {  	_ =	shalt  }
0x55: {  	_ =	shalt  }
0x56: {  	_ =	shalt  }
0x57: {  	_ =	shalt  }
0x58: {  	_ =	shalt  }
0x59: {  	_ =	shalt  }
0x5a: {  	_ =	shalt  }
0x5b: {  	_ =	shalt  }
0x5c: {  	_ =	shalt  }
0x5d: {  	_ =	shalt  }
0x5e: {  	_ =	shalt  }
0x5f: {  	_ =	shalt  }
0x60: {  	_ =	shalt  }
0x61: {  	_ =	shalt  }
0x62: {  	_ =	shalt  }
0x63: {  	_ =	shalt  }
0x64: {  	_ =	shalt  }
0x65: {  	_ =	shalt  }
0x66: {  	_ =	shalt  }
0x67: {  	_ =	shalt  }
0x68: {  	_ =	shalt  }
0x69: {  	_ =	shalt  }
0x6a: {  	_ =	shalt  }
0x6b: {  	_ =	shalt  }
0x6c: {  	_ =	shalt  }
0x6d: {  	_ =	shalt  }
0x6e: {  	_ =	shalt  }
0x6f: {  	_ =	shalt  }
0x70: {  	_ =	shalt  }
0x71: {  	_ =	shalt  }
0x72: {  	_ =	shalt  }
0x73: {  	_ =	shalt  }
0x74: {  	_ =	shalt  }
0x75: {  	_ =	shalt  }
0x76: {  	_ =	shalt  }
0x77: {  	_ =	shalt  }
0x78: {  	_ =	shalt  }
0x79: {  	_ =	shalt  }
0x7a: {  	_ =	shalt  }
0x7b: {  	_ =	shalt  }
0x7c: {  	_ =	shalt  }
0x7d: {  	_ =	shalt  }
0x7e: {  	_ =	shalt  }
0x7f: {  	_ =	shalt  }
0x80: {  	_ =	shalt  }
0x81: {  	_ =	shalt  }
0x82: {  	_ =	shalt  }
0x83: {  	_ =	shalt  }
0x84: {  	_ =	shalt  }
0x85: {  	_ =	shalt  }
0x86: {  	_ =	shalt  }
0x87: {  	_ =	shalt  }
.Lfunc_end0:
.L_simem_size_0:
called_computation.1_lowered:
.L_overlay_start_0:
0x88: {  	s2 =	sld [smem:$0x3FD9]  }
0x89: {  	s3 =	sld [smem:$0x3FFE];
	_ =	sdelay $0x1  }
0x8a: {  	s1 =	srdreg.scid  }
0x8b: {  	s0 =	sand.u32 $0x1, s1  }
0x8c: {  	s17 =	sshll.u32 s0, $0xA;
	s2 =	sadd.s32 s3, s2  }
0x8d: {  	s2 =	sadd.s32 s2, s17  }
0x8e: {  	[smem:$0x3FC2] =	sst s2  }
0x8f: {  	_ = 	snop  }
0x90: {  	s2 =	sld [smem:$0x3FD0];
	(tm) =	ssettm $0x1  }
0x91: {  	s18 =	sld [smem:$0x3FFB];
	_ =	sdelay $0x3  }
0x92: {  	_ =	strace s18  }
0x93: {  	s3 =	sld [smem:$0x3FFC];
	_ =	sdelay $0x3  }
0x94: {  	_ =	strace s3  }
0x95: {  	s3 =	sld [smem:$0x3FFD];
	_ =	sdelay $0x3  }
0x96: {  	_ =	strace s3  }
0x97: {  	_ =	strace $0x8FFFFFFF  }
0x98: {  	s19 =	sld [smem:$0x3FDB];
	_ =	sdelay $0x1  }
0x99: {  	s4 =	simm.s32 $_scs_section_size  }
0x9a: {  	s5 =	simm.s32 $_size__tile_overlayer_lowered;
	s6 =	simm.s32 $_tile_overlayer_lowered  }
0x9b: {  	s22 =	simm.s32 $0x1BFF;
	s21 =	sshll.u32 s6, $0x1;
	s3 =	sadd.s32 s4, s19  }
0x9c: {  	s7 =	simm.s32 $0x0;
	s20 =	sshll.u32 s5, $0x1;
	s5 =	sadd.s32 s21, s3  }
0x9d: {  	[timem:s7], [sflag:s22] =	dma.local [hbm:s5], s20  }
0x9e: {  	_ =	swait.ge [sflag:s22], s20  }
0x9f: {  	s4 =	ssub.s32 $0x0, s20;
	[sflag:s22] =	ssyncset.done $0x0  }
0xa0: {  	[sflag:s22] =	ssyncadd.s32 s4;
	_ =	sdelay $0x1  }
0xa1: {  	s23 =	simm.s32 $0x1B8B  }
0xa2: {  	_ =	swait.ge [sflag:s23], $0x1  }
0xa3: {  	[sflag:s23] =	ssyncset.done $0x0  }
0xa4: {  	s25 =	simm.s32 $0x1B8E;
	s24 =	sld [smem:$0x3FFE];
	[sflag:s23] =	ssyncadd.s32 $0xFFFFFFFF  }
0xa5: {  	s26 =	simm.s32 $execute0_lowered;
	[smem:$0x3FD2] =	sst s25  }
0xa6: {  	s5 =	sshll.u32 s26, $0x1;
	_ =	strace $0x80000049;
	[dreg:$0x1] =	wrdreg $0xFFFFFFFF  }
0xa7: {  	s28 =	simm.s32 $_size_execute0_lowered;
	s3 =	sadd.s32 s3, s5;
	[dreg:$0x0] =	wrdreg $0x0  }
0xa8: {  	s5 =	sshll.u32 s28, $0x1;
	[dreg:$0x2] =	wrdreg s3  }
0xa9: {  	[dreg:$0x3] =	wrdreg s5  }
0xaa: {  	[dreg:$0x4] =	wrdreg $0xC0  }
0xab: {  	_ =	task [dreg:s7], $0x5FFFF  }
0xac: {  	[dreg:$0x1] =	wrdreg $0xFFFFFFFF  }
0xad: {  	[dreg:$0x0] =	wrdreg $0x60  }
0xae: {  	[dreg:$0x2] =	wrdreg s2  }
0xaf: {  	[dreg:$0x3] =	wrdreg s24  }
0xb0: {  	[dreg:$0x4] =	wrdreg $0xA8000  }
0xb1: {  	[dreg:$0x5] =	wrdreg $0x9  }
0xb2: {  	_ =	task.clear_ibuf [dreg:s7], $0x6FFFF;
	_ =	strace $0x90000049  }
0xb3: {  	s29 =	simm.s32 $0x9;
	_ =	strace $0x8000004B  }
0xb4: {  	_ =	swait.ge [sflag:s29], $0x1  }
0xb5: {  	[sflag:s29] =	ssyncadd.s32 $0xFFFFFFFF  }
0xb6: {  	_ =	strace $0x9000004B  }
0xb7: {  	_ =	sfence  }
0xb8: {  	s30 =	sld [smem:$0x0];
	_ =	sdelay $0x2  }
0xb9: {  	s31 =	sshll.u32 s1, $0xD;
	s1 =	sshrl.u32 s1, $0x2  }
0xba: {  	s3 =	sand.u32 $0x4000, s31;
	s1 =	sadd.s32 s1, s30  }
0xbb: {  	s0 =	sor.u32 s3, s0;
	s1 =	sshll.u32 s1, $0x11  }
0xbc: {  	s0 =	sor.u32 s1, s0  }
0xbd: {  	s0 =	sadd.s32 $0x8F2B, s0  }
0xbe: {  	[sflag:s0] =	ssyncadd.remote.s32 $0x1  }
0xbf: {  	_ =	sfence.sel $0xFFFF  }
0xc0: {  	[dreg:$0x0] =	wrdreg $0xFFFFFFFF;
	(pc) =	sbr.abs _section_cstart, $3  }
0xc1: {  	[dreg:$0x1] =	wrdreg $0xFFFFFFFF  }
0xc2: {  	_ =	task.clear_ibuf [dreg:s7], $0x2FFFF;
	_ =	strace $0x9FFFFFFF  }
0xc3: {  	(tm) =	ssettm $0x7FFFFFFF  }
tec
execute0_lowered:
.L_overlay_start_1:
0x0: {  	(tag) =	ssettag $0x1  }
0x1: {  	s0 =	srdreg.scid;
	s15 =	stileid.u32  }
0x2: {  	s3 =	rddreg [dreg:$0x1];
	s28 =	simm.s32 $0x4;
	s29 =	simm.s32 $0x8  }
0x3: {  	s30 =	simm.s32 $0x2700;
	s31 =	simm.s32 $0x2740;
	s5 =	smul.u32 $0x500, s15  }
0x4: {  	s0 =	sand.u32 $0x1, s0;
	s6 =	sadd.s32 $0x7000, s3;
	s10 =	smul.u32 $0x2800, s15  }
0x5: {  	s8 =	sadd.s32 $0x2000, s3;
	s3 =	sadd.s32 $0x11000, s3;
	s26 =	smul.u32 $0x280, s15  }
0x6: {  	s1 =	sshll.u32 s0, $0x4;
	s7 =	ssub.s32 $0x2, s0;
	s0 =	smul.u32 $0x2800, s0  }
0x7: {  	s2 =	sor.u32 s15, s1;
	s1 =	simm.s32 $0x0;
	s9 =	sshrl.u32 s7, $0x1  }
0x8: {  	s5 =	sadd.s32 s8, s5;
	s10 =	sshrl.u32 s10, $0x3;
	s4 =	smul.u32 $0x500, s2  }
0x9: {  	[smem:$0x7FF] =	sst s1;
	s2 =	smul.u32 $0x2800, s2;
	s7 =	ssub.s32 s7, s9  }
0xa: {  	[dreg:$0x5] =	wrdreg s5;
	s11 =	sadd.s32 s0, s26;
	s9 =	sadd.s32 $0x240, s26  }
0xb: {  	s5 =	sshll.u32 s11, $0x4;
	s11 =	sadd.s32 $0x100, s26;
	s4 =	sadd.s32 s6, s4  }
0xc: {  	s2 =	sshrl.u32 s2, $0x3;
	s5 =	sadd.s32 s3, s5;
	[dreg:$0x4] =	wrdreg s4  }
0xd: {  	s2 =	sadd.s32 s6, s2;
	s4 =	sadd.s32 s8, s10;
	s6 =	sor.u32 $0x40, s26  }
0xe: {  	s10 =	sadd.s32 $0x80, s26;
	[dreg:$0x6] =	wrdreg s5;
	s8 =	sadd.s32 $0xC0, s26  }
0xf: {  	s12 =	sadd.s32 s0, s6;
	s14 =	sadd.s32 s0, s10;
	s17 =	sadd.s32 s0, s8  }
0x10: {  	s2 =	sadd.s32 $0x280, s2;
	s13 =	sshll.u32 s12, $0x4;
	s16 =	sshll.u32 s14, $0x4  }
0x11: {  	s12 =	sadd.s32 s0, s11;
	s14 =	sadd.s32 $0x180, s26;
	s5 =	sadd.s32 s3, s13  }
0x12: {  	s13 =	sadd.s32 $0x140, s26;
	s18 =	sshll.u32 s12, $0x4;
	s12 =	rddreg [dreg:$0x0]  }
0x13: {  	s21 =	sadd.s32 s0, s14;
	[dreg:$0x7] =	wrdreg s5;
	s5 =	sadd.s32 s3, s16  }
0x14: {  	s19 =	sadd.s32 s0, s13;
	s16 =	sadd.s32 $0x1C0, s26;
	[dreg:$0x8] =	wrdreg s5  }
0x15: {  	s5 =	sshll.u32 s17, $0x4;
	s20 =	sshll.u32 s19, $0x4;
	s22 =	sadd.s32 s0, s16  }
0x16: {  	s17 =	smul.u32 $0x50000, s15;
	s15 =	rddreg [dreg:$0x2];
	s16 =	sshll.u32 s16, $0x7  }
0x17: {  	s19 =	sshll.u32 s9, $0x7;
	s5 =	sadd.s32 s3, s5;
	s23 =	sshll.u32 s22, $0x4  }
0x18: {  	[dreg:$0x9] =	wrdreg s5;
	s5 =	sadd.s32 s3, s18;
	s18 =	sadd.s32 $0x200, s26  }
0x19: {  	[dreg:$0xa] =	wrdreg s5;
	s5 =	sadd.s32 s3, s20;
	s24 =	sadd.s32 s0, s18  }
0x1a: {  	s0 =	sadd.s32 s0, s9;
	[dreg:$0xb] =	wrdreg s5;
	s5 =	sshll.u32 s21, $0x4  }
0x1b: {  	s26 =	sshrl.u32 s17, $0x2;
	s0 =	sshll.u32 s0, $0x4;
	s5 =	sadd.s32 s3, s5  }
0x1c: {  	s17 =	sadd.s32 s26, s15;
	s0 =	sadd.s32 s3, s0;
	[dreg:$0xc] =	wrdreg s5  }
0x1d: {  	s25 =	sshll.u32 s24, $0x4;
	s5 =	sadd.s32 s3, s23;
	[dreg:$0xf] =	wrdreg s0  }
0x1e: {  	s18 =	sshll.u32 s18, $0x7;
	[dreg:$0xd] =	wrdreg s5;
	s5 =	sadd.s32 s3, s25  }
0x1f: {  	s20 =	sadd.s32 s19, s15;
	s9 =	simm.s32 $0x9;
	[dreg:$0xe] =	wrdreg s5  }
0x20: {  	s3 =	sadd.s32 $0x280, s4;
	_ =	strace $0x8000004A;
	[dreg:$0x10] =	wrdreg s2  }
0x21: {  	s4 =	smax.u32 s7, $0x1;
	s7 =	sshll.u32 s8, $0x7;
	[dreg:$0x11] =	wrdreg s3  }
0x22: {  	s19 =	simm.s32 $0xC0;
	s8 =	sadd.s32 s7, s15;
	[dreg:$0x12] =	wrdreg s4  }
0x23: {  	s21 =	sadd.s32 $0x2000, s17;
	s22 =	sadd.s32 $0x4000, s17;
	[dreg:$0x15] =	wrdreg s8  }
0x24: {  	s24 =	sadd.s32 $0x8000, s17;
	s26 =	sadd.s32 $0xC000, s17;
	[dreg:$0x1b] =	wrdreg s20  }
0x25: {  	s23 =	sadd.s32 $0x6000, s17;
	s25 =	sadd.s32 $0xA000, s17;
	[dreg:$0x1c] =	wrdreg s21  }
0x26: {  	s5 =	sshll.u32 s6, $0x7;
	s6 =	sshll.u32 s10, $0x7;
	[dreg:$0x1d] =	wrdreg s22  }
0x27: {  	s10 =	sshll.u32 s11, $0x7;
	s11 =	sshll.u32 s13, $0x7;
	[dreg:$0x1e] =	wrdreg s23  }
0x28: {  	s13 =	sshll.u32 s14, $0x7;
	s7 =	sadd.s32 $0x12000, s17;
	[dreg:$0x1f] =	wrdreg s24  }
0x29: {  	s0 =	sadd.s32 s5, s15;
	s14 =	sadd.s32 s13, s15;
	[smem:$0x7FC] =	sst s25  }
0x2a: {  	[smem:$0x7FD] =	sst s26;
	s5 =	sadd.s32 $0xE000, s17;
	s8 =	simm.s32 $0x2800  }
0x2b: {  	s20 =	simm.s32 $0x8800;
	s21 =	simm.s32 $0x1;
	s22 =	simm.s32 $0x5  }
0x2c: {  	s23 =	simm.s32 $0x2;
	s24 =	simm.s32 $0x6;
	s25 =	simm.s32 $0x3  }
0x2d: {  	s26 =	simm.s32 $0x7;
	s13 =	simm.s32 $0x2780;
	[dreg:$0x13] =	wrdreg s0  }
0x2e: {  	s0 =	sadd.s32 s6, s15;
	[dreg:$0x18] =	wrdreg s14;
	s6 =	sadd.s32 $0x10000, s17  }
0x2f: {  	s14 =	simm.s32 $0x4800;
	[dreg:$0x14] =	wrdreg s0;
	s0 =	sadd.s32 s10, s15  }
0x30: {  	s10 =	simm.s32 $0x0;
	[dreg:$0x16] =	wrdreg s0;
	s0 =	sadd.s32 s11, s15  }
0x31: {  	s11 =	simm.s32 $0x40;
	[dreg:$0x17] =	wrdreg s0;
	s0 =	sadd.s32 s16, s15  }
0x32: {  	s16 =	simm.s32 $0x80;
	[dreg:$0x19] =	wrdreg s0;
	s0 =	sadd.s32 s18, s15  }
0x33: {  	v0 =	vimm.f32 $0.0e+00;
	s18 =	simm.s32 $0x6800;
	[dreg:$0x1a] =	wrdreg s0;
	s0 =	simm.s32 $0x27C0  }
.LBB2_1:
0x34: {  	s2 =	simm.s32 $0x0;
	s3 =	simm.s32 $0x200  }
.LBB2_2:
0x35: {  	p0 =	sne.s32 s3, $0x7E00;
	[tilespmem:s2+$0x2870] =	vst v0  }
0x36: {  	[tilespmem:s2+$0x2800] =	vst v0  }
0x37: {  	[tilespmem:s2+$0x2810] =	vst v0  }
.Ltmp0:
0x38: {  	[tilespmem:s2+$0x2820] =	vst v0;
	(pc) =	sbr.rel @p0 .LBB2_2-.Ltmp0, $4  }
0x39: {  	[tilespmem:s2+$0x2830] =	vst v0  }
0x3a: {  	[tilespmem:s2+$0x2840] =	vst v0  }
0x3b: {  	[tilespmem:s2+$0x2850] =	vst v0  }
0x3c: {  	[tilespmem:s2+$0x2860] =	vst v0;
	s2 =	sshra.s32 s3, $0x2;
	s3 =	sadd.s32 $0x200, s3  }
0x3d: {  	[tilespmem:s2+$0x2870] =	vst v0  }
0x3e: {  	[tilespmem:s2+$0x2800] =	vst v0  }
0x3f: {  	[tilespmem:s2+$0x2810] =	vst v0  }
0x40: {  	[tilespmem:s2+$0x2820] =	vst v0  }
0x41: {  	[tilespmem:s2+$0x2830] =	vst v0  }
0x42: {  	[tilespmem:s2+$0x2840] =	vst v0  }
0x43: {  	[tilespmem:s2+$0x2850] =	vst v0  }
0x44: {  	[tilespmem:s2+$0x2860] =	vst v0  }
0x45: {  	[spmem:s17] =	stream.linear.scatter [tilespmem:s8], [sflag:$0x9], $0x2000, $0x38;
	[tilespmem:$0x1E800] =	vst v63  }
0x46: {  	_ =	swait.ge [sflag:s9], $0x2000  }
0x47: {  	[sflag:s9] =	ssyncset.done $0x0  }
0x48: {  	s4 =	rddreg [dreg:$0x1c];
	[sflag:s9] =	ssyncadd.s32 $0xFFFFE000  }
0x49: {  	[spmem:s4] =	stream.linear.scatter [tilespmem:s8], [sflag:$0x9], $0x2000, $0x38;
	[tilespmem:$0x1E800] =	vst v63  }
0x4a: {  	_ =	swait.ge [sflag:s9], $0x2000  }
0x4b: {  	[sflag:s9] =	ssyncset.done $0x0  }
0x4c: {  	s3 =	rddreg [dreg:$0x1d];
	[sflag:s9] =	ssyncadd.s32 $0xFFFFE000  }
0x4d: {  	[spmem:s3] =	stream.linear.scatter [tilespmem:s8], [sflag:$0x9], $0x2000, $0x38;
	[tilespmem:$0x1E800] =	vst v63  }
0x4e: {  	_ =	swait.ge [sflag:s9], $0x2000  }
0x4f: {  	[sflag:s9] =	ssyncset.done $0x0  }
0x50: {  	s4 =	rddreg [dreg:$0x1e];
	[sflag:s9] =	ssyncadd.s32 $0xFFFFE000  }
0x51: {  	[spmem:s4] =	stream.linear.scatter [tilespmem:s8], [sflag:$0x9], $0x2000, $0x38;
	[tilespmem:$0x1E800] =	vst v63  }
0x52: {  	_ =	swait.ge [sflag:s9], $0x2000  }
0x53: {  	[sflag:s9] =	ssyncset.done $0x0  }
0x54: {  	s3 =	rddreg [dreg:$0x1f];
	[sflag:s9] =	ssyncadd.s32 $0xFFFFE000  }
0x55: {  	[spmem:s3] =	stream.linear.scatter [tilespmem:s8], [sflag:$0x9], $0x2000, $0x38;
	[tilespmem:$0x1E800] =	vst v63  }
0x56: {  	_ =	swait.ge [sflag:s9], $0x2000  }
0x57: {  	s4 =	sld [smem:$0x7FC]  }
0x58: {  	[sflag:s9] =	ssyncset.done $0x0  }
0x59: {  	[sflag:s9] =	ssyncadd.s32 $0xFFFFE000  }
0x5a: {  	[spmem:s4] =	stream.linear.scatter [tilespmem:s8], [sflag:$0x9], $0x2000, $0x38;
	[tilespmem:$0x1E800] =	vst v63  }
0x5b: {  	_ =	swait.ge [sflag:s9], $0x2000  }
0x5c: {  	s3 =	sld [smem:$0x7FD]  }
0x5d: {  	[sflag:s9] =	ssyncset.done $0x0  }
0x5e: {  	[sflag:s9] =	ssyncadd.s32 $0xFFFFE000  }
0x5f: {  	[spmem:s3] =	stream.linear.scatter [tilespmem:s8], [sflag:$0x9], $0x2000, $0x38;
	[tilespmem:$0x1E800] =	vst v63  }
0x60: {  	_ =	swait.ge [sflag:s9], $0x2000  }
0x61: {  	[sflag:s9] =	ssyncset.done $0x0  }
0x62: {  	[sflag:s9] =	ssyncadd.s32 $0xFFFFE000  }
0x63: {  	[spmem:s5] =	stream.linear.scatter [tilespmem:s8], [sflag:$0x9], $0x2000, $0x38;
	[tilespmem:$0x1E800] =	vst v63  }
0x64: {  	_ =	swait.ge [sflag:s9], $0x2000  }
0x65: {  	[sflag:s9] =	ssyncset.done $0x0  }
0x66: {  	[sflag:s9] =	ssyncadd.s32 $0xFFFFE000  }
0x67: {  	[spmem:s6] =	stream.linear.scatter [tilespmem:s8], [sflag:$0x9], $0x2000, $0x38;
	[tilespmem:$0x1E800] =	vst v63  }
0x68: {  	_ =	swait.ge [sflag:s9], $0x2000  }
0x69: {  	[sflag:s9] =	ssyncset.done $0x0  }
0x6a: {  	[sflag:s9] =	ssyncadd.s32 $0xFFFFE000  }
0x6b: {  	[spmem:s7] =	stream.linear.scatter [tilespmem:s8], [sflag:$0x9], $0x2000, $0x38;
	[tilespmem:$0x1E800] =	vst v63  }
0x6c: {  	_ =	swait.ge [sflag:s9], $0x2000  }
0x6d: {  	[sflag:s9] =	ssyncset.done $0x0  }
0x6e: {  	[sflag:s9] =	ssyncadd.s32 $0xFFFFE000  }
0x6f: {  	[bflag:$0x0] =	sbarrier.arrive $0xFFFF  }
0x70: {  	s2 =	simm.s32 $0x0;
	s3 =	rddreg [dreg:$0x4]  }
0x71: {  	[tilespmem:s2], [sflag:$0x9] =	stream.linear.gather [hbm4b:s3+s2], $0x1400, $0x38;
	[tilespmem:$0x1E800] =	vst v63  }
0x72: {  	_ =	swait.ge [sflag:s9], $0x1400  }
0x73: {  	[sflag:s9] =	ssyncset.done $0x0  }
0x74: {  	s4 =	simm.s32 $0x1400;
	s3 =	rddreg [dreg:$0x5];
	[sflag:s9] =	ssyncadd.s32 $0xFFFFEC00  }
0x75: {  	[tilespmem:s4], [sflag:$0x9] =	stream.linear.gather [hbm4b:s3+s2], $0x1400, $0x38;
	[tilespmem:$0x1E800] =	vst v63  }
0x76: {  	_ =	swait.ge [sflag:s9], $0x1400  }
0x77: {  	[sflag:s9] =	ssyncset.done $0x0  }
0x78: {  	[sflag:s9] =	ssyncadd.s32 $0xFFFFEC00  }
0x79: {  	[tilespmem:s8], [sflag:$0x1] =	stream.indirect.gather [hbm4b:s12+s11], $0x80, s2, s11, $0xb8;
	[tilespmem:$0x1E800] =	vst v63  }
0x7a: {  	_ = 	snop  }
0x7b: {  	[tilespmem:s14], [sflag:$0x2] =	stream.indirect.gather [hbm4b:s12+s11], $0x80, s11, s11, $0xb8;
	[tilespmem:$0x1E800] =	vst v63  }
0x7c: {  	_ = 	snop  }
0x7d: {  	[tilespmem:s18], [sflag:$0x3] =	stream.indirect.gather [hbm4b:s12+s11], $0x80, s16, s11, $0xb8;
	[tilespmem:$0x1E800] =	vst v63  }
0x7e: {  	_ = 	snop  }
0x7f: {  	[tilespmem:s20], [sflag:$0x4] =	stream.indirect.gather [hbm4b:s12+s11], $0x80, s19, s11, $0xb8;
	[tilespmem:$0x1E800] =	vst v63  }
0x80: {  	_ =	swait.ge [sflag:s21], $0x2000  }
0x81: {  	[sflag:s21] =	ssyncset.done $0x0  }
0x82: {  	s4 =	simm.s32 $0x1400;
	[sflag:s21] =	ssyncadd.s32 $0xFFFFE000  }
0x83: {  	[spmem:s15] =	stream.indirect.scatter.add.f32 [tilespmem:s8], [sflag:$0x5], $0x80, s4, s11, $0xb8;
	[tilespmem:$0x1E800] =	vst v63  }
0x84: {  	_ =	swait.ge [sflag:s22], $0x2000  }
0x85: {  	[sflag:s22] =	ssyncset.done $0x0  }
0x86: {  	s3 =	simm.s32 $0x100;
	[sflag:s22] =	ssyncadd.s32 $0xFFFFE000  }
0x87: {  	[tilespmem:s8], [sflag:$0x1] =	stream.indirect.gather [hbm4b:s12+s11], $0x80, s3, s11, $0xb8;
	[tilespmem:$0x1E800] =	vst v63  }
0x88: {  	_ =	swait.ge [sflag:s23], $0x2000  }
0x89: {  	[sflag:s23] =	ssyncset.done $0x0  }
0x8a: {  	s4 =	simm.s32 $0x1440;
	[sflag:s23] =	ssyncadd.s32 $0xFFFFE000  }
0x8b: {  	[spmem:s15] =	stream.indirect.scatter.add.f32 [tilespmem:s14], [sflag:$0x6], $0x80, s4, s11, $0xb8;
	[tilespmem:$0x1E800] =	vst v63  }
0x8c: {  	_ =	swait.ge [sflag:s24], $0x2000  }
0x8d: {  	[sflag:s24] =	ssyncset.done $0x0  }
0x8e: {  	s3 =	simm.s32 $0x140;
	[sflag:s24] =	ssyncadd.s32 $0xFFFFE000  }
0x8f: {  	[tilespmem:s14], [sflag:$0x2] =	stream.indirect.gather [hbm4b:s12+s11], $0x80, s3, s11, $0xb8;
	[tilespmem:$0x1E800] =	vst v63  }
0x90: {  	_ =	swait.ge [sflag:s25], $0x2000  }
0x91: {  	[sflag:s25] =	ssyncset.done $0x0  }
0x92: {  	s4 =	simm.s32 $0x1480;
	[sflag:s25] =	ssyncadd.s32 $0xFFFFE000  }
0x93: {  	[spmem:s15] =	stream.indirect.scatter.add.f32 [tilespmem:s18], [sflag:$0x7], $0x80, s4, s11, $0xb8;
	[tilespmem:$0x1E800] =	vst v63  }
0x94: {  	_ =	swait.ge [sflag:s26], $0x2000  }
0x95: {  	[sflag:s26] =	ssyncset.done $0x0  }
0x96: {  	s3 =	simm.s32 $0x180;
	[sflag:s26] =	ssyncadd.s32 $0xFFFFE000  }
0x97: {  	[tilespmem:s18], [sflag:$0x3] =	stream.indirect.gather [hbm4b:s12+s11], $0x80, s3, s11, $0xb8;
	[tilespmem:$0x1E800] =	vst v63  }
0x98: {  	_ =	swait.ge [sflag:s28], $0x2000  }
0x99: {  	[sflag:s28] =	ssyncset.done $0x0  }
0x9a: {  	s4 =	simm.s32 $0x14C0;
	[sflag:s28] =	ssyncadd.s32 $0xFFFFE000  }
0x9b: {  	[spmem:s15] =	stream.indirect.scatter.add.f32 [tilespmem:s20], [sflag:$0x8], $0x80, s4, s11, $0xb8;
	[tilespmem:$0x1E800] =	vst v63  }
0x9c: {  	_ =	swait.ge [sflag:s29], $0x2000  }
0x9d: {  	[sflag:s29] =	ssyncset.done $0x0  }
0x9e: {  	s2 =	simm.s32 $0x400;
	s3 =	simm.s32 $0x1C0;
	[sflag:s29] =	ssyncadd.s32 $0xFFFFE000  }
.LBB2_4:
0x9f: {  	[tilespmem:s20], [sflag:$0x4] =	stream.indirect.gather [hbm4b:s12+s11], $0x80, s3, s11, $0xb8;
	[tilespmem:$0x1E800] =	vst v63  }
0xa0: {  	s3 =	smov.u32 s2  }
0xa1: {  	p0 =	sne.s32 s2, $0x4800;
	s2 =	sadd.s32 $0x400, s2;
	_ =	swait.ge [sflag:s21], $0x2000  }
0xa2: {  	s3 =	sshra.s32 s3, $0x2;
	[sflag:s21] =	ssyncset.done $0x0  }
0xa3: {  	s4 =	sadd.s32 $0x1400, s3;
	[sflag:s21] =	ssyncadd.s32 $0xFFFFE000  }
0xa4: {  	[spmem:s15] =	stream.indirect.scatter.add.f32 [tilespmem:s8], [sflag:$0x5], $0x80, s4, s11, $0xb8;
	[tilespmem:$0x1E800] =	vst v63  }
0xa5: {  	_ =	swait.ge [sflag:s22], $0x2000  }
0xa6: {  	[sflag:s22] =	ssyncset.done $0x0  }
0xa7: {  	s4 =	sadd.s32 $0x100, s3;
	[sflag:s22] =	ssyncadd.s32 $0xFFFFE000  }
0xa8: {  	[tilespmem:s8], [sflag:$0x1] =	stream.indirect.gather [hbm4b:s12+s11], $0x80, s4, s11, $0xb8;
	[tilespmem:$0x1E800] =	vst v63  }
0xa9: {  	_ =	swait.ge [sflag:s23], $0x2000  }
0xaa: {  	[sflag:s23] =	ssyncset.done $0x0  }
0xab: {  	s4 =	sadd.s32 $0x1440, s3;
	[sflag:s23] =	ssyncadd.s32 $0xFFFFE000  }
0xac: {  	[spmem:s15] =	stream.indirect.scatter.add.f32 [tilespmem:s14], [sflag:$0x6], $0x80, s4, s11, $0xb8;
	[tilespmem:$0x1E800] =	vst v63  }
0xad: {  	_ =	swait.ge [sflag:s24], $0x2000  }
0xae: {  	[sflag:s24] =	ssyncset.done $0x0  }
0xaf: {  	s4 =	sadd.s32 $0x140, s3;
	[sflag:s24] =	ssyncadd.s32 $0xFFFFE000  }
0xb0: {  	[tilespmem:s14], [sflag:$0x2] =	stream.indirect.gather [hbm4b:s12+s11], $0x80, s4, s11, $0xb8;
	[tilespmem:$0x1E800] =	vst v63  }
0xb1: {  	_ =	swait.ge [sflag:s25], $0x2000  }
0xb2: {  	[sflag:s25] =	ssyncset.done $0x0  }
0xb3: {  	s4 =	sadd.s32 $0x1480, s3;
	[sflag:s25] =	ssyncadd.s32 $0xFFFFE000  }
0xb4: {  	[spmem:s15] =	stream.indirect.scatter.add.f32 [tilespmem:s18], [sflag:$0x7], $0x80, s4, s11, $0xb8;
	[tilespmem:$0x1E800] =	vst v63  }
0xb5: {  	_ =	swait.ge [sflag:s26], $0x2000  }
0xb6: {  	[sflag:s26] =	ssyncset.done $0x0  }
0xb7: {  	s4 =	sadd.s32 $0x180, s3;
	[sflag:s26] =	ssyncadd.s32 $0xFFFFE000  }
0xb8: {  	[tilespmem:s18], [sflag:$0x3] =	stream.indirect.gather [hbm4b:s12+s11], $0x80, s4, s11, $0xb8;
	[tilespmem:$0x1E800] =	vst v63  }
0xb9: {  	_ =	swait.ge [sflag:s28], $0x2000  }
0xba: {  	[sflag:s28] =	ssyncset.done $0x0  }
.Ltmp1:
0xbb: {  	s4 =	sadd.s32 $0x14C0, s3;
	[sflag:s28] =	ssyncadd.s32 $0xFFFFE000;
	(pc) =	sbr.rel @p0 .LBB2_4-.Ltmp1, $4  }
0xbc: {  	[spmem:s15] =	stream.indirect.scatter.add.f32 [tilespmem:s20], [sflag:$0x8], $0x80, s4, s11, $0xb8;
	[tilespmem:$0x1E800] =	vst v63  }
0xbd: {  	_ =	swait.ge [sflag:s29], $0x2000  }
0xbe: {  	[sflag:s29] =	ssyncset.done $0x0  }
0xbf: {  	s3 =	sadd.s32 $0x1C0, s3;
	[sflag:s29] =	ssyncadd.s32 $0xFFFFE000  }
0xc0: {  	[tilespmem:s20], [sflag:$0x4] =	stream.indirect.gather [hbm4b:s12+s11], $0x80, s3, s11, $0xb8;
	[tilespmem:$0x1E800] =	vst v63  }
0xc1: {  	_ =	swait.ge [sflag:s21], $0x2000  }
0xc2: {  	[sflag:s21] =	ssyncset.done $0x0  }
0xc3: {  	[sflag:s21] =	ssyncadd.s32 $0xFFFFE000  }
0xc4: {  	[spmem:s15] =	stream.indirect.scatter.add.f32 [tilespmem:s8], [sflag:$0x5], $0x80, s30, s11, $0xb8;
	[tilespmem:$0x1E800] =	vst v63  }
0xc5: {  	_ =	swait.ge [sflag:s22], $0x2000  }
0xc6: {  	[sflag:s22] =	ssyncset.done $0x0  }
0xc7: {  	[sflag:s22] =	ssyncadd.s32 $0xFFFFE000  }
0xc8: {  	_ =	swait.ge [sflag:s23], $0x2000  }
0xc9: {  	[sflag:s23] =	ssyncset.done $0x0  }
0xca: {  	[sflag:s23] =	ssyncadd.s32 $0xFFFFE000  }
0xcb: {  	[spmem:s15] =	stream.indirect.scatter.add.f32 [tilespmem:s14], [sflag:$0x6], $0x80, s31, s11, $0xb8;
	[tilespmem:$0x1E800] =	vst v63  }
0xcc: {  	_ =	swait.ge [sflag:s24], $0x2000  }
0xcd: {  	[sflag:s24] =	ssyncset.done $0x0  }
0xce: {  	[sflag:s24] =	ssyncadd.s32 $0xFFFFE000  }
0xcf: {  	_ =	swait.ge [sflag:s25], $0x2000  }
0xd0: {  	[sflag:s25] =	ssyncset.done $0x0  }
0xd1: {  	[sflag:s25] =	ssyncadd.s32 $0xFFFFE000  }
0xd2: {  	[spmem:s15] =	stream.indirect.scatter.add.f32 [tilespmem:s18], [sflag:$0x7], $0x80, s13, s11, $0xb8;
	[tilespmem:$0x1E800] =	vst v63  }
0xd3: {  	_ =	swait.ge [sflag:s26], $0x2000  }
0xd4: {  	[sflag:s26] =	ssyncset.done $0x0  }
0xd5: {  	[sflag:s26] =	ssyncadd.s32 $0xFFFFE000  }
0xd6: {  	_ =	swait.ge [sflag:s28], $0x2000  }
0xd7: {  	[sflag:s28] =	ssyncset.done $0x0  }
0xd8: {  	[sflag:s28] =	ssyncadd.s32 $0xFFFFE000  }
0xd9: {  	[spmem:s15] =	stream.indirect.scatter.add.f32 [tilespmem:s20], [sflag:$0x8], $0x80, s0, s11, $0xb8;
	[tilespmem:$0x1E800] =	vst v63  }
0xda: {  	_ =	swait.ge [sflag:s29], $0x2000  }
0xdb: {  	[sflag:s29] =	ssyncset.done $0x0  }
0xdc: {  	s2 =	simm.s32 $0x0;
	s4 =	rddreg [dreg:$0x10];
	[sflag:s29] =	ssyncadd.s32 $0xFFFFE000  }
0xdd: {  	[tilespmem:s2], [sflag:$0x9] =	stream.linear.gather [hbm4b:s4+s2], $0x1400, $0x38;
	[tilespmem:$0x1E800] =	vst v63  }
0xde: {  	_ =	swait.ge [sflag:s9], $0x1400  }
0xdf: {  	[sflag:s9] =	ssyncset.done $0x0  }
0xe0: {  	s4 =	simm.s32 $0x1400;
	s3 =	rddreg [dreg:$0x11];
	[sflag:s9] =	ssyncadd.s32 $0xFFFFEC00  }
0xe1: {  	[tilespmem:s4], [sflag:$0x9] =	stream.linear.gather [hbm4b:s3+s2], $0x1400, $0x38;
	[tilespmem:$0x1E800] =	vst v63  }
0xe2: {  	_ =	swait.ge [sflag:s9], $0x1400  }
0xe3: {  	[sflag:s9] =	ssyncset.done $0x0  }
0xe4: {  	[sflag:s9] =	ssyncadd.s32 $0xFFFFEC00  }
0xe5: {  	[tilespmem:s8], [sflag:$0x1] =	stream.indirect.gather [hbm4b:s12+s11], $0x80, s2, s11, $0xb8;
	[tilespmem:$0x1E800] =	vst v63  }
0xe6: {  	_ = 	snop  }
0xe7: {  	[tilespmem:s14], [sflag:$0x2] =	stream.indirect.gather [hbm4b:s12+s11], $0x80, s11, s11, $0xb8;
	[tilespmem:$0x1E800] =	vst v63  }
0xe8: {  	_ = 	snop  }
0xe9: {  	[tilespmem:s18], [sflag:$0x3] =	stream.indirect.gather [hbm4b:s12+s11], $0x80, s16, s11, $0xb8;
	[tilespmem:$0x1E800] =	vst v63  }
0xea: {  	_ = 	snop  }
0xeb: {  	[tilespmem:s20], [sflag:$0x4] =	stream.indirect.gather [hbm4b:s12+s11], $0x80, s19, s11, $0xb8;
	[tilespmem:$0x1E800] =	vst v63  }
0xec: {  	_ =	swait.ge [sflag:s21], $0x2000  }
0xed: {  	[sflag:s21] =	ssyncset.done $0x0  }
0xee: {  	s4 =	simm.s32 $0x1400;
	[sflag:s21] =	ssyncadd.s32 $0xFFFFE000  }
0xef: {  	[spmem:s15] =	stream.indirect.scatter.add.f32 [tilespmem:s8], [sflag:$0x5], $0x80, s4, s11, $0xb8;
	[tilespmem:$0x1E800] =	vst v63  }
0xf0: {  	_ =	swait.ge [sflag:s22], $0x2000  }
0xf1: {  	[sflag:s22] =	ssyncset.done $0x0  }
0xf2: {  	s3 =	simm.s32 $0x100;
	[sflag:s22] =	ssyncadd.s32 $0xFFFFE000  }
0xf3: {  	[tilespmem:s8], [sflag:$0x1] =	stream.indirect.gather [hbm4b:s12+s11], $0x80, s3, s11, $0xb8;
	[tilespmem:$0x1E800] =	vst v63  }
0xf4: {  	_ =	swait.ge [sflag:s23], $0x2000  }
0xf5: {  	[sflag:s23] =	ssyncset.done $0x0  }
0xf6: {  	s4 =	simm.s32 $0x1440;
	[sflag:s23] =	ssyncadd.s32 $0xFFFFE000  }
0xf7: {  	[spmem:s15] =	stream.indirect.scatter.add.f32 [tilespmem:s14], [sflag:$0x6], $0x80, s4, s11, $0xb8;
	[tilespmem:$0x1E800] =	vst v63  }
0xf8: {  	_ =	swait.ge [sflag:s24], $0x2000  }
0xf9: {  	[sflag:s24] =	ssyncset.done $0x0  }
0xfa: {  	s3 =	simm.s32 $0x140;
	[sflag:s24] =	ssyncadd.s32 $0xFFFFE000  }
0xfb: {  	[tilespmem:s14], [sflag:$0x2] =	stream.indirect.gather [hbm4b:s12+s11], $0x80, s3, s11, $0xb8;
	[tilespmem:$0x1E800] =	vst v63  }
0xfc: {  	_ =	swait.ge [sflag:s25], $0x2000  }
0xfd: {  	[sflag:s25] =	ssyncset.done $0x0  }
0xfe: {  	s4 =	simm.s32 $0x1480;
	[sflag:s25] =	ssyncadd.s32 $0xFFFFE000  }
0xff: {  	[spmem:s15] =	stream.indirect.scatter.add.f32 [tilespmem:s18], [sflag:$0x7], $0x80, s4, s11, $0xb8;
	[tilespmem:$0x1E800] =	vst v63  }
0x100: {  	_ =	swait.ge [sflag:s26], $0x2000  }
0x101: {  	[sflag:s26] =	ssyncset.done $0x0  }
0x102: {  	s3 =	simm.s32 $0x180;
	[sflag:s26] =	ssyncadd.s32 $0xFFFFE000  }
0x103: {  	[tilespmem:s18], [sflag:$0x3] =	stream.indirect.gather [hbm4b:s12+s11], $0x80, s3, s11, $0xb8;
	[tilespmem:$0x1E800] =	vst v63  }
0x104: {  	_ =	swait.ge [sflag:s28], $0x2000  }
0x105: {  	[sflag:s28] =	ssyncset.done $0x0  }
0x106: {  	s4 =	simm.s32 $0x14C0;
	[sflag:s28] =	ssyncadd.s32 $0xFFFFE000  }
0x107: {  	[spmem:s15] =	stream.indirect.scatter.add.f32 [tilespmem:s20], [sflag:$0x8], $0x80, s4, s11, $0xb8;
	[tilespmem:$0x1E800] =	vst v63  }
0x108: {  	_ =	swait.ge [sflag:s29], $0x2000  }
0x109: {  	[sflag:s29] =	ssyncset.done $0x0  }
0x10a: {  	s2 =	simm.s32 $0x400;
	s3 =	simm.s32 $0x1C0;
	[sflag:s29] =	ssyncadd.s32 $0xFFFFE000  }
.LBB2_6:
0x10b: {  	[tilespmem:s20], [sflag:$0x4] =	stream.indirect.gather [hbm4b:s12+s11], $0x80, s3, s11, $0xb8;
	[tilespmem:$0x1E800] =	vst v63  }
0x10c: {  	s3 =	smov.u32 s2  }
0x10d: {  	p0 =	sne.s32 s2, $0x4800;
	s2 =	sadd.s32 $0x400, s2;
	_ =	swait.ge [sflag:s21], $0x2000  }
0x10e: {  	s3 =	sshra.s32 s3, $0x2;
	[sflag:s21] =	ssyncset.done $0x0  }
0x10f: {  	s4 =	sadd.s32 $0x1400, s3;
	[sflag:s21] =	ssyncadd.s32 $0xFFFFE000  }
0x110: {  	[spmem:s15] =	stream.indirect.scatter.add.f32 [tilespmem:s8], [sflag:$0x5], $0x80, s4, s11, $0xb8;
	[tilespmem:$0x1E800] =	vst v63  }
0x111: {  	_ =	swait.ge [sflag:s22], $0x2000  }
0x112: {  	[sflag:s22] =	ssyncset.done $0x0  }
0x113: {  	s4 =	sadd.s32 $0x100, s3;
	[sflag:s22] =	ssyncadd.s32 $0xFFFFE000  }
0x114: {  	[tilespmem:s8], [sflag:$0x1] =	stream.indirect.gather [hbm4b:s12+s11], $0x80, s4, s11, $0xb8;
	[tilespmem:$0x1E800] =	vst v63  }
0x115: {  	_ =	swait.ge [sflag:s23], $0x2000  }
0x116: {  	[sflag:s23] =	ssyncset.done $0x0  }
0x117: {  	s4 =	sadd.s32 $0x1440, s3;
	[sflag:s23] =	ssyncadd.s32 $0xFFFFE000  }
0x118: {  	[spmem:s15] =	stream.indirect.scatter.add.f32 [tilespmem:s14], [sflag:$0x6], $0x80, s4, s11, $0xb8;
	[tilespmem:$0x1E800] =	vst v63  }
0x119: {  	_ =	swait.ge [sflag:s24], $0x2000  }
0x11a: {  	[sflag:s24] =	ssyncset.done $0x0  }
0x11b: {  	s4 =	sadd.s32 $0x140, s3;
	[sflag:s24] =	ssyncadd.s32 $0xFFFFE000  }
0x11c: {  	[tilespmem:s14], [sflag:$0x2] =	stream.indirect.gather [hbm4b:s12+s11], $0x80, s4, s11, $0xb8;
	[tilespmem:$0x1E800] =	vst v63  }
0x11d: {  	_ =	swait.ge [sflag:s25], $0x2000  }
0x11e: {  	[sflag:s25] =	ssyncset.done $0x0  }
0x11f: {  	s4 =	sadd.s32 $0x1480, s3;
	[sflag:s25] =	ssyncadd.s32 $0xFFFFE000  }
0x120: {  	[spmem:s15] =	stream.indirect.scatter.add.f32 [tilespmem:s18], [sflag:$0x7], $0x80, s4, s11, $0xb8;
	[tilespmem:$0x1E800] =	vst v63  }
0x121: {  	_ =	swait.ge [sflag:s26], $0x2000  }
0x122: {  	[sflag:s26] =	ssyncset.done $0x0  }
0x123: {  	s4 =	sadd.s32 $0x180, s3;
	[sflag:s26] =	ssyncadd.s32 $0xFFFFE000  }
0x124: {  	[tilespmem:s18], [sflag:$0x3] =	stream.indirect.gather [hbm4b:s12+s11], $0x80, s4, s11, $0xb8;
	[tilespmem:$0x1E800] =	vst v63  }
0x125: {  	_ =	swait.ge [sflag:s28], $0x2000  }
0x126: {  	[sflag:s28] =	ssyncset.done $0x0  }
.Ltmp2:
0x127: {  	s4 =	sadd.s32 $0x14C0, s3;
	[sflag:s28] =	ssyncadd.s32 $0xFFFFE000;
	(pc) =	sbr.rel @p0 .LBB2_6-.Ltmp2, $4  }
0x128: {  	[spmem:s15] =	stream.indirect.scatter.add.f32 [tilespmem:s20], [sflag:$0x8], $0x80, s4, s11, $0xb8;
	[tilespmem:$0x1E800] =	vst v63  }
0x129: {  	_ =	swait.ge [sflag:s29], $0x2000  }
0x12a: {  	[sflag:s29] =	ssyncset.done $0x0  }
0x12b: {  	s3 =	sadd.s32 $0x1C0, s3;
	[sflag:s29] =	ssyncadd.s32 $0xFFFFE000  }
0x12c: {  	[tilespmem:s20], [sflag:$0x4] =	stream.indirect.gather [hbm4b:s12+s11], $0x80, s3, s11, $0xb8;
	[tilespmem:$0x1E800] =	vst v63  }
0x12d: {  	_ =	swait.ge [sflag:s21], $0x2000  }
0x12e: {  	[sflag:s21] =	ssyncset.done $0x0  }
0x12f: {  	[sflag:s21] =	ssyncadd.s32 $0xFFFFE000  }
0x130: {  	[spmem:s15] =	stream.indirect.scatter.add.f32 [tilespmem:s8], [sflag:$0x5], $0x80, s30, s11, $0xb8;
	[tilespmem:$0x1E800] =	vst v63  }
0x131: {  	_ =	swait.ge [sflag:s22], $0x2000  }
0x132: {  	[sflag:s22] =	ssyncset.done $0x0  }
0x133: {  	[sflag:s22] =	ssyncadd.s32 $0xFFFFE000  }
0x134: {  	_ =	swait.ge [sflag:s23], $0x2000  }
0x135: {  	[sflag:s23] =	ssyncset.done $0x0  }
0x136: {  	[sflag:s23] =	ssyncadd.s32 $0xFFFFE000  }
0x137: {  	[spmem:s15] =	stream.indirect.scatter.add.f32 [tilespmem:s14], [sflag:$0x6], $0x80, s31, s11, $0xb8;
	[tilespmem:$0x1E800] =	vst v63  }
0x138: {  	_ =	swait.ge [sflag:s24], $0x2000  }
0x139: {  	[sflag:s24] =	ssyncset.done $0x0  }
0x13a: {  	[sflag:s24] =	ssyncadd.s32 $0xFFFFE000  }
0x13b: {  	_ =	swait.ge [sflag:s25], $0x2000  }
0x13c: {  	[sflag:s25] =	ssyncset.done $0x0  }
0x13d: {  	[sflag:s25] =	ssyncadd.s32 $0xFFFFE000  }
0x13e: {  	[spmem:s15] =	stream.indirect.scatter.add.f32 [tilespmem:s18], [sflag:$0x7], $0x80, s13, s11, $0xb8;
	[tilespmem:$0x1E800] =	vst v63  }
0x13f: {  	_ =	swait.ge [sflag:s26], $0x2000  }
0x140: {  	[sflag:s26] =	ssyncset.done $0x0  }
0x141: {  	[sflag:s26] =	ssyncadd.s32 $0xFFFFE000  }
0x142: {  	_ =	swait.ge [sflag:s28], $0x2000  }
0x143: {  	[sflag:s28] =	ssyncset.done $0x0  }
0x144: {  	[sflag:s28] =	ssyncadd.s32 $0xFFFFE000  }
0x145: {  	[spmem:s15] =	stream.indirect.scatter.add.f32 [tilespmem:s20], [sflag:$0x8], $0x80, s0, s11, $0xb8;
	[tilespmem:$0x1E800] =	vst v63  }
0x146: {  	_ =	swait.ge [sflag:s29], $0x2000  }
0x147: {  	[sflag:s29] =	ssyncset.done $0x0  }
0x148: {  	[sflag:s29] =	ssyncadd.s32 $0xFFFFE000  }
0x149: {  	[bflag:$0x0] =	sbarrier.arrive $0xFFFF  }
0x14a: {  	[tilespmem:s8], [sflag:$0x9] =	stream.linear.gather [spmem:s17], $0x2000, $0x38;
	[tilespmem:$0x1E800] =	vst v63  }
0x14b: {  	_ =	swait.ge [sflag:s9], $0x2000  }
0x14c: {  	[sflag:s9] =	ssyncset.done $0x0  }
0x14d: {  	s2 =	rddreg [dreg:$0x6];
	[sflag:s9] =	ssyncadd.s32 $0xFFFFE000  }
0x14e: {  	[hbm4b:s2+s1] =	stream.linear.scatter [tilespmem:s8], [sflag:$0x9], $0x2000, $0x38;
	[tilespmem:$0x1E800] =	vst v63  }
0x14f: {  	_ =	swait.ge [sflag:s9], $0x2000  }
0x150: {  	[sflag:s9] =	ssyncset.done $0x0  }
0x151: {  	s4 =	rddreg [dreg:$0x13];
	[sflag:s9] =	ssyncadd.s32 $0xFFFFE000  }
0x152: {  	[tilespmem:s8], [sflag:$0x9] =	stream.linear.gather [spmem:s4], $0x2000, $0x38;
	[tilespmem:$0x1E800] =	vst v63  }
0x153: {  	_ =	swait.ge [sflag:s9], $0x2000  }
0x154: {  	[sflag:s9] =	ssyncset.done $0x0  }
0x155: {  	s3 =	rddreg [dreg:$0x7];
	[sflag:s9] =	ssyncadd.s32 $0xFFFFE000  }
0x156: {  	[hbm4b:s3+s1] =	stream.linear.scatter [tilespmem:s8], [sflag:$0x9], $0x2000, $0x38;
	[tilespmem:$0x1E800] =	vst v63  }
0x157: {  	_ =	swait.ge [sflag:s9], $0x2000  }
0x158: {  	[sflag:s9] =	ssyncset.done $0x0  }
0x159: {  	s4 =	rddreg [dreg:$0x14];
	[sflag:s9] =	ssyncadd.s32 $0xFFFFE000  }
0x15a: {  	[tilespmem:s8], [sflag:$0x9] =	stream.linear.gather [spmem:s4], $0x2000, $0x38;
	[tilespmem:$0x1E800] =	vst v63  }
0x15b: {  	_ =	swait.ge [sflag:s9], $0x2000  }
0x15c: {  	[sflag:s9] =	ssyncset.done $0x0  }
0x15d: {  	s3 =	rddreg [dreg:$0x8];
	[sflag:s9] =	ssyncadd.s32 $0xFFFFE000  }
0x15e: {  	[hbm4b:s3+s1] =	stream.linear.scatter [tilespmem:s8], [sflag:$0x9], $0x2000, $0x38;
	[tilespmem:$0x1E800] =	vst v63  }
0x15f: {  	_ =	swait.ge [sflag:s9], $0x2000  }
0x160: {  	[sflag:s9] =	ssyncset.done $0x0  }
0x161: {  	s4 =	rddreg [dreg:$0x15];
	[sflag:s9] =	ssyncadd.s32 $0xFFFFE000  }
0x162: {  	[tilespmem:s8], [sflag:$0x9] =	stream.linear.gather [spmem:s4], $0x2000, $0x38;
	[tilespmem:$0x1E800] =	vst v63  }
0x163: {  	_ =	swait.ge [sflag:s9], $0x2000  }
0x164: {  	[sflag:s9] =	ssyncset.done $0x0  }
0x165: {  	s3 =	rddreg [dreg:$0x9];
	[sflag:s9] =	ssyncadd.s32 $0xFFFFE000  }
0x166: {  	[hbm4b:s3+s1] =	stream.linear.scatter [tilespmem:s8], [sflag:$0x9], $0x2000, $0x38;
	[tilespmem:$0x1E800] =	vst v63  }
0x167: {  	_ =	swait.ge [sflag:s9], $0x2000  }
0x168: {  	[sflag:s9] =	ssyncset.done $0x0  }
0x169: {  	s4 =	rddreg [dreg:$0x16];
	[sflag:s9] =	ssyncadd.s32 $0xFFFFE000  }
0x16a: {  	[tilespmem:s8], [sflag:$0x9] =	stream.linear.gather [spmem:s4], $0x2000, $0x38;
	[tilespmem:$0x1E800] =	vst v63  }
0x16b: {  	_ =	swait.ge [sflag:s9], $0x2000  }
0x16c: {  	[sflag:s9] =	ssyncset.done $0x0  }
0x16d: {  	s3 =	rddreg [dreg:$0xa];
	[sflag:s9] =	ssyncadd.s32 $0xFFFFE000  }
0x16e: {  	[hbm4b:s3+s1] =	stream.linear.scatter [tilespmem:s8], [sflag:$0x9], $0x2000, $0x38;
	[tilespmem:$0x1E800] =	vst v63  }
0x16f: {  	_ =	swait.ge [sflag:s9], $0x2000  }
0x170: {  	[sflag:s9] =	ssyncset.done $0x0  }
0x171: {  	s4 =	rddreg [dreg:$0x17];
	[sflag:s9] =	ssyncadd.s32 $0xFFFFE000  }
0x172: {  	[tilespmem:s8], [sflag:$0x9] =	stream.linear.gather [spmem:s4], $0x2000, $0x38;
	[tilespmem:$0x1E800] =	vst v63  }
0x173: {  	_ =	swait.ge [sflag:s9], $0x2000  }
0x174: {  	[sflag:s9] =	ssyncset.done $0x0  }
0x175: {  	s3 =	rddreg [dreg:$0xb];
	[sflag:s9] =	ssyncadd.s32 $0xFFFFE000  }
0x176: {  	[hbm4b:s3+s1] =	stream.linear.scatter [tilespmem:s8], [sflag:$0x9], $0x2000, $0x38;
	[tilespmem:$0x1E800] =	vst v63  }
0x177: {  	_ =	swait.ge [sflag:s9], $0x2000  }
0x178: {  	[sflag:s9] =	ssyncset.done $0x0  }
0x179: {  	s4 =	rddreg [dreg:$0x18];
	[sflag:s9] =	ssyncadd.s32 $0xFFFFE000  }
0x17a: {  	[tilespmem:s8], [sflag:$0x9] =	stream.linear.gather [spmem:s4], $0x2000, $0x38;
	[tilespmem:$0x1E800] =	vst v63  }
0x17b: {  	_ =	swait.ge [sflag:s9], $0x2000  }
0x17c: {  	[sflag:s9] =	ssyncset.done $0x0  }
0x17d: {  	s3 =	rddreg [dreg:$0xc];
	[sflag:s9] =	ssyncadd.s32 $0xFFFFE000  }
0x17e: {  	[hbm4b:s3+s1] =	stream.linear.scatter [tilespmem:s8], [sflag:$0x9], $0x2000, $0x38;
	[tilespmem:$0x1E800] =	vst v63  }
0x17f: {  	_ =	swait.ge [sflag:s9], $0x2000  }
0x180: {  	[sflag:s9] =	ssyncset.done $0x0  }
0x181: {  	s4 =	rddreg [dreg:$0x19];
	[sflag:s9] =	ssyncadd.s32 $0xFFFFE000  }
0x182: {  	[tilespmem:s8], [sflag:$0x9] =	stream.linear.gather [spmem:s4], $0x2000, $0x38;
	[tilespmem:$0x1E800] =	vst v63  }
0x183: {  	_ =	swait.ge [sflag:s9], $0x2000  }
0x184: {  	[sflag:s9] =	ssyncset.done $0x0  }
0x185: {  	s3 =	rddreg [dreg:$0xd];
	[sflag:s9] =	ssyncadd.s32 $0xFFFFE000  }
0x186: {  	[hbm4b:s3+s1] =	stream.linear.scatter [tilespmem:s8], [sflag:$0x9], $0x2000, $0x38;
	[tilespmem:$0x1E800] =	vst v63  }
0x187: {  	_ =	swait.ge [sflag:s9], $0x2000  }
0x188: {  	[sflag:s9] =	ssyncset.done $0x0  }
0x189: {  	s4 =	rddreg [dreg:$0x1a];
	[sflag:s9] =	ssyncadd.s32 $0xFFFFE000  }
0x18a: {  	[tilespmem:s8], [sflag:$0x9] =	stream.linear.gather [spmem:s4], $0x2000, $0x38;
	[tilespmem:$0x1E800] =	vst v63  }
0x18b: {  	_ =	swait.ge [sflag:s9], $0x2000  }
0x18c: {  	[sflag:s9] =	ssyncset.done $0x0  }
0x18d: {  	s3 =	rddreg [dreg:$0xe];
	[sflag:s9] =	ssyncadd.s32 $0xFFFFE000  }
0x18e: {  	[hbm4b:s3+s1] =	stream.linear.scatter [tilespmem:s8], [sflag:$0x9], $0x2000, $0x38;
	[tilespmem:$0x1E800] =	vst v63  }
0x18f: {  	_ =	swait.ge [sflag:s9], $0x2000  }
0x190: {  	[sflag:s9] =	ssyncset.done $0x0  }
0x191: {  	s4 =	rddreg [dreg:$0x1b];
	[sflag:s9] =	ssyncadd.s32 $0xFFFFE000  }
0x192: {  	[tilespmem:s8], [sflag:$0x9] =	stream.linear.gather [spmem:s4], $0x2000, $0x38;
	[tilespmem:$0x1E800] =	vst v63  }
0x193: {  	_ =	swait.ge [sflag:s9], $0x2000  }
0x194: {  	[sflag:s9] =	ssyncset.done $0x0  }
0x195: {  	s3 =	rddreg [dreg:$0xf];
	[sflag:s9] =	ssyncadd.s32 $0xFFFFE000  }
0x196: {  	[hbm4b:s3+s1] =	stream.linear.scatter [tilespmem:s8], [sflag:$0x9], $0x2000, $0x38;
	[tilespmem:$0x1E800] =	vst v63  }
0x197: {  	_ =	swait.ge [sflag:s9], $0x2000  }
0x198: {  	s10 =	sadd.s32 $0x1, s10;
	s4 =	rddreg [dreg:$0x12]  }
0x199: {  	p0 =	sne.s32 s10, s4  }
.Ltmp3:
0x19a: {  	_ = 	snop;
	(pc) =	sbr.rel @p0 .LBB2_1-.Ltmp3, $3  }
0x19b: {  	_ =	sdelay $0x1  }
0x19c: {  	[sflag:s9] =	ssyncset.done $0x0  }
0x19d: {  	[sflag:s9] =	ssyncadd.s32 $0xFFFFE000  }
0x19e: {  	_ =	sfence.sel $0x180000  }
0x19f: {  	[bflag:$0x0] =	sbarrier.arrive $0xFFFF  }
0x1a0: {  	_ =	strace $0x9000004A  }
0x1a1: {  	s0 =	stileid.u32;
	[bflag:$0x2] =	sbarrier.arrive $0xFFFF  }
0x1a2: {  	p0 =	sne.s32 s0, $0x0;
	s0 =	rddreg [dreg:$0x3]  }
0x1a3: {  	s0 =	sadd.s32 @!p0 $0x100000, s0  }
0x1a4: {  	[sflag:s0] =	ssyncadd.tile.s32 @!p0 $0x1;
	_ =	shalt  }
.Lfunc_end2:
_tile_overlayer_lowered:
.L_overlay_start_2:
0x1a5: {  	(tag) =	ssettag $0x2  }
0x1a6: {  	s0 =	rddreg [dreg:$0x0];
	s2 =	stileid.u32  }
0x1a7: {  	s1 =	rddreg [dreg:$0x1];
	p0 =	sne.s32 s2, $0x0  }
0x1a8: {  	s3 =	rddreg [dreg:$0x2];
	[bflag:$0x3] =	sbarrier.arrive $0xFFFF;
	s2 =	simm.s32 @!p0 $0x1C09  }
0x1a9: {  	[timem:s3], [sflag:s2] =	dma.local @!p0 [hbm:s0], s1  }
0x1aa: {  	s0 =	simm.s32 @!p0 $0x9  }
0x1ab: {  	_ =	swait.ge @!p0 [sflag:s0], s1  }
0x1ac: {  	s1 =	ssub.s32 @!p0 $0x0, s1;
	[sflag:s0] =	ssyncset.done @!p0 $0x0  }
0x1ad: {  	[sflag:s0] =	ssyncadd.s32 @!p0 s1  }
0x1ae: {  	[bflag:$0x3] =	sbarrier.arrive $0xFFFF  }
0x1af: {  	_ =	shalt  }

// kernel: kernel.14.cloned.1.call-start
scs
__scs_entry_jumppad:
0x0: {  	(pc) =	sbr.rel $0x88, $3  }
0x1: {  	(tag) =	ssettag $0x0;
	lr =	simm.s32 $0x1  }
0x2: {  	[smem:$0x3F9B] =	sst lr;
	_ =	strace $0xD0000000  }
0x3: {  	_ = 	snop  }
0x4: {  	_ = 	snop  }
0x5: {  	_ = 	snop  }
0x6: {  	_ = 	snop  }
0x7: {  	_ = 	snop  }
__scs_overlays_trampoline_lowered:
0x8: {  	[smem:$0x3FAA] =	sst s0  }
0x9: {  	[smem:$0x3FAB] =	sst s1  }
0xa: {  	[smem:$0x3FAC] =	sst s2  }
0xb: {  	[smem:$0x3FAD] =	sst s3  }
0xc: {  	[smem:$0x3FAE] =	sst s4  }
0xd: {  	[smem:$0x3FAF] =	sst s5  }
0xe: {  	[smem:$0x3FB0] =	sst s6  }
0xf: {  	[smem:$0x3FB1] =	sst s7  }
0x10: {  	[smem:$0x3FB2] =	sst s8  }
0x11: {  	[smem:$0x3FB3] =	sst s9;
	s0 =	simm.s32 @!p0 $0x0  }
0x12: {  	s1 =	sld [smem:$0x3F99];
	s0 =	simm.s32 @p0 $0x1  }
0x13: {  	[smem:$0x3FB4] =	sst s0;
	s0 =	simm.s32 @!p1 $0x0  }
0x14: {  	s2 =	sld [smem:$0x3F98];
	s0 =	simm.s32 @p1 $0x1  }
0x15: {  	[smem:$0x3FB5] =	sst s0;
	s0 =	simm.s32 @!p2 $0x0  }
0x16: {  	s3 =	sld [smem:$0x3FDB];
	s0 =	simm.s32 @p2 $0x1  }
0x17: {  	s4 =	simm.s32 $0x1BF5;
	[smem:$0x3FB7] =	sst s0  }
0x18: {  	s0 =	sld [smem:$0x3F9A];
	_ =	swait.ge [sflag:s4], $0x0  }
0x19: {  	s7 =	sld [smem:$0x3F9B]  }
0x1a: {  	s8 =	sadd.s32 $0xFFFFE003, lr  }
0x1b: {  	s9 =	sadd.s32 $0xFFFFFEF7, lr;
	s5 =	simm.s32 $0xFFFFFFFF;
	p2 =	slt.u32 s8, $0xFFFFF086  }
0x1c: {  	p1 =	slt.u32 s9, $0xF7A;
	s5 =	simm.s32 @!p2 $0x0  }
0x1d: {  	s5 =	simm.s32 @p1 $0x1;
	p0 =	seq.s32 s7, s2  }
0x1e: {  	s7 =	smul.u32 @!p0 $0xF7A, s2;
	p2 =	seq.s32 @!p0 s5, $0x0  }
0x1f: {  	s9 =	smul.u32 $0xF7A, s1;
	s8 =	simm.s32 @!p0 $0x1BF5;
	p2 =	por !p2, p0  }
0x20: {  	[sflag:s8] =	ssyncset.s32 @!p0 $0xFFFFF086;
	s6 =	sadd.s32 @!p0 s3, s7;
	s7 =	simm.s32 @!p0 $0x108  }
0x21: {  	s3 =	sadd.s32 s3, s9;
	s6 =	sadd.s32 @!p0 $0x88, s6;
	s7 =	simm.s32 @p2 $0x1082  }
0x22: {  	[simem:s7], [sflag:s8] =	dma.local @!p0 [hbm:s6], $0xF7A  }
0x23: {  	s9 =	sor.u32 $0xD0000000, s2;
	s6 =	simm.s32 $0x108;
	_ =	swait.ge @!p0 [sflag:s8], $0x0  }
0x24: {  	s3 =	sadd.s32 $0x88, s3;
	s6 =	simm.s32 @!p1 $0x1082;
	[sflag:s4] =	ssyncset.s32 $0xFFFFF086  }
0x25: {  	[simem:s6], [sflag:s4] =	dma.local [hbm:s3], $0xF7A  }
0x26: {  	[smem:$0x3F9B] =	sst s1;
	(tag) =	ssettag s2;
	_ =	strace s9  }
0x27: {  	s1 =	sld [smem:$0x3FAB]  }
0x28: {  	s2 =	sld [smem:$0x3FAC]  }
0x29: {  	s4 =	sld [smem:$0x3FAE]  }
0x2a: {  	p0 =	seq.s32 s5, $0x0;
	s5 =	sld [smem:$0x3FAF]  }
0x2b: {  	s6 =	sld [smem:$0x3FB0]  }
0x2c: {  	s7 =	sld [smem:$0x3FB1]  }
0x2d: {  	s3 =	simm.s32 $0x108;
	s8 =	sld [smem:$0x3FB2]  }
0x2e: {  	s3 =	simm.s32 @!p0 $0x1082;
	s9 =	sld [smem:$0x3FB3]  }
0x2f: {  	lr =	sadd.s32 s0, s3;
	s0 =	sld [smem:$0x3FAA]  }
0x30: {  	s3 =	sld [smem:$0x3FAD]  }
0x31: {  	[smem:$0x3FB6] =	sst s10  }
0x32: {  	s10 =	sld [smem:$0x3FB4];
	_ =	sdelay $0x3  }
0x33: {  	p0 =	seq.s32 s10, $0x1;
	s10 =	sld [smem:$0x3FB6];
	_ =	sdelay $0x3  }
0x34: {  	[smem:$0x3FB6] =	sst s10  }
0x35: {  	s10 =	sld [smem:$0x3FB5];
	_ =	sdelay $0x3  }
0x36: {  	p1 =	seq.s32 s10, $0x1;
	s10 =	sld [smem:$0x3FB6];
	_ =	sdelay $0x3  }
0x37: {  	[smem:$0x3FB6] =	sst s10  }
0x38: {  	s10 =	sld [smem:$0x3FB7]  }
0x39: {  	_ = 	snop;
	(pc) =	sbr.ind lr, $3  }
0x3a: {  	_ = 	snop  }
0x3b: {  	_ = 	snop  }
0x3c: {  	p2 =	seq.s32 s10, $0x1;
	s10 =	sld [smem:$0x3FB6]  }
0x3d: {  	_ =	shalt  }
0x3e: {  	_ =	shalt  }
0x3f: {  	_ =	shalt  }
0x40: {  	_ =	shalt  }
0x41: {  	_ =	shalt  }
0x42: {  	_ =	shalt  }
0x43: {  	_ =	shalt  }
0x44: {  	_ =	shalt  }
0x45: {  	_ =	shalt  }
0x46: {  	_ =	shalt  }
0x47: {  	_ =	shalt  }
0x48: {  	_ =	shalt  }
0x49: {  	_ =	shalt  }
0x4a: {  	_ =	shalt  }
0x4b: {  	_ =	shalt  }
0x4c: {  	_ =	shalt  }
0x4d: {  	_ =	shalt  }
0x4e: {  	_ =	shalt  }
0x4f: {  	_ =	shalt  }
0x50: {  	_ =	shalt  }
0x51: {  	_ =	shalt  }
0x52: {  	_ =	shalt  }
0x53: {  	_ =	shalt  }
0x54: {  	_ =	shalt  }
0x55: {  	_ =	shalt  }
0x56: {  	_ =	shalt  }
0x57: {  	_ =	shalt  }
0x58: {  	_ =	shalt  }
0x59: {  	_ =	shalt  }
0x5a: {  	_ =	shalt  }
0x5b: {  	_ =	shalt  }
0x5c: {  	_ =	shalt  }
0x5d: {  	_ =	shalt  }
0x5e: {  	_ =	shalt  }
0x5f: {  	_ =	shalt  }
0x60: {  	_ =	shalt  }
0x61: {  	_ =	shalt  }
0x62: {  	_ =	shalt  }
0x63: {  	_ =	shalt  }
0x64: {  	_ =	shalt  }
0x65: {  	_ =	shalt  }
0x66: {  	_ =	shalt  }
0x67: {  	_ =	shalt  }
0x68: {  	_ =	shalt  }
0x69: {  	_ =	shalt  }
0x6a: {  	_ =	shalt  }
0x6b: {  	_ =	shalt  }
0x6c: {  	_ =	shalt  }
0x6d: {  	_ =	shalt  }
0x6e: {  	_ =	shalt  }
0x6f: {  	_ =	shalt  }
0x70: {  	_ =	shalt  }
0x71: {  	_ =	shalt  }
0x72: {  	_ =	shalt  }
0x73: {  	_ =	shalt  }
0x74: {  	_ =	shalt  }
0x75: {  	_ =	shalt  }
0x76: {  	_ =	shalt  }
0x77: {  	_ =	shalt  }
0x78: {  	_ =	shalt  }
0x79: {  	_ =	shalt  }
0x7a: {  	_ =	shalt  }
0x7b: {  	_ =	shalt  }
0x7c: {  	_ =	shalt  }
0x7d: {  	_ =	shalt  }
0x7e: {  	_ =	shalt  }
0x7f: {  	_ =	shalt  }
0x80: {  	_ =	shalt  }
0x81: {  	_ =	shalt  }
0x82: {  	_ =	shalt  }
0x83: {  	_ =	shalt  }
0x84: {  	_ =	shalt  }
0x85: {  	_ =	shalt  }
0x86: {  	_ =	shalt  }
0x87: {  	_ =	shalt  }
.Lfunc_end0:
.L_simem_size_0:
called_computation.2_lowered:
.L_overlay_start_0:
0x88: {  	s2 =	sld [smem:$0x3FD9]  }
0x89: {  	s3 =	sld [smem:$0x3FFE];
	_ =	sdelay $0x1  }
0x8a: {  	s1 =	srdreg.scid  }
0x8b: {  	s0 =	sand.u32 $0x1, s1  }
0x8c: {  	s17 =	sshll.u32 s0, $0xA;
	s2 =	sadd.s32 s3, s2  }
0x8d: {  	s2 =	sadd.s32 s2, s17  }
0x8e: {  	[smem:$0x3FC2] =	sst s2  }
0x8f: {  	_ = 	snop  }
0x90: {  	s2 =	sld [smem:$0x3FD0];
	(tm) =	ssettm $0x1  }
0x91: {  	s18 =	sld [smem:$0x3FFB];
	_ =	sdelay $0x3  }
0x92: {  	_ =	strace s18  }
0x93: {  	s3 =	sld [smem:$0x3FFC];
	_ =	sdelay $0x3  }
0x94: {  	_ =	strace s3  }
0x95: {  	s3 =	sld [smem:$0x3FFD];
	_ =	sdelay $0x3  }
0x96: {  	_ =	strace s3  }
0x97: {  	_ =	strace $0x8FFFFFFF  }
0x98: {  	s19 =	sld [smem:$0x3FDB];
	_ =	sdelay $0x1  }
0x99: {  	s4 =	simm.s32 $_scs_section_size  }
0x9a: {  	s5 =	simm.s32 $_size__tile_overlayer_lowered;
	s6 =	simm.s32 $_tile_overlayer_lowered  }
0x9b: {  	s22 =	simm.s32 $0x1BFF;
	s21 =	sshll.u32 s6, $0x1;
	s3 =	sadd.s32 s4, s19  }
0x9c: {  	s7 =	simm.s32 $0x0;
	s20 =	sshll.u32 s5, $0x1;
	s5 =	sadd.s32 s21, s3  }
0x9d: {  	[timem:s7], [sflag:s22] =	dma.local [hbm:s5], s20  }
0x9e: {  	_ =	swait.ge [sflag:s22], s20  }
0x9f: {  	s4 =	ssub.s32 $0x0, s20;
	[sflag:s22] =	ssyncset.done $0x0  }
0xa0: {  	[sflag:s22] =	ssyncadd.s32 s4;
	_ =	sdelay $0x1  }
0xa1: {  	s23 =	simm.s32 $0x1B8B  }
0xa2: {  	_ =	swait.ge [sflag:s23], $0x1  }
0xa3: {  	[sflag:s23] =	ssyncset.done $0x0  }
0xa4: {  	s25 =	simm.s32 $0x1B8E;
	s24 =	sld [smem:$0x3FFE];
	[sflag:s23] =	ssyncadd.s32 $0xFFFFFFFF  }
0xa5: {  	s26 =	simm.s32 $execute0_lowered;
	[smem:$0x3FD2] =	sst s25  }
0xa6: {  	s5 =	sshll.u32 s26, $0x1;
	_ =	strace $0x8000004C;
	[dreg:$0x1] =	wrdreg $0xFFFFFFFF  }
0xa7: {  	s28 =	simm.s32 $_size_execute0_lowered;
	s3 =	sadd.s32 s3, s5;
	[dreg:$0x0] =	wrdreg $0x0  }
0xa8: {  	s5 =	sshll.u32 s28, $0x1;
	[dreg:$0x2] =	wrdreg s3  }
0xa9: {  	[dreg:$0x3] =	wrdreg s5  }
0xaa: {  	[dreg:$0x4] =	wrdreg $0xC0  }
0xab: {  	_ =	task [dreg:s7], $0x5FFFF  }
0xac: {  	[dreg:$0x1] =	wrdreg $0xFFFFFFFF  }
0xad: {  	[dreg:$0x0] =	wrdreg $0x60  }
0xae: {  	[dreg:$0x2] =	wrdreg s2  }
0xaf: {  	[dreg:$0x3] =	wrdreg s24  }
0xb0: {  	[dreg:$0x4] =	wrdreg $0xA8000  }
0xb1: {  	[dreg:$0x5] =	wrdreg $0x9  }
0xb2: {  	_ =	task.clear_ibuf [dreg:s7], $0x6FFFF;
	_ =	strace $0x9000004C  }
0xb3: {  	s29 =	simm.s32 $0x9;
	_ =	strace $0x8000004E  }
0xb4: {  	_ =	swait.ge [sflag:s29], $0x1  }
0xb5: {  	[sflag:s29] =	ssyncadd.s32 $0xFFFFFFFF  }
0xb6: {  	_ =	strace $0x9000004E  }
0xb7: {  	_ =	sfence  }
0xb8: {  	s30 =	sld [smem:$0x0];
	_ =	sdelay $0x2  }
0xb9: {  	s31 =	sshll.u32 s1, $0xD;
	s1 =	sshrl.u32 s1, $0x2  }
0xba: {  	s3 =	sand.u32 $0x4000, s31;
	s1 =	sadd.s32 s1, s30  }
0xbb: {  	s0 =	sor.u32 s3, s0;
	s1 =	sshll.u32 s1, $0x11  }
0xbc: {  	s0 =	sor.u32 s1, s0  }
0xbd: {  	s0 =	sadd.s32 $0x8F2B, s0  }
0xbe: {  	[sflag:s0] =	ssyncadd.remote.s32 $0x1  }
0xbf: {  	_ =	sfence.sel $0xFFFF  }
0xc0: {  	[dreg:$0x0] =	wrdreg $0xFFFFFFFF;
	(pc) =	sbr.abs _section_cstart, $3  }
0xc1: {  	[dreg:$0x1] =	wrdreg $0xFFFFFFFF  }
0xc2: {  	_ =	task.clear_ibuf [dreg:s7], $0x2FFFF;
	_ =	strace $0x9FFFFFFF  }
0xc3: {  	(tm) =	ssettm $0x7FFFFFFF  }
tec
execute0_lowered:
.L_overlay_start_1:
0x0: {  	(tag) =	ssettag $0x1  }
0x1: {  	s0 =	srdreg.scid;
	s15 =	stileid.u32  }
0x2: {  	s3 =	rddreg [dreg:$0x1];
	s28 =	simm.s32 $0x4;
	s29 =	simm.s32 $0x8  }
0x3: {  	s30 =	simm.s32 $0x2700;
	s31 =	simm.s32 $0x2740;
	s5 =	smul.u32 $0x500, s15  }
0x4: {  	s0 =	sand.u32 $0x1, s0;
	s6 =	sadd.s32 $0x7000, s3;
	s10 =	smul.u32 $0x2800, s15  }
0x5: {  	s8 =	sadd.s32 $0x2000, s3;
	s3 =	sadd.s32 $0x11000, s3;
	s26 =	smul.u32 $0x280, s15  }
0x6: {  	s1 =	sshll.u32 s0, $0x4;
	s7 =	ssub.s32 $0x2, s0;
	s0 =	smul.u32 $0x2800, s0  }
0x7: {  	s2 =	sor.u32 s15, s1;
	s1 =	simm.s32 $0x0;
	s9 =	sshrl.u32 s7, $0x1  }
0x8: {  	s5 =	sadd.s32 s8, s5;
	s10 =	sshrl.u32 s10, $0x3;
	s4 =	smul.u32 $0x500, s2  }
0x9: {  	[smem:$0x7FF] =	sst s1;
	s2 =	smul.u32 $0x2800, s2;
	s7 =	ssub.s32 s7, s9  }
0xa: {  	[dreg:$0x5] =	wrdreg s5;
	s11 =	sadd.s32 s0, s26;
	s9 =	sadd.s32 $0x240, s26  }
0xb: {  	s5 =	sshll.u32 s11, $0x4;
	s11 =	sadd.s32 $0x100, s26;
	s4 =	sadd.s32 s6, s4  }
0xc: {  	s2 =	sshrl.u32 s2, $0x3;
	s5 =	sadd.s32 s3, s5;
	[dreg:$0x4] =	wrdreg s4  }
0xd: {  	s2 =	sadd.s32 s6, s2;
	s4 =	sadd.s32 s8, s10;
	s6 =	sor.u32 $0x40, s26  }
0xe: {  	s10 =	sadd.s32 $0x80, s26;
	[dreg:$0x6] =	wrdreg s5;
	s8 =	sadd.s32 $0xC0, s26  }
0xf: {  	s12 =	sadd.s32 s0, s6;
	s14 =	sadd.s32 s0, s10;
	s17 =	sadd.s32 s0, s8  }
0x10: {  	s2 =	sadd.s32 $0x280, s2;
	s13 =	sshll.u32 s12, $0x4;
	s16 =	sshll.u32 s14, $0x4  }
0x11: {  	s12 =	sadd.s32 s0, s11;
	s14 =	sadd.s32 $0x180, s26;
	s5 =	sadd.s32 s3, s13  }
0x12: {  	s13 =	sadd.s32 $0x140, s26;
	s18 =	sshll.u32 s12, $0x4;
	s12 =	rddreg [dreg:$0x0]  }
0x13: {  	s21 =	sadd.s32 s0, s14;
	[dreg:$0x7] =	wrdreg s5;
	s5 =	sadd.s32 s3, s16  }
0x14: {  	s19 =	sadd.s32 s0, s13;
	s16 =	sadd.s32 $0x1C0, s26;
	[dreg:$0x8] =	wrdreg s5  }
0x15: {  	s5 =	sshll.u32 s17, $0x4;
	s20 =	sshll.u32 s19, $0x4;
	s22 =	sadd.s32 s0, s16  }
0x16: {  	s17 =	smul.u32 $0x50000, s15;
	s15 =	rddreg [dreg:$0x2];
	s16 =	sshll.u32 s16, $0x7  }
0x17: {  	s19 =	sshll.u32 s9, $0x7;
	s5 =	sadd.s32 s3, s5;
	s23 =	sshll.u32 s22, $0x4  }
0x18: {  	[dreg:$0x9] =	wrdreg s5;
	s5 =	sadd.s32 s3, s18;
	s18 =	sadd.s32 $0x200, s26  }
0x19: {  	[dreg:$0xa] =	wrdreg s5;
	s5 =	sadd.s32 s3, s20;
	s24 =	sadd.s32 s0, s18  }
0x1a: {  	s0 =	sadd.s32 s0, s9;
	[dreg:$0xb] =	wrdreg s5;
	s5 =	sshll.u32 s21, $0x4  }
0x1b: {  	s26 =	sshrl.u32 s17, $0x2;
	s0 =	sshll.u32 s0, $0x4;
	s5 =	sadd.s32 s3, s5  }
0x1c: {  	s17 =	sadd.s32 s26, s15;
	s0 =	sadd.s32 s3, s0;
	[dreg:$0xc] =	wrdreg s5  }
0x1d: {  	s25 =	sshll.u32 s24, $0x4;
	s5 =	sadd.s32 s3, s23;
	[dreg:$0xf] =	wrdreg s0  }
0x1e: {  	s18 =	sshll.u32 s18, $0x7;
	[dreg:$0xd] =	wrdreg s5;
	s5 =	sadd.s32 s3, s25  }
0x1f: {  	s20 =	sadd.s32 s19, s15;
	s9 =	simm.s32 $0x9;
	[dreg:$0xe] =	wrdreg s5  }
0x20: {  	s3 =	sadd.s32 $0x280, s4;
	_ =	strace $0x8000004D;
	[dreg:$0x10] =	wrdreg s2  }
0x21: {  	s4 =	smax.u32 s7, $0x1;
	s7 =	sshll.u32 s8, $0x7;
	[dreg:$0x11] =	wrdreg s3  }
0x22: {  	s19 =	simm.s32 $0xC0;
	s8 =	sadd.s32 s7, s15;
	[dreg:$0x12] =	wrdreg s4  }
0x23: {  	s21 =	sadd.s32 $0x2000, s17;
	s22 =	sadd.s32 $0x4000, s17;
	[dreg:$0x15] =	wrdreg s8  }
0x24: {  	s24 =	sadd.s32 $0x8000, s17;
	s26 =	sadd.s32 $0xC000, s17;
	[dreg:$0x1b] =	wrdreg s20  }
0x25: {  	s23 =	sadd.s32 $0x6000, s17;
	s25 =	sadd.s32 $0xA000, s17;
	[dreg:$0x1c] =	wrdreg s21  }
0x26: {  	s5 =	sshll.u32 s6, $0x7;
	s6 =	sshll.u32 s10, $0x7;
	[dreg:$0x1d] =	wrdreg s22  }
0x27: {  	s10 =	sshll.u32 s11, $0x7;
	s11 =	sshll.u32 s13, $0x7;
	[dreg:$0x1e] =	wrdreg s23  }
0x28: {  	s13 =	sshll.u32 s14, $0x7;
	s7 =	sadd.s32 $0x12000, s17;
	[dreg:$0x1f] =	wrdreg s24  }
0x29: {  	s0 =	sadd.s32 s5, s15;
	s14 =	sadd.s32 s13, s15;
	[smem:$0x7FC] =	sst s25  }
0x2a: {  	[smem:$0x7FD] =	sst s26;
	s5 =	sadd.s32 $0xE000, s17;
	s8 =	simm.s32 $0x2800  }
0x2b: {  	s20 =	simm.s32 $0x8800;
	s21 =	simm.s32 $0x1;
	s22 =	simm.s32 $0x5  }
0x2c: {  	s23 =	simm.s32 $0x2;
	s24 =	simm.s32 $0x6;
	s25 =	simm.s32 $0x3  }
0x2d: {  	s26 =	simm.s32 $0x7;
	s13 =	simm.s32 $0x2780;
	[dreg:$0x13] =	wrdreg s0  }
0x2e: {  	s0 =	sadd.s32 s6, s15;
	[dreg:$0x18] =	wrdreg s14;
	s6 =	sadd.s32 $0x10000, s17  }
0x2f: {  	s14 =	simm.s32 $0x4800;
	[dreg:$0x14] =	wrdreg s0;
	s0 =	sadd.s32 s10, s15  }
0x30: {  	s10 =	simm.s32 $0x0;
	[dreg:$0x16] =	wrdreg s0;
	s0 =	sadd.s32 s11, s15  }
0x31: {  	s11 =	simm.s32 $0x40;
	[dreg:$0x17] =	wrdreg s0;
	s0 =	sadd.s32 s16, s15  }
0x32: {  	s16 =	simm.s32 $0x80;
	[dreg:$0x19] =	wrdreg s0;
	s0 =	sadd.s32 s18, s15  }
0x33: {  	v0 =	vimm.f32 $0.0e+00;
	s18 =	simm.s32 $0x6800;
	[dreg:$0x1a] =	wrdreg s0;
	s0 =	simm.s32 $0x27C0  }
.LBB2_1:
0x34: {  	s2 =	simm.s32 $0x0;
	s3 =	simm.s32 $0x200  }
.LBB2_2:
0x35: {  	p0 =	sne.s32 s3, $0x7E00;
	[tilespmem:s2+$0x2870] =	vst v0  }
0x36: {  	[tilespmem:s2+$0x2800] =	vst v0  }
0x37: {  	[tilespmem:s2+$0x2810] =	vst v0  }
.Ltmp0:
0x38: {  	[tilespmem:s2+$0x2820] =	vst v0;
	(pc) =	sbr.rel @p0 .LBB2_2-.Ltmp0, $4  }
0x39: {  	[tilespmem:s2+$0x2830] =	vst v0  }
0x3a: {  	[tilespmem:s2+$0x2840] =	vst v0  }
0x3b: {  	[tilespmem:s2+$0x2850] =	vst v0  }
0x3c: {  	[tilespmem:s2+$0x2860] =	vst v0;
	s2 =	sshra.s32 s3, $0x2;
	s3 =	sadd.s32 $0x200, s3  }
0x3d: {  	[tilespmem:s2+$0x2870] =	vst v0  }
0x3e: {  	[tilespmem:s2+$0x2800] =	vst v0  }
0x3f: {  	[tilespmem:s2+$0x2810] =	vst v0  }
0x40: {  	[tilespmem:s2+$0x2820] =	vst v0  }
0x41: {  	[tilespmem:s2+$0x2830] =	vst v0  }
0x42: {  	[tilespmem:s2+$0x2840] =	vst v0  }
0x43: {  	[tilespmem:s2+$0x2850] =	vst v0  }
0x44: {  	[tilespmem:s2+$0x2860] =	vst v0  }
0x45: {  	[spmem:s17] =	stream.linear.scatter [tilespmem:s8], [sflag:$0x9], $0x2000, $0x38;
	[tilespmem:$0x1E800] =	vst v63  }
0x46: {  	_ =	swait.ge [sflag:s9], $0x2000  }
0x47: {  	[sflag:s9] =	ssyncset.done $0x0  }
0x48: {  	s4 =	rddreg [dreg:$0x1c];
	[sflag:s9] =	ssyncadd.s32 $0xFFFFE000  }
0x49: {  	[spmem:s4] =	stream.linear.scatter [tilespmem:s8], [sflag:$0x9], $0x2000, $0x38;
	[tilespmem:$0x1E800] =	vst v63  }
0x4a: {  	_ =	swait.ge [sflag:s9], $0x2000  }
0x4b: {  	[sflag:s9] =	ssyncset.done $0x0  }
0x4c: {  	s3 =	rddreg [dreg:$0x1d];
	[sflag:s9] =	ssyncadd.s32 $0xFFFFE000  }
0x4d: {  	[spmem:s3] =	stream.linear.scatter [tilespmem:s8], [sflag:$0x9], $0x2000, $0x38;
	[tilespmem:$0x1E800] =	vst v63  }
0x4e: {  	_ =	swait.ge [sflag:s9], $0x2000  }
0x4f: {  	[sflag:s9] =	ssyncset.done $0x0  }
0x50: {  	s4 =	rddreg [dreg:$0x1e];
	[sflag:s9] =	ssyncadd.s32 $0xFFFFE000  }
0x51: {  	[spmem:s4] =	stream.linear.scatter [tilespmem:s8], [sflag:$0x9], $0x2000, $0x38;
	[tilespmem:$0x1E800] =	vst v63  }
0x52: {  	_ =	swait.ge [sflag:s9], $0x2000  }
0x53: {  	[sflag:s9] =	ssyncset.done $0x0  }
0x54: {  	s3 =	rddreg [dreg:$0x1f];
	[sflag:s9] =	ssyncadd.s32 $0xFFFFE000  }
0x55: {  	[spmem:s3] =	stream.linear.scatter [tilespmem:s8], [sflag:$0x9], $0x2000, $0x38;
	[tilespmem:$0x1E800] =	vst v63  }
0x56: {  	_ =	swait.ge [sflag:s9], $0x2000  }
0x57: {  	s4 =	sld [smem:$0x7FC]  }
0x58: {  	[sflag:s9] =	ssyncset.done $0x0  }
0x59: {  	[sflag:s9] =	ssyncadd.s32 $0xFFFFE000  }
0x5a: {  	[spmem:s4] =	stream.linear.scatter [tilespmem:s8], [sflag:$0x9], $0x2000, $0x38;
	[tilespmem:$0x1E800] =	vst v63  }
0x5b: {  	_ =	swait.ge [sflag:s9], $0x2000  }
0x5c: {  	s3 =	sld [smem:$0x7FD]  }
0x5d: {  	[sflag:s9] =	ssyncset.done $0x0  }
0x5e: {  	[sflag:s9] =	ssyncadd.s32 $0xFFFFE000  }
0x5f: {  	[spmem:s3] =	stream.linear.scatter [tilespmem:s8], [sflag:$0x9], $0x2000, $0x38;
	[tilespmem:$0x1E800] =	vst v63  }
0x60: {  	_ =	swait.ge [sflag:s9], $0x2000  }
0x61: {  	[sflag:s9] =	ssyncset.done $0x0  }
0x62: {  	[sflag:s9] =	ssyncadd.s32 $0xFFFFE000  }
0x63: {  	[spmem:s5] =	stream.linear.scatter [tilespmem:s8], [sflag:$0x9], $0x2000, $0x38;
	[tilespmem:$0x1E800] =	vst v63  }
0x64: {  	_ =	swait.ge [sflag:s9], $0x2000  }
0x65: {  	[sflag:s9] =	ssyncset.done $0x0  }
0x66: {  	[sflag:s9] =	ssyncadd.s32 $0xFFFFE000  }
0x67: {  	[spmem:s6] =	stream.linear.scatter [tilespmem:s8], [sflag:$0x9], $0x2000, $0x38;
	[tilespmem:$0x1E800] =	vst v63  }
0x68: {  	_ =	swait.ge [sflag:s9], $0x2000  }
0x69: {  	[sflag:s9] =	ssyncset.done $0x0  }
0x6a: {  	[sflag:s9] =	ssyncadd.s32 $0xFFFFE000  }
0x6b: {  	[spmem:s7] =	stream.linear.scatter [tilespmem:s8], [sflag:$0x9], $0x2000, $0x38;
	[tilespmem:$0x1E800] =	vst v63  }
0x6c: {  	_ =	swait.ge [sflag:s9], $0x2000  }
0x6d: {  	[sflag:s9] =	ssyncset.done $0x0  }
0x6e: {  	[sflag:s9] =	ssyncadd.s32 $0xFFFFE000  }
0x6f: {  	[bflag:$0x0] =	sbarrier.arrive $0xFFFF  }
0x70: {  	s2 =	simm.s32 $0x0;
	s3 =	rddreg [dreg:$0x4]  }
0x71: {  	[tilespmem:s2], [sflag:$0x9] =	stream.linear.gather [hbm4b:s3+s2], $0x1400, $0x38;
	[tilespmem:$0x1E800] =	vst v63  }
0x72: {  	_ =	swait.ge [sflag:s9], $0x1400  }
0x73: {  	[sflag:s9] =	ssyncset.done $0x0  }
0x74: {  	s4 =	simm.s32 $0x1400;
	s3 =	rddreg [dreg:$0x5];
	[sflag:s9] =	ssyncadd.s32 $0xFFFFEC00  }
0x75: {  	[tilespmem:s4], [sflag:$0x9] =	stream.linear.gather [hbm4b:s3+s2], $0x1400, $0x38;
	[tilespmem:$0x1E800] =	vst v63  }
0x76: {  	_ =	swait.ge [sflag:s9], $0x1400  }
0x77: {  	[sflag:s9] =	ssyncset.done $0x0  }
0x78: {  	[sflag:s9] =	ssyncadd.s32 $0xFFFFEC00  }
0x79: {  	[tilespmem:s8], [sflag:$0x1] =	stream.indirect.gather [hbm4b:s12+s11], $0x80, s2, s11, $0xb8;
	[tilespmem:$0x1E800] =	vst v63  }
0x7a: {  	_ = 	snop  }
0x7b: {  	[tilespmem:s14], [sflag:$0x2] =	stream.indirect.gather [hbm4b:s12+s11], $0x80, s11, s11, $0xb8;
	[tilespmem:$0x1E800] =	vst v63  }
0x7c: {  	_ = 	snop  }
0x7d: {  	[tilespmem:s18], [sflag:$0x3] =	stream.indirect.gather [hbm4b:s12+s11], $0x80, s16, s11, $0xb8;
	[tilespmem:$0x1E800] =	vst v63  }
0x7e: {  	_ = 	snop  }
0x7f: {  	[tilespmem:s20], [sflag:$0x4] =	stream.indirect.gather [hbm4b:s12+s11], $0x80, s19, s11, $0xb8;
	[tilespmem:$0x1E800] =	vst v63  }
0x80: {  	_ =	swait.ge [sflag:s21], $0x2000  }
0x81: {  	[sflag:s21] =	ssyncset.done $0x0  }
0x82: {  	s4 =	simm.s32 $0x1400;
	[sflag:s21] =	ssyncadd.s32 $0xFFFFE000  }
0x83: {  	[spmem:s15] =	stream.indirect.scatter.add.f32 [tilespmem:s8], [sflag:$0x5], $0x80, s4, s11, $0xb8;
	[tilespmem:$0x1E800] =	vst v63  }
0x84: {  	_ =	swait.ge [sflag:s22], $0x2000  }
0x85: {  	[sflag:s22] =	ssyncset.done $0x0  }
0x86: {  	s3 =	simm.s32 $0x100;
	[sflag:s22] =	ssyncadd.s32 $0xFFFFE000  }
0x87: {  	[tilespmem:s8], [sflag:$0x1] =	stream.indirect.gather [hbm4b:s12+s11], $0x80, s3, s11, $0xb8;
	[tilespmem:$0x1E800] =	vst v63  }
0x88: {  	_ =	swait.ge [sflag:s23], $0x2000  }
0x89: {  	[sflag:s23] =	ssyncset.done $0x0  }
0x8a: {  	s4 =	simm.s32 $0x1440;
	[sflag:s23] =	ssyncadd.s32 $0xFFFFE000  }
0x8b: {  	[spmem:s15] =	stream.indirect.scatter.add.f32 [tilespmem:s14], [sflag:$0x6], $0x80, s4, s11, $0xb8;
	[tilespmem:$0x1E800] =	vst v63  }
0x8c: {  	_ =	swait.ge [sflag:s24], $0x2000  }
0x8d: {  	[sflag:s24] =	ssyncset.done $0x0  }
0x8e: {  	s3 =	simm.s32 $0x140;
	[sflag:s24] =	ssyncadd.s32 $0xFFFFE000  }
0x8f: {  	[tilespmem:s14], [sflag:$0x2] =	stream.indirect.gather [hbm4b:s12+s11], $0x80, s3, s11, $0xb8;
	[tilespmem:$0x1E800] =	vst v63  }
0x90: {  	_ =	swait.ge [sflag:s25], $0x2000  }
0x91: {  	[sflag:s25] =	ssyncset.done $0x0  }
0x92: {  	s4 =	simm.s32 $0x1480;
	[sflag:s25] =	ssyncadd.s32 $0xFFFFE000  }
0x93: {  	[spmem:s15] =	stream.indirect.scatter.add.f32 [tilespmem:s18], [sflag:$0x7], $0x80, s4, s11, $0xb8;
	[tilespmem:$0x1E800] =	vst v63  }
0x94: {  	_ =	swait.ge [sflag:s26], $0x2000  }
0x95: {  	[sflag:s26] =	ssyncset.done $0x0  }
0x96: {  	s3 =	simm.s32 $0x180;
	[sflag:s26] =	ssyncadd.s32 $0xFFFFE000  }
0x97: {  	[tilespmem:s18], [sflag:$0x3] =	stream.indirect.gather [hbm4b:s12+s11], $0x80, s3, s11, $0xb8;
	[tilespmem:$0x1E800] =	vst v63  }
0x98: {  	_ =	swait.ge [sflag:s28], $0x2000  }
0x99: {  	[sflag:s28] =	ssyncset.done $0x0  }
0x9a: {  	s4 =	simm.s32 $0x14C0;
	[sflag:s28] =	ssyncadd.s32 $0xFFFFE000  }
0x9b: {  	[spmem:s15] =	stream.indirect.scatter.add.f32 [tilespmem:s20], [sflag:$0x8], $0x80, s4, s11, $0xb8;
	[tilespmem:$0x1E800] =	vst v63  }
0x9c: {  	_ =	swait.ge [sflag:s29], $0x2000  }
0x9d: {  	[sflag:s29] =	ssyncset.done $0x0  }
0x9e: {  	s2 =	simm.s32 $0x400;
	s3 =	simm.s32 $0x1C0;
	[sflag:s29] =	ssyncadd.s32 $0xFFFFE000  }
.LBB2_4:
0x9f: {  	[tilespmem:s20], [sflag:$0x4] =	stream.indirect.gather [hbm4b:s12+s11], $0x80, s3, s11, $0xb8;
	[tilespmem:$0x1E800] =	vst v63  }
0xa0: {  	s3 =	smov.u32 s2  }
0xa1: {  	p0 =	sne.s32 s2, $0x4800;
	s2 =	sadd.s32 $0x400, s2;
	_ =	swait.ge [sflag:s21], $0x2000  }
0xa2: {  	s3 =	sshra.s32 s3, $0x2;
	[sflag:s21] =	ssyncset.done $0x0  }
0xa3: {  	s4 =	sadd.s32 $0x1400, s3;
	[sflag:s21] =	ssyncadd.s32 $0xFFFFE000  }
0xa4: {  	[spmem:s15] =	stream.indirect.scatter.add.f32 [tilespmem:s8], [sflag:$0x5], $0x80, s4, s11, $0xb8;
	[tilespmem:$0x1E800] =	vst v63  }
0xa5: {  	_ =	swait.ge [sflag:s22], $0x2000  }
0xa6: {  	[sflag:s22] =	ssyncset.done $0x0  }
0xa7: {  	s4 =	sadd.s32 $0x100, s3;
	[sflag:s22] =	ssyncadd.s32 $0xFFFFE000  }
0xa8: {  	[tilespmem:s8], [sflag:$0x1] =	stream.indirect.gather [hbm4b:s12+s11], $0x80, s4, s11, $0xb8;
	[tilespmem:$0x1E800] =	vst v63  }
0xa9: {  	_ =	swait.ge [sflag:s23], $0x2000  }
0xaa: {  	[sflag:s23] =	ssyncset.done $0x0  }
0xab: {  	s4 =	sadd.s32 $0x1440, s3;
	[sflag:s23] =	ssyncadd.s32 $0xFFFFE000  }
0xac: {  	[spmem:s15] =	stream.indirect.scatter.add.f32 [tilespmem:s14], [sflag:$0x6], $0x80, s4, s11, $0xb8;
	[tilespmem:$0x1E800] =	vst v63  }
0xad: {  	_ =	swait.ge [sflag:s24], $0x2000  }
0xae: {  	[sflag:s24] =	ssyncset.done $0x0  }
0xaf: {  	s4 =	sadd.s32 $0x140, s3;
	[sflag:s24] =	ssyncadd.s32 $0xFFFFE000  }
0xb0: {  	[tilespmem:s14], [sflag:$0x2] =	stream.indirect.gather [hbm4b:s12+s11], $0x80, s4, s11, $0xb8;
	[tilespmem:$0x1E800] =	vst v63  }
0xb1: {  	_ =	swait.ge [sflag:s25], $0x2000  }
0xb2: {  	[sflag:s25] =	ssyncset.done $0x0  }
0xb3: {  	s4 =	sadd.s32 $0x1480, s3;
	[sflag:s25] =	ssyncadd.s32 $0xFFFFE000  }
0xb4: {  	[spmem:s15] =	stream.indirect.scatter.add.f32 [tilespmem:s18], [sflag:$0x7], $0x80, s4, s11, $0xb8;
	[tilespmem:$0x1E800] =	vst v63  }
0xb5: {  	_ =	swait.ge [sflag:s26], $0x2000  }
0xb6: {  	[sflag:s26] =	ssyncset.done $0x0  }
0xb7: {  	s4 =	sadd.s32 $0x180, s3;
	[sflag:s26] =	ssyncadd.s32 $0xFFFFE000  }
0xb8: {  	[tilespmem:s18], [sflag:$0x3] =	stream.indirect.gather [hbm4b:s12+s11], $0x80, s4, s11, $0xb8;
	[tilespmem:$0x1E800] =	vst v63  }
0xb9: {  	_ =	swait.ge [sflag:s28], $0x2000  }
0xba: {  	[sflag:s28] =	ssyncset.done $0x0  }
.Ltmp1:
0xbb: {  	s4 =	sadd.s32 $0x14C0, s3;
	[sflag:s28] =	ssyncadd.s32 $0xFFFFE000;
	(pc) =	sbr.rel @p0 .LBB2_4-.Ltmp1, $4  }
0xbc: {  	[spmem:s15] =	stream.indirect.scatter.add.f32 [tilespmem:s20], [sflag:$0x8], $0x80, s4, s11, $0xb8;
	[tilespmem:$0x1E800] =	vst v63  }
0xbd: {  	_ =	swait.ge [sflag:s29], $0x2000  }
0xbe: {  	[sflag:s29] =	ssyncset.done $0x0  }
0xbf: {  	s3 =	sadd.s32 $0x1C0, s3;
	[sflag:s29] =	ssyncadd.s32 $0xFFFFE000  }
0xc0: {  	[tilespmem:s20], [sflag:$0x4] =	stream.indirect.gather [hbm4b:s12+s11], $0x80, s3, s11, $0xb8;
	[tilespmem:$0x1E800] =	vst v63  }
0xc1: {  	_ =	swait.ge [sflag:s21], $0x2000  }
0xc2: {  	[sflag:s21] =	ssyncset.done $0x0  }
0xc3: {  	[sflag:s21] =	ssyncadd.s32 $0xFFFFE000  }
0xc4: {  	[spmem:s15] =	stream.indirect.scatter.add.f32 [tilespmem:s8], [sflag:$0x5], $0x80, s30, s11, $0xb8;
	[tilespmem:$0x1E800] =	vst v63  }
0xc5: {  	_ =	swait.ge [sflag:s22], $0x2000  }
0xc6: {  	[sflag:s22] =	ssyncset.done $0x0  }
0xc7: {  	[sflag:s22] =	ssyncadd.s32 $0xFFFFE000  }
0xc8: {  	_ =	swait.ge [sflag:s23], $0x2000  }
0xc9: {  	[sflag:s23] =	ssyncset.done $0x0  }
0xca: {  	[sflag:s23] =	ssyncadd.s32 $0xFFFFE000  }
0xcb: {  	[spmem:s15] =	stream.indirect.scatter.add.f32 [tilespmem:s14], [sflag:$0x6], $0x80, s31, s11, $0xb8;
	[tilespmem:$0x1E800] =	vst v63  }
0xcc: {  	_ =	swait.ge [sflag:s24], $0x2000  }
0xcd: {  	[sflag:s24] =	ssyncset.done $0x0  }
0xce: {  	[sflag:s24] =	ssyncadd.s32 $0xFFFFE000  }
0xcf: {  	_ =	swait.ge [sflag:s25], $0x2000  }
0xd0: {  	[sflag:s25] =	ssyncset.done $0x0  }
0xd1: {  	[sflag:s25] =	ssyncadd.s32 $0xFFFFE000  }
0xd2: {  	[spmem:s15] =	stream.indirect.scatter.add.f32 [tilespmem:s18], [sflag:$0x7], $0x80, s13, s11, $0xb8;
	[tilespmem:$0x1E800] =	vst v63  }
0xd3: {  	_ =	swait.ge [sflag:s26], $0x2000  }
0xd4: {  	[sflag:s26] =	ssyncset.done $0x0  }
0xd5: {  	[sflag:s26] =	ssyncadd.s32 $0xFFFFE000  }
0xd6: {  	_ =	swait.ge [sflag:s28], $0x2000  }
0xd7: {  	[sflag:s28] =	ssyncset.done $0x0  }
0xd8: {  	[sflag:s28] =	ssyncadd.s32 $0xFFFFE000  }
0xd9: {  	[spmem:s15] =	stream.indirect.scatter.add.f32 [tilespmem:s20], [sflag:$0x8], $0x80, s0, s11, $0xb8;
	[tilespmem:$0x1E800] =	vst v63  }
0xda: {  	_ =	swait.ge [sflag:s29], $0x2000  }
0xdb: {  	[sflag:s29] =	ssyncset.done $0x0  }
0xdc: {  	s2 =	simm.s32 $0x0;
	s4 =	rddreg [dreg:$0x10];
	[sflag:s29] =	ssyncadd.s32 $0xFFFFE000  }
0xdd: {  	[tilespmem:s2], [sflag:$0x9] =	stream.linear.gather [hbm4b:s4+s2], $0x1400, $0x38;
	[tilespmem:$0x1E800] =	vst v63  }
0xde: {  	_ =	swait.ge [sflag:s9], $0x1400  }
0xdf: {  	[sflag:s9] =	ssyncset.done $0x0  }
0xe0: {  	s4 =	simm.s32 $0x1400;
	s3 =	rddreg [dreg:$0x11];
	[sflag:s9] =	ssyncadd.s32 $0xFFFFEC00  }
0xe1: {  	[tilespmem:s4], [sflag:$0x9] =	stream.linear.gather [hbm4b:s3+s2], $0x1400, $0x38;
	[tilespmem:$0x1E800] =	vst v63  }
0xe2: {  	_ =	swait.ge [sflag:s9], $0x1400  }
0xe3: {  	[sflag:s9] =	ssyncset.done $0x0  }
0xe4: {  	[sflag:s9] =	ssyncadd.s32 $0xFFFFEC00  }
0xe5: {  	[tilespmem:s8], [sflag:$0x1] =	stream.indirect.gather [hbm4b:s12+s11], $0x80, s2, s11, $0xb8;
	[tilespmem:$0x1E800] =	vst v63  }
0xe6: {  	_ = 	snop  }
0xe7: {  	[tilespmem:s14], [sflag:$0x2] =	stream.indirect.gather [hbm4b:s12+s11], $0x80, s11, s11, $0xb8;
	[tilespmem:$0x1E800] =	vst v63  }
0xe8: {  	_ = 	snop  }
0xe9: {  	[tilespmem:s18], [sflag:$0x3] =	stream.indirect.gather [hbm4b:s12+s11], $0x80, s16, s11, $0xb8;
	[tilespmem:$0x1E800] =	vst v63  }
0xea: {  	_ = 	snop  }
0xeb: {  	[tilespmem:s20], [sflag:$0x4] =	stream.indirect.gather [hbm4b:s12+s11], $0x80, s19, s11, $0xb8;
	[tilespmem:$0x1E800] =	vst v63  }
0xec: {  	_ =	swait.ge [sflag:s21], $0x2000  }
0xed: {  	[sflag:s21] =	ssyncset.done $0x0  }
0xee: {  	s4 =	simm.s32 $0x1400;
	[sflag:s21] =	ssyncadd.s32 $0xFFFFE000  }
0xef: {  	[spmem:s15] =	stream.indirect.scatter.add.f32 [tilespmem:s8], [sflag:$0x5], $0x80, s4, s11, $0xb8;
	[tilespmem:$0x1E800] =	vst v63  }
0xf0: {  	_ =	swait.ge [sflag:s22], $0x2000  }
0xf1: {  	[sflag:s22] =	ssyncset.done $0x0  }
0xf2: {  	s3 =	simm.s32 $0x100;
	[sflag:s22] =	ssyncadd.s32 $0xFFFFE000  }
0xf3: {  	[tilespmem:s8], [sflag:$0x1] =	stream.indirect.gather [hbm4b:s12+s11], $0x80, s3, s11, $0xb8;
	[tilespmem:$0x1E800] =	vst v63  }
0xf4: {  	_ =	swait.ge [sflag:s23], $0x2000  }
0xf5: {  	[sflag:s23] =	ssyncset.done $0x0  }
0xf6: {  	s4 =	simm.s32 $0x1440;
	[sflag:s23] =	ssyncadd.s32 $0xFFFFE000  }
0xf7: {  	[spmem:s15] =	stream.indirect.scatter.add.f32 [tilespmem:s14], [sflag:$0x6], $0x80, s4, s11, $0xb8;
	[tilespmem:$0x1E800] =	vst v63  }
0xf8: {  	_ =	swait.ge [sflag:s24], $0x2000  }
0xf9: {  	[sflag:s24] =	ssyncset.done $0x0  }
0xfa: {  	s3 =	simm.s32 $0x140;
	[sflag:s24] =	ssyncadd.s32 $0xFFFFE000  }
0xfb: {  	[tilespmem:s14], [sflag:$0x2] =	stream.indirect.gather [hbm4b:s12+s11], $0x80, s3, s11, $0xb8;
	[tilespmem:$0x1E800] =	vst v63  }
0xfc: {  	_ =	swait.ge [sflag:s25], $0x2000  }
0xfd: {  	[sflag:s25] =	ssyncset.done $0x0  }
0xfe: {  	s4 =	simm.s32 $0x1480;
	[sflag:s25] =	ssyncadd.s32 $0xFFFFE000  }
0xff: {  	[spmem:s15] =	stream.indirect.scatter.add.f32 [tilespmem:s18], [sflag:$0x7], $0x80, s4, s11, $0xb8;
	[tilespmem:$0x1E800] =	vst v63  }
0x100: {  	_ =	swait.ge [sflag:s26], $0x2000  }
0x101: {  	[sflag:s26] =	ssyncset.done $0x0  }
0x102: {  	s3 =	simm.s32 $0x180;
	[sflag:s26] =	ssyncadd.s32 $0xFFFFE000  }
0x103: {  	[tilespmem:s18], [sflag:$0x3] =	stream.indirect.gather [hbm4b:s12+s11], $0x80, s3, s11, $0xb8;
	[tilespmem:$0x1E800] =	vst v63  }
0x104: {  	_ =	swait.ge [sflag:s28], $0x2000  }
0x105: {  	[sflag:s28] =	ssyncset.done $0x0  }
0x106: {  	s4 =	simm.s32 $0x14C0;
	[sflag:s28] =	ssyncadd.s32 $0xFFFFE000  }
0x107: {  	[spmem:s15] =	stream.indirect.scatter.add.f32 [tilespmem:s20], [sflag:$0x8], $0x80, s4, s11, $0xb8;
	[tilespmem:$0x1E800] =	vst v63  }
0x108: {  	_ =	swait.ge [sflag:s29], $0x2000  }
0x109: {  	[sflag:s29] =	ssyncset.done $0x0  }
0x10a: {  	s2 =	simm.s32 $0x400;
	s3 =	simm.s32 $0x1C0;
	[sflag:s29] =	ssyncadd.s32 $0xFFFFE000  }
.LBB2_6:
0x10b: {  	[tilespmem:s20], [sflag:$0x4] =	stream.indirect.gather [hbm4b:s12+s11], $0x80, s3, s11, $0xb8;
	[tilespmem:$0x1E800] =	vst v63  }
0x10c: {  	s3 =	smov.u32 s2  }
0x10d: {  	p0 =	sne.s32 s2, $0x4800;
	s2 =	sadd.s32 $0x400, s2;
	_ =	swait.ge [sflag:s21], $0x2000  }
0x10e: {  	s3 =	sshra.s32 s3, $0x2;
	[sflag:s21] =	ssyncset.done $0x0  }
0x10f: {  	s4 =	sadd.s32 $0x1400, s3;
	[sflag:s21] =	ssyncadd.s32 $0xFFFFE000  }
0x110: {  	[spmem:s15] =	stream.indirect.scatter.add.f32 [tilespmem:s8], [sflag:$0x5], $0x80, s4, s11, $0xb8;
	[tilespmem:$0x1E800] =	vst v63  }
0x111: {  	_ =	swait.ge [sflag:s22], $0x2000  }
0x112: {  	[sflag:s22] =	ssyncset.done $0x0  }
0x113: {  	s4 =	sadd.s32 $0x100, s3;
	[sflag:s22] =	ssyncadd.s32 $0xFFFFE000  }
0x114: {  	[tilespmem:s8], [sflag:$0x1] =	stream.indirect.gather [hbm4b:s12+s11], $0x80, s4, s11, $0xb8;
	[tilespmem:$0x1E800] =	vst v63  }
0x115: {  	_ =	swait.ge [sflag:s23], $0x2000  }
0x116: {  	[sflag:s23] =	ssyncset.done $0x0  }
0x117: {  	s4 =	sadd.s32 $0x1440, s3;
	[sflag:s23] =	ssyncadd.s32 $0xFFFFE000  }
0x118: {  	[spmem:s15] =	stream.indirect.scatter.add.f32 [tilespmem:s14], [sflag:$0x6], $0x80, s4, s11, $0xb8;
	[tilespmem:$0x1E800] =	vst v63  }
0x119: {  	_ =	swait.ge [sflag:s24], $0x2000  }
0x11a: {  	[sflag:s24] =	ssyncset.done $0x0  }
0x11b: {  	s4 =	sadd.s32 $0x140, s3;
	[sflag:s24] =	ssyncadd.s32 $0xFFFFE000  }
0x11c: {  	[tilespmem:s14], [sflag:$0x2] =	stream.indirect.gather [hbm4b:s12+s11], $0x80, s4, s11, $0xb8;
	[tilespmem:$0x1E800] =	vst v63  }
0x11d: {  	_ =	swait.ge [sflag:s25], $0x2000  }
0x11e: {  	[sflag:s25] =	ssyncset.done $0x0  }
0x11f: {  	s4 =	sadd.s32 $0x1480, s3;
	[sflag:s25] =	ssyncadd.s32 $0xFFFFE000  }
0x120: {  	[spmem:s15] =	stream.indirect.scatter.add.f32 [tilespmem:s18], [sflag:$0x7], $0x80, s4, s11, $0xb8;
	[tilespmem:$0x1E800] =	vst v63  }
0x121: {  	_ =	swait.ge [sflag:s26], $0x2000  }
0x122: {  	[sflag:s26] =	ssyncset.done $0x0  }
0x123: {  	s4 =	sadd.s32 $0x180, s3;
	[sflag:s26] =	ssyncadd.s32 $0xFFFFE000  }
0x124: {  	[tilespmem:s18], [sflag:$0x3] =	stream.indirect.gather [hbm4b:s12+s11], $0x80, s4, s11, $0xb8;
	[tilespmem:$0x1E800] =	vst v63  }
0x125: {  	_ =	swait.ge [sflag:s28], $0x2000  }
0x126: {  	[sflag:s28] =	ssyncset.done $0x0  }
.Ltmp2:
0x127: {  	s4 =	sadd.s32 $0x14C0, s3;
	[sflag:s28] =	ssyncadd.s32 $0xFFFFE000;
	(pc) =	sbr.rel @p0 .LBB2_6-.Ltmp2, $4  }
0x128: {  	[spmem:s15] =	stream.indirect.scatter.add.f32 [tilespmem:s20], [sflag:$0x8], $0x80, s4, s11, $0xb8;
	[tilespmem:$0x1E800] =	vst v63  }
0x129: {  	_ =	swait.ge [sflag:s29], $0x2000  }
0x12a: {  	[sflag:s29] =	ssyncset.done $0x0  }
0x12b: {  	s3 =	sadd.s32 $0x1C0, s3;
	[sflag:s29] =	ssyncadd.s32 $0xFFFFE000  }
0x12c: {  	[tilespmem:s20], [sflag:$0x4] =	stream.indirect.gather [hbm4b:s12+s11], $0x80, s3, s11, $0xb8;
	[tilespmem:$0x1E800] =	vst v63  }
0x12d: {  	_ =	swait.ge [sflag:s21], $0x2000  }
0x12e: {  	[sflag:s21] =	ssyncset.done $0x0  }
0x12f: {  	[sflag:s21] =	ssyncadd.s32 $0xFFFFE000  }
0x130: {  	[spmem:s15] =	stream.indirect.scatter.add.f32 [tilespmem:s8], [sflag:$0x5], $0x80, s30, s11, $0xb8;
	[tilespmem:$0x1E800] =	vst v63  }
0x131: {  	_ =	swait.ge [sflag:s22], $0x2000  }
0x132: {  	[sflag:s22] =	ssyncset.done $0x0  }
0x133: {  	[sflag:s22] =	ssyncadd.s32 $0xFFFFE000  }
0x134: {  	_ =	swait.ge [sflag:s23], $0x2000  }
0x135: {  	[sflag:s23] =	ssyncset.done $0x0  }
0x136: {  	[sflag:s23] =	ssyncadd.s32 $0xFFFFE000  }
0x137: {  	[spmem:s15] =	stream.indirect.scatter.add.f32 [tilespmem:s14], [sflag:$0x6], $0x80, s31, s11, $0xb8;
	[tilespmem:$0x1E800] =	vst v63  }
0x138: {  	_ =	swait.ge [sflag:s24], $0x2000  }
0x139: {  	[sflag:s24] =	ssyncset.done $0x0  }
0x13a: {  	[sflag:s24] =	ssyncadd.s32 $0xFFFFE000  }
0x13b: {  	_ =	swait.ge [sflag:s25], $0x2000  }
0x13c: {  	[sflag:s25] =	ssyncset.done $0x0  }
0x13d: {  	[sflag:s25] =	ssyncadd.s32 $0xFFFFE000  }
0x13e: {  	[spmem:s15] =	stream.indirect.scatter.add.f32 [tilespmem:s18], [sflag:$0x7], $0x80, s13, s11, $0xb8;
	[tilespmem:$0x1E800] =	vst v63  }
0x13f: {  	_ =	swait.ge [sflag:s26], $0x2000  }
0x140: {  	[sflag:s26] =	ssyncset.done $0x0  }
0x141: {  	[sflag:s26] =	ssyncadd.s32 $0xFFFFE000  }
0x142: {  	_ =	swait.ge [sflag:s28], $0x2000  }
0x143: {  	[sflag:s28] =	ssyncset.done $0x0  }
0x144: {  	[sflag:s28] =	ssyncadd.s32 $0xFFFFE000  }
0x145: {  	[spmem:s15] =	stream.indirect.scatter.add.f32 [tilespmem:s20], [sflag:$0x8], $0x80, s0, s11, $0xb8;
	[tilespmem:$0x1E800] =	vst v63  }
0x146: {  	_ =	swait.ge [sflag:s29], $0x2000  }
0x147: {  	[sflag:s29] =	ssyncset.done $0x0  }
0x148: {  	[sflag:s29] =	ssyncadd.s32 $0xFFFFE000  }
0x149: {  	[bflag:$0x0] =	sbarrier.arrive $0xFFFF  }
0x14a: {  	[tilespmem:s8], [sflag:$0x9] =	stream.linear.gather [spmem:s17], $0x2000, $0x38;
	[tilespmem:$0x1E800] =	vst v63  }
0x14b: {  	_ =	swait.ge [sflag:s9], $0x2000  }
0x14c: {  	[sflag:s9] =	ssyncset.done $0x0  }
0x14d: {  	s2 =	rddreg [dreg:$0x6];
	[sflag:s9] =	ssyncadd.s32 $0xFFFFE000  }
0x14e: {  	[hbm4b:s2+s1] =	stream.linear.scatter [tilespmem:s8], [sflag:$0x9], $0x2000, $0x38;
	[tilespmem:$0x1E800] =	vst v63  }
0x14f: {  	_ =	swait.ge [sflag:s9], $0x2000  }
0x150: {  	[sflag:s9] =	ssyncset.done $0x0  }
0x151: {  	s4 =	rddreg [dreg:$0x13];
	[sflag:s9] =	ssyncadd.s32 $0xFFFFE000  }
0x152: {  	[tilespmem:s8], [sflag:$0x9] =	stream.linear.gather [spmem:s4], $0x2000, $0x38;
	[tilespmem:$0x1E800] =	vst v63  }
0x153: {  	_ =	swait.ge [sflag:s9], $0x2000  }
0x154: {  	[sflag:s9] =	ssyncset.done $0x0  }
0x155: {  	s3 =	rddreg [dreg:$0x7];
	[sflag:s9] =	ssyncadd.s32 $0xFFFFE000  }
0x156: {  	[hbm4b:s3+s1] =	stream.linear.scatter [tilespmem:s8], [sflag:$0x9], $0x2000, $0x38;
	[tilespmem:$0x1E800] =	vst v63  }
0x157: {  	_ =	swait.ge [sflag:s9], $0x2000  }
0x158: {  	[sflag:s9] =	ssyncset.done $0x0  }
0x159: {  	s4 =	rddreg [dreg:$0x14];
	[sflag:s9] =	ssyncadd.s32 $0xFFFFE000  }
0x15a: {  	[tilespmem:s8], [sflag:$0x9] =	stream.linear.gather [spmem:s4], $0x2000, $0x38;
	[tilespmem:$0x1E800] =	vst v63  }
0x15b: {  	_ =	swait.ge [sflag:s9], $0x2000  }
0x15c: {  	[sflag:s9] =	ssyncset.done $0x0  }
0x15d: {  	s3 =	rddreg [dreg:$0x8];
	[sflag:s9] =	ssyncadd.s32 $0xFFFFE000  }
0x15e: {  	[hbm4b:s3+s1] =	stream.linear.scatter [tilespmem:s8], [sflag:$0x9], $0x2000, $0x38;
	[tilespmem:$0x1E800] =	vst v63  }
0x15f: {  	_ =	swait.ge [sflag:s9], $0x2000  }
0x160: {  	[sflag:s9] =	ssyncset.done $0x0  }
0x161: {  	s4 =	rddreg [dreg:$0x15];
	[sflag:s9] =	ssyncadd.s32 $0xFFFFE000  }
0x162: {  	[tilespmem:s8], [sflag:$0x9] =	stream.linear.gather [spmem:s4], $0x2000, $0x38;
	[tilespmem:$0x1E800] =	vst v63  }
0x163: {  	_ =	swait.ge [sflag:s9], $0x2000  }
0x164: {  	[sflag:s9] =	ssyncset.done $0x0  }
0x165: {  	s3 =	rddreg [dreg:$0x9];
	[sflag:s9] =	ssyncadd.s32 $0xFFFFE000  }
0x166: {  	[hbm4b:s3+s1] =	stream.linear.scatter [tilespmem:s8], [sflag:$0x9], $0x2000, $0x38;
	[tilespmem:$0x1E800] =	vst v63  }
0x167: {  	_ =	swait.ge [sflag:s9], $0x2000  }
0x168: {  	[sflag:s9] =	ssyncset.done $0x0  }
0x169: {  	s4 =	rddreg [dreg:$0x16];
	[sflag:s9] =	ssyncadd.s32 $0xFFFFE000  }
0x16a: {  	[tilespmem:s8], [sflag:$0x9] =	stream.linear.gather [spmem:s4], $0x2000, $0x38;
	[tilespmem:$0x1E800] =	vst v63  }
0x16b: {  	_ =	swait.ge [sflag:s9], $0x2000  }
0x16c: {  	[sflag:s9] =	ssyncset.done $0x0  }
0x16d: {  	s3 =	rddreg [dreg:$0xa];
	[sflag:s9] =	ssyncadd.s32 $0xFFFFE000  }
0x16e: {  	[hbm4b:s3+s1] =	stream.linear.scatter [tilespmem:s8], [sflag:$0x9], $0x2000, $0x38;
	[tilespmem:$0x1E800] =	vst v63  }
0x16f: {  	_ =	swait.ge [sflag:s9], $0x2000  }
0x170: {  	[sflag:s9] =	ssyncset.done $0x0  }
0x171: {  	s4 =	rddreg [dreg:$0x17];
	[sflag:s9] =	ssyncadd.s32 $0xFFFFE000  }
0x172: {  	[tilespmem:s8], [sflag:$0x9] =	stream.linear.gather [spmem:s4], $0x2000, $0x38;
	[tilespmem:$0x1E800] =	vst v63  }
0x173: {  	_ =	swait.ge [sflag:s9], $0x2000  }
0x174: {  	[sflag:s9] =	ssyncset.done $0x0  }
0x175: {  	s3 =	rddreg [dreg:$0xb];
	[sflag:s9] =	ssyncadd.s32 $0xFFFFE000  }
0x176: {  	[hbm4b:s3+s1] =	stream.linear.scatter [tilespmem:s8], [sflag:$0x9], $0x2000, $0x38;
	[tilespmem:$0x1E800] =	vst v63  }
0x177: {  	_ =	swait.ge [sflag:s9], $0x2000  }
0x178: {  	[sflag:s9] =	ssyncset.done $0x0  }
0x179: {  	s4 =	rddreg [dreg:$0x18];
	[sflag:s9] =	ssyncadd.s32 $0xFFFFE000  }
0x17a: {  	[tilespmem:s8], [sflag:$0x9] =	stream.linear.gather [spmem:s4], $0x2000, $0x38;
	[tilespmem:$0x1E800] =	vst v63  }
0x17b: {  	_ =	swait.ge [sflag:s9], $0x2000  }
0x17c: {  	[sflag:s9] =	ssyncset.done $0x0  }
0x17d: {  	s3 =	rddreg [dreg:$0xc];
	[sflag:s9] =	ssyncadd.s32 $0xFFFFE000  }
0x17e: {  	[hbm4b:s3+s1] =	stream.linear.scatter [tilespmem:s8], [sflag:$0x9], $0x2000, $0x38;
	[tilespmem:$0x1E800] =	vst v63  }
0x17f: {  	_ =	swait.ge [sflag:s9], $0x2000  }
0x180: {  	[sflag:s9] =	ssyncset.done $0x0  }
0x181: {  	s4 =	rddreg [dreg:$0x19];
	[sflag:s9] =	ssyncadd.s32 $0xFFFFE000  }
0x182: {  	[tilespmem:s8], [sflag:$0x9] =	stream.linear.gather [spmem:s4], $0x2000, $0x38;
	[tilespmem:$0x1E800] =	vst v63  }
0x183: {  	_ =	swait.ge [sflag:s9], $0x2000  }
0x184: {  	[sflag:s9] =	ssyncset.done $0x0  }
0x185: {  	s3 =	rddreg [dreg:$0xd];
	[sflag:s9] =	ssyncadd.s32 $0xFFFFE000  }
0x186: {  	[hbm4b:s3+s1] =	stream.linear.scatter [tilespmem:s8], [sflag:$0x9], $0x2000, $0x38;
	[tilespmem:$0x1E800] =	vst v63  }
0x187: {  	_ =	swait.ge [sflag:s9], $0x2000  }
0x188: {  	[sflag:s9] =	ssyncset.done $0x0  }
0x189: {  	s4 =	rddreg [dreg:$0x1a];
	[sflag:s9] =	ssyncadd.s32 $0xFFFFE000  }
0x18a: {  	[tilespmem:s8], [sflag:$0x9] =	stream.linear.gather [spmem:s4], $0x2000, $0x38;
	[tilespmem:$0x1E800] =	vst v63  }
0x18b: {  	_ =	swait.ge [sflag:s9], $0x2000  }
0x18c: {  	[sflag:s9] =	ssyncset.done $0x0  }
0x18d: {  	s3 =	rddreg [dreg:$0xe];
	[sflag:s9] =	ssyncadd.s32 $0xFFFFE000  }
0x18e: {  	[hbm4b:s3+s1] =	stream.linear.scatter [tilespmem:s8], [sflag:$0x9], $0x2000, $0x38;
	[tilespmem:$0x1E800] =	vst v63  }
0x18f: {  	_ =	swait.ge [sflag:s9], $0x2000  }
0x190: {  	[sflag:s9] =	ssyncset.done $0x0  }
0x191: {  	s4 =	rddreg [dreg:$0x1b];
	[sflag:s9] =	ssyncadd.s32 $0xFFFFE000  }
0x192: {  	[tilespmem:s8], [sflag:$0x9] =	stream.linear.gather [spmem:s4], $0x2000, $0x38;
	[tilespmem:$0x1E800] =	vst v63  }
0x193: {  	_ =	swait.ge [sflag:s9], $0x2000  }
0x194: {  	[sflag:s9] =	ssyncset.done $0x0  }
0x195: {  	s3 =	rddreg [dreg:$0xf];
	[sflag:s9] =	ssyncadd.s32 $0xFFFFE000  }
0x196: {  	[hbm4b:s3+s1] =	stream.linear.scatter [tilespmem:s8], [sflag:$0x9], $0x2000, $0x38;
	[tilespmem:$0x1E800] =	vst v63  }
0x197: {  	_ =	swait.ge [sflag:s9], $0x2000  }
0x198: {  	s10 =	sadd.s32 $0x1, s10;
	s4 =	rddreg [dreg:$0x12]  }
0x199: {  	p0 =	sne.s32 s10, s4  }
.Ltmp3:
0x19a: {  	_ = 	snop;
	(pc) =	sbr.rel @p0 .LBB2_1-.Ltmp3, $3  }
0x19b: {  	_ =	sdelay $0x1  }
0x19c: {  	[sflag:s9] =	ssyncset.done $0x0  }
0x19d: {  	[sflag:s9] =	ssyncadd.s32 $0xFFFFE000  }
0x19e: {  	_ =	sfence.sel $0x180000  }
0x19f: {  	[bflag:$0x0] =	sbarrier.arrive $0xFFFF  }
0x1a0: {  	_ =	strace $0x9000004D  }
0x1a1: {  	s0 =	stileid.u32;
	[bflag:$0x2] =	sbarrier.arrive $0xFFFF  }
0x1a2: {  	p0 =	sne.s32 s0, $0x0;
	s0 =	rddreg [dreg:$0x3]  }
0x1a3: {  	s0 =	sadd.s32 @!p0 $0x100000, s0  }
0x1a4: {  	[sflag:s0] =	ssyncadd.tile.s32 @!p0 $0x1;
	_ =	shalt  }
.Lfunc_end2:
_tile_overlayer_lowered:
.L_overlay_start_2:
0x1a5: {  	(tag) =	ssettag $0x2  }
0x1a6: {  	s0 =	rddreg [dreg:$0x0];
	s2 =	stileid.u32  }
0x1a7: {  	s1 =	rddreg [dreg:$0x1];
	p0 =	sne.s32 s2, $0x0  }
0x1a8: {  	s3 =	rddreg [dreg:$0x2];
	[bflag:$0x3] =	sbarrier.arrive $0xFFFF;
	s2 =	simm.s32 @!p0 $0x1C09  }
0x1a9: {  	[timem:s3], [sflag:s2] =	dma.local @!p0 [hbm:s0], s1  }
0x1aa: {  	s0 =	simm.s32 @!p0 $0x9  }
0x1ab: {  	_ =	swait.ge @!p0 [sflag:s0], s1  }
0x1ac: {  	s1 =	ssub.s32 @!p0 $0x0, s1;
	[sflag:s0] =	ssyncset.done @!p0 $0x0  }
0x1ad: {  	[sflag:s0] =	ssyncadd.s32 @!p0 s1  }
0x1ae: {  	[bflag:$0x3] =	sbarrier.arrive $0xFFFF  }
0x1af: {  	_ =	shalt  }

// kernel: kernel.8.cloned.1.call-start
scs
__scs_entry_jumppad:
0x0: {  	(pc) =	sbr.rel $0x88, $3  }
0x1: {  	(tag) =	ssettag $0x0;
	lr =	simm.s32 $0x1  }
0x2: {  	[smem:$0x3F9B] =	sst lr;
	_ =	strace $0xD0000000  }
0x3: {  	_ = 	snop  }
0x4: {  	_ = 	snop  }
0x5: {  	_ = 	snop  }
0x6: {  	_ = 	snop  }
0x7: {  	_ = 	snop  }
__scs_overlays_trampoline_lowered:
0x8: {  	[smem:$0x3FAA] =	sst s0  }
0x9: {  	[smem:$0x3FAB] =	sst s1  }
0xa: {  	[smem:$0x3FAC] =	sst s2  }
0xb: {  	[smem:$0x3FAD] =	sst s3  }
0xc: {  	[smem:$0x3FAE] =	sst s4  }
0xd: {  	[smem:$0x3FAF] =	sst s5  }
0xe: {  	[smem:$0x3FB0] =	sst s6  }
0xf: {  	[smem:$0x3FB1] =	sst s7  }
0x10: {  	[smem:$0x3FB2] =	sst s8  }
0x11: {  	[smem:$0x3FB3] =	sst s9;
	s0 =	simm.s32 @!p0 $0x0  }
0x12: {  	s1 =	sld [smem:$0x3F99];
	s0 =	simm.s32 @p0 $0x1  }
0x13: {  	[smem:$0x3FB4] =	sst s0;
	s0 =	simm.s32 @!p1 $0x0  }
0x14: {  	s2 =	sld [smem:$0x3F98];
	s0 =	simm.s32 @p1 $0x1  }
0x15: {  	[smem:$0x3FB5] =	sst s0;
	s0 =	simm.s32 @!p2 $0x0  }
0x16: {  	s3 =	sld [smem:$0x3FDB];
	s0 =	simm.s32 @p2 $0x1  }
0x17: {  	s4 =	simm.s32 $0x1BF5;
	[smem:$0x3FB7] =	sst s0  }
0x18: {  	s0 =	sld [smem:$0x3F9A];
	_ =	swait.ge [sflag:s4], $0x0  }
0x19: {  	s7 =	sld [smem:$0x3F9B]  }
0x1a: {  	s8 =	sadd.s32 $0xFFFFE003, lr  }
0x1b: {  	s9 =	sadd.s32 $0xFFFFFEF7, lr;
	s5 =	simm.s32 $0xFFFFFFFF;
	p2 =	slt.u32 s8, $0xFFFFF086  }
0x1c: {  	p1 =	slt.u32 s9, $0xF7A;
	s5 =	simm.s32 @!p2 $0x0  }
0x1d: {  	s5 =	simm.s32 @p1 $0x1;
	p0 =	seq.s32 s7, s2  }
0x1e: {  	s7 =	smul.u32 @!p0 $0xF7A, s2;
	p2 =	seq.s32 @!p0 s5, $0x0  }
0x1f: {  	s9 =	smul.u32 $0xF7A, s1;
	s8 =	simm.s32 @!p0 $0x1BF5;
	p2 =	por !p2, p0  }
0x20: {  	[sflag:s8] =	ssyncset.s32 @!p0 $0xFFFFF086;
	s6 =	sadd.s32 @!p0 s3, s7;
	s7 =	simm.s32 @!p0 $0x108  }
0x21: {  	s3 =	sadd.s32 s3, s9;
	s6 =	sadd.s32 @!p0 $0x88, s6;
	s7 =	simm.s32 @p2 $0x1082  }
0x22: {  	[simem:s7], [sflag:s8] =	dma.local @!p0 [hbm:s6], $0xF7A  }
0x23: {  	s9 =	sor.u32 $0xD0000000, s2;
	s6 =	simm.s32 $0x108;
	_ =	swait.ge @!p0 [sflag:s8], $0x0  }
0x24: {  	s3 =	sadd.s32 $0x88, s3;
	s6 =	simm.s32 @!p1 $0x1082;
	[sflag:s4] =	ssyncset.s32 $0xFFFFF086  }
0x25: {  	[simem:s6], [sflag:s4] =	dma.local [hbm:s3], $0xF7A  }
0x26: {  	[smem:$0x3F9B] =	sst s1;
	(tag) =	ssettag s2;
	_ =	strace s9  }
0x27: {  	s1 =	sld [smem:$0x3FAB]  }
0x28: {  	s2 =	sld [smem:$0x3FAC]  }
0x29: {  	s4 =	sld [smem:$0x3FAE]  }
0x2a: {  	p0 =	seq.s32 s5, $0x0;
	s5 =	sld [smem:$0x3FAF]  }
0x2b: {  	s6 =	sld [smem:$0x3FB0]  }
0x2c: {  	s7 =	sld [smem:$0x3FB1]  }
0x2d: {  	s3 =	simm.s32 $0x108;
	s8 =	sld [smem:$0x3FB2]  }
0x2e: {  	s3 =	simm.s32 @!p0 $0x1082;
	s9 =	sld [smem:$0x3FB3]  }
0x2f: {  	lr =	sadd.s32 s0, s3;
	s0 =	sld [smem:$0x3FAA]  }
0x30: {  	s3 =	sld [smem:$0x3FAD]  }
0x31: {  	[smem:$0x3FB6] =	sst s10  }
0x32: {  	s10 =	sld [smem:$0x3FB4];
	_ =	sdelay $0x3  }
0x33: {  	p0 =	seq.s32 s10, $0x1;
	s10 =	sld [smem:$0x3FB6];
	_ =	sdelay $0x3  }
0x34: {  	[smem:$0x3FB6] =	sst s10  }
0x35: {  	s10 =	sld [smem:$0x3FB5];
	_ =	sdelay $0x3  }
0x36: {  	p1 =	seq.s32 s10, $0x1;
	s10 =	sld [smem:$0x3FB6];
	_ =	sdelay $0x3  }
0x37: {  	[smem:$0x3FB6] =	sst s10  }
0x38: {  	s10 =	sld [smem:$0x3FB7]  }
0x39: {  	_ = 	snop;
	(pc) =	sbr.ind lr, $3  }
0x3a: {  	_ = 	snop  }
0x3b: {  	_ = 	snop  }
0x3c: {  	p2 =	seq.s32 s10, $0x1;
	s10 =	sld [smem:$0x3FB6]  }
0x3d: {  	_ =	shalt  }
0x3e: {  	_ =	shalt  }
0x3f: {  	_ =	shalt  }
0x40: {  	_ =	shalt  }
0x41: {  	_ =	shalt  }
0x42: {  	_ =	shalt  }
0x43: {  	_ =	shalt  }
0x44: {  	_ =	shalt  }
0x45: {  	_ =	shalt  }
0x46: {  	_ =	shalt  }
0x47: {  	_ =	shalt  }
0x48: {  	_ =	shalt  }
0x49: {  	_ =	shalt  }
0x4a: {  	_ =	shalt  }
0x4b: {  	_ =	shalt  }
0x4c: {  	_ =	shalt  }
0x4d: {  	_ =	shalt  }
0x4e: {  	_ =	shalt  }
0x4f: {  	_ =	shalt  }
0x50: {  	_ =	shalt  }
0x51: {  	_ =	shalt  }
0x52: {  	_ =	shalt  }
0x53: {  	_ =	shalt  }
0x54: {  	_ =	shalt  }
0x55: {  	_ =	shalt  }
0x56: {  	_ =	shalt  }
0x57: {  	_ =	shalt  }
0x58: {  	_ =	shalt  }
0x59: {  	_ =	shalt  }
0x5a: {  	_ =	shalt  }
0x5b: {  	_ =	shalt  }
0x5c: {  	_ =	shalt  }
0x5d: {  	_ =	shalt  }
0x5e: {  	_ =	shalt  }
0x5f: {  	_ =	shalt  }
0x60: {  	_ =	shalt  }
0x61: {  	_ =	shalt  }
0x62: {  	_ =	shalt  }
0x63: {  	_ =	shalt  }
0x64: {  	_ =	shalt  }
0x65: {  	_ =	shalt  }
0x66: {  	_ =	shalt  }
0x67: {  	_ =	shalt  }
0x68: {  	_ =	shalt  }
0x69: {  	_ =	shalt  }
0x6a: {  	_ =	shalt  }
0x6b: {  	_ =	shalt  }
0x6c: {  	_ =	shalt  }
0x6d: {  	_ =	shalt  }
0x6e: {  	_ =	shalt  }
0x6f: {  	_ =	shalt  }
0x70: {  	_ =	shalt  }
0x71: {  	_ =	shalt  }
0x72: {  	_ =	shalt  }
0x73: {  	_ =	shalt  }
0x74: {  	_ =	shalt  }
0x75: {  	_ =	shalt  }
0x76: {  	_ =	shalt  }
0x77: {  	_ =	shalt  }
0x78: {  	_ =	shalt  }
0x79: {  	_ =	shalt  }
0x7a: {  	_ =	shalt  }
0x7b: {  	_ =	shalt  }
0x7c: {  	_ =	shalt  }
0x7d: {  	_ =	shalt  }
0x7e: {  	_ =	shalt  }
0x7f: {  	_ =	shalt  }
0x80: {  	_ =	shalt  }
0x81: {  	_ =	shalt  }
0x82: {  	_ =	shalt  }
0x83: {  	_ =	shalt  }
0x84: {  	_ =	shalt  }
0x85: {  	_ =	shalt  }
0x86: {  	_ =	shalt  }
0x87: {  	_ =	shalt  }
.Lfunc_end0:
.L_simem_size_0:
called_computation_lowered:
.L_overlay_start_0:
0x88: {  	s2 =	sld [smem:$0x3FD9]  }
0x89: {  	s3 =	sld [smem:$0x3FFE];
	_ =	sdelay $0x1  }
0x8a: {  	s1 =	srdreg.scid  }
0x8b: {  	s0 =	sand.u32 $0x1, s1  }
0x8c: {  	s17 =	sshll.u32 s0, $0xA;
	s2 =	sadd.s32 s3, s2  }
0x8d: {  	s2 =	sadd.s32 s2, s17  }
0x8e: {  	[smem:$0x3FC2] =	sst s2  }
0x8f: {  	_ = 	snop  }
0x90: {  	s2 =	sld [smem:$0x3FD0];
	(tm) =	ssettm $0x1  }
0x91: {  	s18 =	sld [smem:$0x3FFB];
	_ =	sdelay $0x3  }
0x92: {  	_ =	strace s18  }
0x93: {  	s3 =	sld [smem:$0x3FFC];
	_ =	sdelay $0x3  }
0x94: {  	_ =	strace s3  }
0x95: {  	s3 =	sld [smem:$0x3FFD];
	_ =	sdelay $0x3  }
0x96: {  	_ =	strace s3  }
0x97: {  	_ =	strace $0x8FFFFFFF  }
0x98: {  	s19 =	sld [smem:$0x3FDB];
	_ =	sdelay $0x1  }
0x99: {  	s4 =	simm.s32 $_scs_section_size  }
0x9a: {  	s5 =	simm.s32 $_size__tile_overlayer_lowered;
	s6 =	simm.s32 $_tile_overlayer_lowered  }
0x9b: {  	s22 =	simm.s32 $0x1BFF;
	s21 =	sshll.u32 s6, $0x1;
	s3 =	sadd.s32 s4, s19  }
0x9c: {  	s7 =	simm.s32 $0x0;
	s20 =	sshll.u32 s5, $0x1;
	s5 =	sadd.s32 s21, s3  }
0x9d: {  	[timem:s7], [sflag:s22] =	dma.local [hbm:s5], s20  }
0x9e: {  	_ =	swait.ge [sflag:s22], s20  }
0x9f: {  	s4 =	ssub.s32 $0x0, s20;
	[sflag:s22] =	ssyncset.done $0x0  }
0xa0: {  	[sflag:s22] =	ssyncadd.s32 s4;
	_ =	sdelay $0x1  }
0xa1: {  	s23 =	simm.s32 $0x1B8B  }
0xa2: {  	_ =	swait.ge [sflag:s23], $0x1  }
0xa3: {  	[sflag:s23] =	ssyncset.done $0x0  }
0xa4: {  	s25 =	simm.s32 $0x1B8E;
	s24 =	sld [smem:$0x3FFE];
	[sflag:s23] =	ssyncadd.s32 $0xFFFFFFFF  }
0xa5: {  	s26 =	simm.s32 $execute0_lowered;
	[smem:$0x3FD2] =	sst s25  }
0xa6: {  	s5 =	sshll.u32 s26, $0x1;
	_ =	strace $0x80000046;
	[dreg:$0x1] =	wrdreg $0xFFFFFFFF  }
0xa7: {  	s28 =	simm.s32 $_size_execute0_lowered;
	s3 =	sadd.s32 s3, s5;
	[dreg:$0x0] =	wrdreg $0x0  }
0xa8: {  	s5 =	sshll.u32 s28, $0x1;
	[dreg:$0x2] =	wrdreg s3  }
0xa9: {  	[dreg:$0x3] =	wrdreg s5  }
0xaa: {  	[dreg:$0x4] =	wrdreg $0xC0  }
0xab: {  	_ =	task [dreg:s7], $0x5FFFF  }
0xac: {  	[dreg:$0x1] =	wrdreg $0xFFFFFFFF  }
0xad: {  	[dreg:$0x0] =	wrdreg $0x60  }
0xae: {  	[dreg:$0x2] =	wrdreg s24  }
0xaf: {  	[dreg:$0x3] =	wrdreg s2  }
0xb0: {  	[dreg:$0x4] =	wrdreg $0x50800  }
0xb1: {  	[dreg:$0x5] =	wrdreg $0x9  }
0xb2: {  	_ =	task.clear_ibuf [dreg:s7], $0x6FFFF;
	_ =	strace $0x90000046  }
0xb3: {  	s29 =	simm.s32 $0x9;
	_ =	strace $0x80000048  }
0xb4: {  	_ =	swait.ge [sflag:s29], $0x1  }
0xb5: {  	[sflag:s29] =	ssyncadd.s32 $0xFFFFFFFF  }
0xb6: {  	_ =	strace $0x90000048  }
0xb7: {  	_ =	sfence  }
0xb8: {  	s30 =	sld [smem:$0x0];
	_ =	sdelay $0x2  }
0xb9: {  	s31 =	sshll.u32 s1, $0xD;
	s1 =	sshrl.u32 s1, $0x2  }
0xba: {  	s3 =	sand.u32 $0x4000, s31;
	s1 =	sadd.s32 s1, s30  }
0xbb: {  	s0 =	sor.u32 s3, s0;
	s1 =	sshll.u32 s1, $0x11  }
0xbc: {  	s0 =	sor.u32 s1, s0  }
0xbd: {  	s0 =	sadd.s32 $0x8F2B, s0  }
0xbe: {  	[sflag:s0] =	ssyncadd.remote.s32 $0x1  }
0xbf: {  	_ =	sfence.sel $0xFFFF  }
0xc0: {  	[dreg:$0x0] =	wrdreg $0xFFFFFFFF;
	(pc) =	sbr.abs _section_cstart, $3  }
0xc1: {  	[dreg:$0x1] =	wrdreg $0xFFFFFFFF  }
0xc2: {  	_ =	task.clear_ibuf [dreg:s7], $0x2FFFF;
	_ =	strace $0x9FFFFFFF  }
0xc3: {  	(tm) =	ssettm $0x7FFFFFFF  }
tec
execute0_lowered:
.L_overlay_start_1:
0x0: {  	(tag) =	ssettag $0x1  }
0x1: {  	s4 =	srdreg.scid  }
0x2: {  	s6 =	sand.u32 $0x1, s4  }
0x3: {  	p1 =	seq.s32 s6, $0x1  }
.Ltmp0:
0x4: {  	s3 =	rddreg [dreg:$0x0];
	(pc) =	sbr.rel @p1 .LBB2_8-.Ltmp0, $4  }
0x5: {  	s1 =	rddreg [dreg:$0x1]  }
0x6: {  	s2 =	rddreg [dreg:$0x2];
	s5 =	simm.s32 $0x0  }
0x7: {  	[smem:$0x7FF] =	sst s5;
	s4 =	stileid.u32  }
0x8: {  	s0 =	rddreg [dreg:$0x3];
	_ =	strace $0x80000047;
	p0 =	sne.s32 s4, $0x0  }
0x9: {  	v0 =	vimm.f32 $1.000000000e+00  }
0xa: {  	[tilespmem:$0x2800] =	vst v0  }
0xb: {  	[tilespmem:$0x2810] =	vst v0  }
0xc: {  	[tilespmem:$0x2820] =	vst v0  }
.Ltmp1:
0xd: {  	[tilespmem:$0x2830] =	vst v0;
	(pc) =	sbr.rel @p0 .LBB2_5-.Ltmp1, $4  }
0xe: {  	s4 =	smul.u32 $0x500, s4;
	[tilespmem:$0x2840] =	vst v0  }
0xf: {  	[tilespmem:$0x2850] =	vst v0  }
0x10: {  	[tilespmem:$0x2860] =	vst v0;
	s3 =	sadd.s32 s4, s3  }
0x11: {  	[tilespmem:$0x2870] =	vst v0;
	s3 =	sadd.s32 $0x2000, s3  }
0x12: {  	v0 =	vimm.f32 $0.0e+00;
	s4 =	simm.s32 $0x40;
	s5 =	simm.s32 $0x0  }
.LBB2_3:
0x13: {  	p1 =	sne.s32 s4, $0x9FC0;
	[tilespmem:s5+$0x2880] =	vst v0;
	s5 =	smov.u32 s4;
	s4 =	sadd.s32 $0x40, s4  }
.Ltmp2:
0x14: {  	(pc) =	sbr.rel @p1 .LBB2_3-.Ltmp2, $2  }
0x15: {  	_ =	sdelay $0x2  }
0x16: {  	s5 =	sshra.s32 s5, $0x2  }
0x17: {  	[tilespmem:s5+$0x2880] =	vst v0;
	s4 =	simm.s32 $0x2880;
	s31 =	simm.s32 $0x1  }
0x18: {  	[spmem:s2] =	stream.linear.scatter [tilespmem:s4], [sflag:$0x1], $0x2800, $0x38;
	[tilespmem:$0x5300] =	vst v63  }
0x19: {  	_ =	swait.ge [sflag:s31], $0x2800  }
0x1a: {  	[sflag:s31] =	ssyncset.done $0x0  }
0x1b: {  	[sflag:s31] =	ssyncadd.s32 $0xFFFFD800  }
.LBB2_5:
0x1c: {  	[bflag:$0x0] =	sbarrier.arrive $0xFFFF;
	s4 =	simm.s32 $0x0  }
0x1d: {  	[tilespmem:s4], [sflag:$0x1] =	stream.linear.gather [hbm4b:s3+s4], $0x2800, $0x38;
	[tilespmem:$0x5300] =	vst v63  }
0x1e: {  	s3 =	simm.s32 $0x1  }
0x1f: {  	_ =	swait.ge [sflag:s3], $0x2800  }
0x20: {  	s5 =	simm.s32 $0x2800;
	[sflag:s3] =	ssyncset.done $0x0  }
0x21: {  	s6 =	simm.s32 $0x0;
	s4 =	simm.s32 $0x80;
	[sflag:s3] =	ssyncadd.s32 $0xFFFFD800  }
0x22: {  	[spmem:s2] =	stream.indirect.scatter.add.f32 [tilespmem:s5], [sflag:$0x1], $0x1, s6, s4, $0xb8;
	[tilespmem:$0x5300] =	vst v63  }
0x23: {  	_ =	swait.ge [sflag:s3], $0x80  }
0x24: {  	s6 =	simm.s32 $0x200;
	[sflag:s3] =	ssyncset.done $0x0  }
.LBB2_6:
0x25: {  	s7 =	sshra.s32 s6, $0x2;
	[sflag:s3] =	ssyncadd.s32 $0xFFFFFF80;
	p1 =	sne.s32 s6, $0x9E00  }
0x26: {  	[spmem:s2] =	stream.indirect.scatter.add.f32 [tilespmem:s5], [sflag:$0x1], $0x1, s7, s4, $0xb8;
	[tilespmem:$0x5300] =	vst v63  }
.Ltmp3:
0x27: {  	_ = 	snop;
	(pc) =	sbr.rel @p1 .LBB2_6-.Ltmp3, $4  }
0x28: {  	_ = 	snop  }
0x29: {  	s6 =	sadd.s32 $0x200, s6  }
0x2a: {  	_ =	swait.ge [sflag:s3], $0x80  }
0x2b: {  	[sflag:s3] =	ssyncset.done $0x0  }
0x2c: {  	[sflag:s3] =	ssyncadd.s32 $0xFFFFFF80  }
0x2d: {  	s3 =	simm.s32 @!p0 $0x2880;
	[bflag:$0x0] =	sbarrier.arrive $0xFFFF  }
0x2e: {  	[tilespmem:s3], [sflag:$0x1] =	stream.linear.gather @!p0 [spmem:s2], $0x2710, $0x38;
	[tilespmem:$0x5300] =	vst v63  }
0x2f: {  	s2 =	simm.s32 @!p0 $0x1  }
0x30: {  	_ =	swait.ge @!p0 [sflag:s2], $0x2710  }
0x31: {  	[sflag:s2] =	ssyncset.done @!p0 $0x0  }
0x32: {  	s4 =	simm.s32 @!p0 $0x0;
	[sflag:s2] =	ssyncadd.s32 @!p0 $0xFFFFD8F0  }
0x33: {  	[hbm4b:s1+s4] =	stream.linear.scatter @!p0 [tilespmem:s3], [sflag:$0x1], $0x2710, $0x38;
	[tilespmem:$0x5300] =	vst v63  }
0x34: {  	_ =	swait.ge @!p0 [sflag:s2], $0x2710  }
0x35: {  	[sflag:s2] =	ssyncset.done @!p0 $0x0  }
0x36: {  	[sflag:s2] =	ssyncadd.s32 @!p0 $0xFFFFD8F0  }
.LBB2_8:
0x37: {  	_ =	sfence.sel $0x180000  }
0x38: {  	[bflag:$0x0] =	sbarrier.arrive $0xFFFF  }
0x39: {  	_ =	strace $0x90000047  }
0x3a: {  	s0 =	sadd.s32 @!p0 $0x100000, s0;
	[bflag:$0x2] =	sbarrier.arrive $0xFFFF  }
0x3b: {  	[sflag:s0] =	ssyncadd.tile.s32 @!p0 $0x1;
	_ =	shalt  }
.Lfunc_end2:
_tile_overlayer_lowered:
.L_overlay_start_2:
0x3c: {  	(tag) =	ssettag $0x2  }
0x3d: {  	s0 =	rddreg [dreg:$0x0];
	s2 =	stileid.u32  }
0x3e: {  	s1 =	rddreg [dreg:$0x1];
	p0 =	sne.s32 s2, $0x0  }
0x3f: {  	s3 =	rddreg [dreg:$0x2];
	[bflag:$0x3] =	sbarrier.arrive $0xFFFF;
	s2 =	simm.s32 @!p0 $0x1C01  }
0x40: {  	[timem:s3], [sflag:s2] =	dma.local @!p0 [hbm:s0], s1  }
0x41: {  	s0 =	simm.s32 @!p0 $0x1  }
0x42: {  	_ =	swait.ge @!p0 [sflag:s0], s1  }
0x43: {  	s1 =	ssub.s32 @!p0 $0x0, s1;
	[sflag:s0] =	ssyncset.done @!p0 $0x0  }
0x44: {  	[sflag:s0] =	ssyncadd.s32 @!p0 s1  }
0x45: {  	[bflag:$0x3] =	sbarrier.arrive $0xFFFF  }
0x46: {  	_ =	shalt  }

</sc_bundles>
